<compile_context>
chip_gen: v7x
topology: tpu7x:2x2x1
jax: 0.10.2.dev20260603
libtpu: 0.0.44.dev20260713+nightly
codegen_flags: <defaults>
</compile_context>

<pallas_src>
import functools

import jax
import jax.numpy as jnp
from jax import lax
from jax.experimental import pallas as pl
from jax.experimental.pallas import tpu as pltpu
from jax.experimental.pallas import tpu_sc as plsc

_N = 10000
_E = 320000
_D = 128
_G = 64
_CW = 8
_NSC = 2
_NSUB = 16
_NW = _NSC * _NSUB
_CH = 128
_NT = _E // _CH
_TPW = _NT // _NW
_STG = 40
_NPAD = 10000
_RPT = _NPAD // _NSUB
_RB = 2000
_CB = _RB * _CW // 128


def _edge_pipeline(table, ev, rows, rows2, acc, sem, sem2, cacc, onesb,
                   first, count):
    def scat(buf, a):
        pltpu.sync_copy(buf, acc.at[ev.at[a, 1]], add=True)
        if cacc is not None:
            pltpu.sync_copy(onesb, cacc.at[ev.at[a, 1]], add=True)

    pltpu.async_copy(table.at[ev.at[first, 0]], rows, sem)

    def pairbody(i, carry):
        a = first + 2 * i
        pltpu.make_async_copy(table.at[ev.at[a, 0]], rows, sem).wait()
        pltpu.async_copy(table.at[ev.at[a + 1, 0]], rows2, sem2)
        scat(rows, a)
        pltpu.make_async_copy(table.at[ev.at[a + 1, 0]], rows2, sem2).wait()
        pltpu.async_copy(table.at[ev.at[a + 2, 0]], rows, sem)
        scat(rows2, a + 1)
        return carry

    lax.fori_loop(0, count // 2 - 1, pairbody, 0)
    a = first + count - 2
    pltpu.make_async_copy(table.at[ev.at[a, 0]], rows, sem).wait()
    pltpu.async_copy(table.at[ev.at[a + 1, 0]], rows2, sem2)
    scat(rows, a)
    pltpu.make_async_copy(table.at[ev.at[a + 1, 0]], rows2, sem2).wait()
    scat(rows2, a + 1)


def _sc_agg_common(table, et, rows, rows2, ev, acc, sem, sem2,
                   cacc=None, onesb=None):
    c = lax.axis_index("c")
    s = lax.axis_index("s")
    wid = c * _NSUB + s
    s0 = _TPW * wid

    pltpu.sync_copy(et.at[pl.ds(s0, _STG)], ev)
    _edge_pipeline(table, ev, rows, rows2, acc, sem, sem2, cacc, onesb,
                   0, _STG)
    pltpu.sync_copy(et.at[pl.ds(s0 + _TPW - _STG, _STG)], ev)
    _edge_pipeline(table, ev, rows, rows2, acc, sem, sem2, cacc, onesb,
                   2 * _STG - _TPW, _TPW - _STG)

    @pl.when(wid < _NT - _TPW * _NW)
    def _remainder():
        pltpu.sync_copy(et.at[pl.ds(_TPW * _NW + wid, 1)],
                        ev.at[pl.ds(0, 1)])
        pltpu.async_copy(table.at[ev.at[0, 0]], rows, sem).wait()
        pltpu.sync_copy(rows, acc.at[ev.at[0, 1]], add=True)
        if cacc is not None:
            pltpu.sync_copy(onesb, cacc.at[ev.at[0, 1]], add=True)


def _sc_agg1_body(table, et, zeros, zerosc, ones, outp, outc,
                  ev, rows, rows2, onesb, acc, cacc, sem, sem2):
    c = lax.axis_index("c")
    s = lax.axis_index("s")
    pltpu.sync_copy(ones, onesb)
    pltpu.sync_copy(zeros, acc.at[pl.ds(s * _RPT, _RPT)])
    pltpu.sync_copy(zerosc, cacc.at[pl.ds(s * _RPT, _RPT)])
    plsc.subcore_barrier()
    _sc_agg_common(table, et, rows, rows2, ev, acc, sem, sem2, cacc, onesb)
    plsc.subcore_barrier()
    pltpu.sync_copy(acc.at[pl.ds(s * _RPT, _RPT)],
                    outp.at[c, pl.ds(s * _RPT, _RPT)])
    pltpu.sync_copy(cacc.at[pl.ds(s * _RPT, _RPT)],
                    outc.at[c, pl.ds(s * _RPT, _RPT)])


def _sc_agg2_body(table, et, zeros, outp, ev, rows, rows2, acc, sem, sem2):
    c = lax.axis_index("c")
    s = lax.axis_index("s")
    pltpu.sync_copy(zeros, acc.at[pl.ds(s * _RPT, _RPT)])
    plsc.subcore_barrier()
    _sc_agg_common(table, et, rows, rows2, ev, acc, sem, sem2)
    plsc.subcore_barrier()
    pltpu.sync_copy(acc.at[pl.ds(s * _RPT, _RPT)],
                    outp.at[c, pl.ds(s * _RPT, _RPT)])


_SC_MESH = dict(core_axis_name="c", subcore_axis_name="s",
                num_cores=_NSC, num_subcores=_NSUB)


@functools.cache
def _sc_agg1():
    return pl.kernel(
        _sc_agg1_body,
        out_type=(
            jax.ShapeDtypeStruct((_NSC, _NPAD, _D), jnp.float32),
            jax.ShapeDtypeStruct((_NSC, _NPAD, _CW), jnp.float32),
        ),
        mesh=plsc.VectorSubcoreMesh(**_SC_MESH),
        scratch_types=[
            pltpu.VMEM((_STG, 2, _CH), jnp.int32),
            pltpu.VMEM((_CH, _D), jnp.float32),
            pltpu.VMEM((_CH, _D), jnp.float32),
            pltpu.VMEM((_CH, _CW), jnp.float32),
            pltpu.VMEM_SHARED((_NPAD, _D), jnp.float32),
            pltpu.VMEM_SHARED((_NPAD, _CW), jnp.float32),
            pltpu.SemaphoreType.DMA,
            pltpu.SemaphoreType.DMA,
        ],
        compiler_params=pltpu.CompilerParams(use_tc_tiling_on_sc=False),
    )


@functools.cache
def _sc_agg2():
    return pl.kernel(
        _sc_agg2_body,
        out_type=jax.ShapeDtypeStruct((_NSC, _NPAD, _D), jnp.float32),
        mesh=plsc.VectorSubcoreMesh(**_SC_MESH),
        scratch_types=[
            pltpu.VMEM((_STG, 2, _CH), jnp.int32),
            pltpu.VMEM((_CH, _D), jnp.float32),
            pltpu.VMEM((_CH, _D), jnp.float32),
            pltpu.VMEM_SHARED((_NPAD, _D), jnp.float32),
            pltpu.SemaphoreType.DMA,
            pltpu.SemaphoreType.DMA,
        ],
        compiler_params=pltpu.CompilerParams(use_tc_tiling_on_sc=False),
    )


def _sage_dense(parts, cnts, xin, wl, wr, b):
    ssum = parts[0] + parts[1]
    inv_small = 1.0 / jnp.maximum(cnts[0, 0] + cnts[1, 0], 1.0)
    pick = (lax.broadcasted_iota(jnp.int32, (_RB, _CB), 0) // 16
            == lax.broadcasted_iota(jnp.int32, (_RB, _CB), 1))
    rows = jnp.dot(pick.astype(jnp.float32), inv_small,
                   preferred_element_type=jnp.float32)
    lane = (lax.broadcasted_iota(jnp.int32, (_RB, 128), 1)
            == _CW * (lax.broadcasted_iota(jnp.int32, (_RB, 128), 0) % 16))
    inv = jnp.sum(jnp.where(lane, rows, 0.0), axis=1, keepdims=True)
    mean = ssum * inv
    dn = (((1,), (1,)), ((), ()))
    acc = lax.dot_general(mean, wl, dn, preferred_element_type=jnp.float32)
    acc = acc + b
    acc = acc + lax.dot_general(xin, wr, dn, preferred_element_type=jnp.float32)
    return jnp.maximum(acc, 0.0)


def _dense_body(parts_ref, cnt_ref, x_ref, wl_ref, wr_ref, b_ref, o_ref):
    o_ref[...] = _sage_dense(parts_ref[...], cnt_ref[...], x_ref[...],
                             wl_ref[...], wr_ref[...], b_ref[...])


_dense1 = pl.pallas_call(
    _dense_body,
    grid=(_N // _RB,),
    in_specs=[
        pl.BlockSpec((_NSC, _RB, _D), lambda i: (0, i, 0)),
        pl.BlockSpec((_NSC, 1, _CB, 128), lambda i: (0, i, 0, 0)),
        pl.BlockSpec((_RB, _D), lambda i: (i, 0)),
        pl.BlockSpec((_D, _D), lambda i: (0, 0)),
        pl.BlockSpec((_D, _D), lambda i: (0, 0)),
        pl.BlockSpec((1, _D), lambda i: (0, 0)),
    ],
    out_specs=pl.BlockSpec((_RB, _D), lambda i: (i, 0)),
    out_shape=jax.ShapeDtypeStruct((_N, _D), jnp.float32),
)


def _final_body(parts_ref, cnt_ref, h_ref, b3_ref, wl_ref, wr_ref, b_ref,
                gamma_ref, beta_ref, wout_ref, bout_ref, o_ref, pooled):
    i = pl.program_id(0)
    h2 = _sage_dense(parts_ref[...], cnt_ref[...], h_ref[...],
                     wl_ref[...], wr_ref[...], b_ref[...])
    brow = b3_ref[...].reshape(1, _RB)
    ohT = (lax.broadcasted_iota(jnp.int32, (_G, _RB), 0)
           == jnp.broadcast_to(brow, (_G, _RB))).astype(jnp.float32)
    contrib = jnp.dot(ohT, h2, preferred_element_type=jnp.float32)

    @pl.when(i == 0)
    def _init():
        pooled[...] = jnp.zeros((_G, _D), jnp.float32)

    pooled[...] += contrib

    @pl.when(i == pl.num_programs(0) - 1)
    def _finish():
        pg = pooled[...]
        mu = jnp.mean(pg, axis=1, keepdims=True)
        var = jnp.mean((pg - mu) ** 2, axis=1, keepdims=True)
        normed = gamma_ref[...] * (pg - mu) * lax.rsqrt(var + 1e-5) \
            + beta_ref[...]
        dn = (((1,), (1,)), ((), ()))
        o_ref[...] = lax.dot_general(
            normed, wout_ref[...], dn,
            preferred_element_type=jnp.float32) + bout_ref[...]


_final = pl.pallas_call(
    _final_body,
    grid=(_N // _RB,),
    in_specs=[
        pl.BlockSpec((_NSC, _RB, _D), lambda i: (0, i, 0)),
        pl.BlockSpec((_NSC, 1, _CB, 128), lambda i: (0, i, 0, 0)),
        pl.BlockSpec((_RB, _D), lambda i: (i, 0)),
        pl.BlockSpec((1, 1, _RB), lambda i: (i, 0, 0)),
        pl.BlockSpec((_D, _D), lambda i: (0, 0)),
        pl.BlockSpec((_D, _D), lambda i: (0, 0)),
        pl.BlockSpec((1, _D), lambda i: (0, 0)),
        pl.BlockSpec((1, _D), lambda i: (0, 0)),
        pl.BlockSpec((1, _D), lambda i: (0, 0)),
        pl.BlockSpec((_D, _D), lambda i: (0, 0)),
        pl.BlockSpec((1, _D), lambda i: (0, 0)),
    ],
    out_specs=pl.BlockSpec((_G, _D), lambda i: (0, 0)),
    out_shape=jax.ShapeDtypeStruct((_G, _D), jnp.float32),
    scratch_shapes=[pltpu.VMEM((_G, _D), jnp.float32)],
)


@jax.jit
def kernel(x, edge_index, batch, W1_l, b1_l, W1_r, W2_l, b2_l, W2_r,
           gamma, beta, W_out, b_out):
    et = edge_index.reshape(2, _NT, _CH).transpose(1, 0, 2)
    batch3 = batch.reshape(_N // _RB, 1, _RB)
    zeros = jnp.zeros((_RPT, _D), jnp.float32)
    zerosc = jnp.zeros((_RPT, _CW), jnp.float32)
    ones = jnp.ones((_CH, _CW), jnp.float32)
    b1 = b1_l.reshape(1, _D)
    b2 = b2_l.reshape(1, _D)
    ga = gamma.reshape(1, _D)
    be = beta.reshape(1, _D)
    bo = b_out.reshape(1, _D)

    parts1, cnts = _sc_agg1()(x, et, zeros, zerosc, ones)
    cnt_view = cnts.reshape(_NSC, _N // _RB, _CB, 128)
    h1 = _dense1(parts1, cnt_view, x, W1_l, W1_r, b1)
    parts2 = _sc_agg2()(h1, et, zeros)
    return _final(parts2, cnt_view, h1, batch3, W2_l, W2_r, b2, ga, be,
                  W_out, bo)

# --- scband reference (transcript-rebuilt; emitter-appended) ---
"""Pipeline reference for scband-sage2-20315195310685 (READ-ONLY COPY).

The authoritative reference and input builder live on the scoring server;
editing this copy changes nothing except your own understanding.
"""

import jax, jax.numpy as jnp
import numpy as np

N = 10000
E = 320000
D = 128
H = 128
O = 128
G = 64


def _glorot(key, shape):
    fan_in = shape[1]
    return jax.random.normal(key, shape, dtype=jnp.float32) / jnp.sqrt(fan_in)


def setup_inputs(seed: int = 0) -> dict:
    key = jax.random.key(seed)
    ks = jax.random.split(key, 16)
    inp = {}
    inp["x"] = jax.random.normal(ks[0], (N, D), dtype=jnp.float32)
    inp["edge_index"] = jax.random.randint(ks[1], (2, E), 0, N, dtype=jnp.int32)
    inp["batch"] = jnp.sort(jax.random.randint(ks[2], (N,), 0, G, dtype=jnp.int32))
    # SAGEConv1: lin_l (applied to aggregated neighbors, with bias), lin_r (root, no bias)
    inp["W1_l"] = _glorot(ks[3], (H, D))
    inp["b1_l"] = jnp.zeros((H,), dtype=jnp.float32)
    inp["W1_r"] = _glorot(ks[4], (H, D))
    # SAGEConv2
    inp["W2_l"] = _glorot(ks[5], (H, H))
    inp["b2_l"] = jnp.zeros((H,), dtype=jnp.float32)
    inp["W2_r"] = _glorot(ks[6], (H, H))
    # LayerNorm
    inp["gamma"] = jnp.ones((H,), dtype=jnp.float32)
    inp["beta"] = jnp.zeros((H,), dtype=jnp.float32)
    # Final Linear
    inp["W_out"] = _glorot(ks[7], (O, H))
    inp["b_out"] = jnp.zeros((O,), dtype=jnp.float32)
    return inp


def _sage_conv(x, edge_index, W_l, b_l, W_r):
    src = edge_index[0]
    dst = edge_index[1]
    msgs = jnp.take(x, src, axis=0)
    summed = jax.ops.segment_sum(msgs, dst, num_segments=N)
    cnt = jax.ops.segment_sum(jnp.ones((edge_index.shape[1],), dtype=x.dtype), dst, num_segments=N)
    mean = summed / jnp.clip(cnt, 1.0)[:, None]
    return mean @ W_l.T + b_l + x @ W_r.T


def _layer_norm(x, gamma, beta, eps=1e-5):
    mu = jnp.mean(x, axis=-1, keepdims=True)
    var = jnp.mean((x - mu) ** 2, axis=-1, keepdims=True)
    return gamma * (x - mu) / jnp.sqrt(var + eps) + beta


def reference(x, edge_index, batch, W1_l, b1_l, W1_r, W2_l, b2_l, W2_r, gamma, beta, W_out, b_out):
    h = jax.nn.relu(_sage_conv(x, edge_index, W1_l, b1_l, W1_r))
    h = jax.nn.relu(_sage_conv(h, edge_index, W2_l, b2_l, W2_r))
    pooled = jax.ops.segment_sum(h, batch, num_segments=G)
    out = _layer_norm(pooled, gamma, beta) @ W_out.T + b_out
    return out

if __name__ == "__main__":
    import jax
    _d = setup_inputs()
    print(jax.jit(kernel)(*tuple(_d.values())))

</pallas_src>

<mosaic_0001>
#map = affine_map<(d0, d1) -> (0, 0)>
#map1 = affine_map<(d0, d1) -> (0, 0, 0)>
module attributes {stable_mosaic.version = 14 : i64} {
  func.func @_sc_agg1_body(%arg0: i32, %arg1: i32, %arg2: memref<10000x128xf32, #tpu.memory_space<hbm>>, %arg3: memref<2500x2x128xi32, #tpu.memory_space<hbm>>, %arg4: memref<625x128xf32, #tpu.memory_space<hbm>>, %arg5: memref<625x8xf32, #tpu.memory_space<hbm>>, %arg6: memref<128x8xf32, #tpu.memory_space<hbm>>, %arg7: memref<2x10000x128xf32, #tpu.memory_space<hbm>>, %arg8: memref<2x10000x8xf32, #tpu.memory_space<hbm>>, %arg9: memref<40x2x128xi32, #tpu.memory_space<vmem>>, %arg10: memref<128x128xf32, #tpu.memory_space<vmem>>, %arg11: memref<128x128xf32, #tpu.memory_space<vmem>>, %arg12: memref<128x8xf32, #tpu.memory_space<vmem>>, %arg13: memref<10000x128xf32, #tpu.memory_space<vmem_shared>>, %arg14: memref<10000x8xf32, #tpu.memory_space<vmem_shared>>, %arg15: memref<!tpu.dma_semaphore, #tpu.memory_space<semaphore_mem>>, %arg16: memref<!tpu.dma_semaphore, #tpu.memory_space<semaphore_mem>>) attributes {dimension_semantics = [#tpu.dimension_semantics<core_parallel>, #tpu.dimension_semantics<subcore_parallel>], iteration_bounds = array<i64: 2, 16>, scalar_prefetch = 0 : i64, scratch_operands = 8 : i64, tpu.core_type = #tpu.core_type<sc_vector_subcore>, window_params = [{transform_indices = #map}, {transform_indices = #map1}, {transform_indices = #map}, {transform_indices = #map}, {transform_indices = #map}, {transform_indices = #map1}, {transform_indices = #map1}]} {
    "tpu.region"() ({
      %run_scoped3A_109 = tpu.sem_alloc : memref<!tpu.dma_semaphore, #tpu.memory_space<semaphore_mem>>
      tpu.enqueue_dma source(%arg6 : memref<128x8xf32, #tpu.memory_space<hbm>>) target(%arg12 : memref<128x8xf32, #tpu.memory_space<vmem>>) target_semaphore(%run_scoped3A_109 : memref<!tpu.dma_semaphore, #tpu.memory_space<semaphore_mem>>)
      tpu.wait_dma2 semaphore(%run_scoped3A_109 : memref<!tpu.dma_semaphore, #tpu.memory_space<semaphore_mem>>) src(%arg6 : memref<128x8xf32, #tpu.memory_space<hbm>>) dst(%arg12 : memref<128x8xf32, #tpu.memory_space<vmem>>)
      tpu.yield
    }) : () -> ()
    %mul3A = arith.constant 625 : i32
    %mul3A_0 = arith.muli %arg1, %mul3A : i32
    "tpu.region"() ({
      %run_scoped3A_109 = tpu.sem_alloc : memref<!tpu.dma_semaphore, #tpu.memory_space<semaphore_mem>>
      %dma_start3A_110 = arith.constant 0 : i32
      %dma_start3A_111 = tpu.memref_slice %arg13[%mul3A_0, %dma_start3A_110] : memref<10000x128xf32, #tpu.memory_space<vmem_shared>> -> memref<625x128xf32, #tpu.memory_space<vmem_shared>>
      tpu.enqueue_dma source(%arg4 : memref<625x128xf32, #tpu.memory_space<hbm>>) target(%dma_start3A_111 : memref<625x128xf32, #tpu.memory_space<vmem_shared>>) target_semaphore(%run_scoped3A_109 : memref<!tpu.dma_semaphore, #tpu.memory_space<semaphore_mem>>)
      %dma_wait3A_112 = arith.constant 0 : i32
      %dma_wait3A_113 = tpu.memref_slice %arg13[%mul3A_0, %dma_wait3A_112] : memref<10000x128xf32, #tpu.memory_space<vmem_shared>> -> memref<625x128xf32, #tpu.memory_space<vmem_shared>>
      tpu.wait_dma2 semaphore(%run_scoped3A_109 : memref<!tpu.dma_semaphore, #tpu.memory_space<semaphore_mem>>) src(%arg4 : memref<625x128xf32, #tpu.memory_space<hbm>>) dst(%dma_wait3A_113 : memref<625x128xf32, #tpu.memory_space<vmem_shared>>)
      tpu.yield
    }) : () -> ()
    %mul3A_1 = arith.constant 625 : i32
    %mul3A_2 = arith.muli %arg1, %mul3A_1 : i32
    "tpu.region"() ({
      %run_scoped3A_109 = tpu.sem_alloc : memref<!tpu.dma_semaphore, #tpu.memory_space<semaphore_mem>>
      %dma_start3A_110 = arith.constant 0 : i32
      %dma_start3A_111 = tpu.memref_slice %arg14[%mul3A_2, %dma_start3A_110] : memref<10000x8xf32, #tpu.memory_space<vmem_shared>> -> memref<625x8xf32, #tpu.memory_space<vmem_shared>>
      tpu.enqueue_dma source(%arg5 : memref<625x8xf32, #tpu.memory_space<hbm>>) target(%dma_start3A_111 : memref<625x8xf32, #tpu.memory_space<vmem_shared>>) target_semaphore(%run_scoped3A_109 : memref<!tpu.dma_semaphore, #tpu.memory_space<semaphore_mem>>)
      %dma_wait3A_112 = arith.constant 0 : i32
      %dma_wait3A_113 = tpu.memref_slice %arg14[%mul3A_2, %dma_wait3A_112] : memref<10000x8xf32, #tpu.memory_space<vmem_shared>> -> memref<625x8xf32, #tpu.memory_space<vmem_shared>>
      tpu.wait_dma2 semaphore(%run_scoped3A_109 : memref<!tpu.dma_semaphore, #tpu.memory_space<semaphore_mem>>) src(%arg5 : memref<625x8xf32, #tpu.memory_space<hbm>>) dst(%dma_wait3A_113 : memref<625x8xf32, #tpu.memory_space<vmem_shared>>)
      tpu.yield
    }) : () -> ()
    %barrier3A = arith.constant 0 : index
    tpu.barrier barrier_id(%barrier3A)
    %mul3A_3 = arith.constant 16 : i32
    %mul3A_4 = arith.muli %arg0, %mul3A_3 : i32
    %add3A = arith.addi %mul3A_4, %arg1 : i32
    %mul3A_5 = arith.constant 78 : i32
    %mul3A_6 = arith.muli %mul3A_5, %add3A : i32
    "tpu.region"() ({
      %run_scoped3A_109 = tpu.sem_alloc : memref<!tpu.dma_semaphore, #tpu.memory_space<semaphore_mem>>
      %dma_start3A_110 = arith.constant 0 : i32
      %dma_start3A_111 = arith.constant 0 : i32
      %dma_start3A_112 = tpu.memref_slice %arg3[%mul3A_6, %dma_start3A_110, %dma_start3A_111] : memref<2500x2x128xi32, #tpu.memory_space<hbm>> -> memref<40x2x128xi32, #tpu.memory_space<hbm>>
      %dma_start3A_113 = arith.constant 0 : i32
      %dma_start3A_114 = arith.constant 0 : i32
      %dma_start3A_115 = tpu.memref_slice %arg3[%mul3A_6, %dma_start3A_113, %dma_start3A_114] : memref<2500x2x128xi32, #tpu.memory_space<hbm>> -> memref<40x2x128xi32, #tpu.memory_space<hbm>>
      tpu.enqueue_dma source(%dma_start3A_115 : memref<40x2x128xi32, #tpu.memory_space<hbm>>) target(%arg9 : memref<40x2x128xi32, #tpu.memory_space<vmem>>) target_semaphore(%run_scoped3A_109 : memref<!tpu.dma_semaphore, #tpu.memory_space<semaphore_mem>>)
      %dma_wait3A_116 = arith.constant 0 : i32
      %dma_wait3A_117 = arith.constant 0 : i32
      %dma_wait3A_118 = tpu.memref_slice %arg3[%mul3A_6, %dma_wait3A_116, %dma_wait3A_117] : memref<2500x2x128xi32, #tpu.memory_space<hbm>> -> memref<40x2x128xi32, #tpu.memory_space<hbm>>
      %dma_wait3A_119 = arith.constant 0 : i32
      %dma_wait3A_120 = arith.constant 0 : i32
      %dma_wait3A_121 = tpu.memref_slice %arg3[%mul3A_6, %dma_wait3A_119, %dma_wait3A_120] : memref<2500x2x128xi32, #tpu.memory_space<hbm>> -> memref<40x2x128xi32, #tpu.memory_space<hbm>>
      tpu.wait_dma2 semaphore(%run_scoped3A_109 : memref<!tpu.dma_semaphore, #tpu.memory_space<semaphore_mem>>) src(%dma_wait3A_121 : memref<40x2x128xi32, #tpu.memory_space<hbm>>) dst(%arg9 : memref<40x2x128xi32, #tpu.memory_space<vmem>>)
      tpu.yield
    }) : () -> ()
    %dma_start3A = arith.constant 0 : i32
    %dma_start3A_7 = arith.constant 0 : i32
    %dma_start3A_8 = arith.constant 0 : i32
    %dma_start3A_9 = tpu.memref_slice %arg9[%dma_start3A, %dma_start3A_7, %dma_start3A_8] : memref<40x2x128xi32, #tpu.memory_space<vmem>> -> memref<1x1x128xi32, #tpu.memory_space<vmem>>
    %dma_start3A_10 = tpu.memref_squeeze %dma_start3A_9 : memref<1x1x128xi32, #tpu.memory_space<vmem>> -> memref<128xi32, #tpu.memory_space<vmem>>
    %dma_start3A_11 = arith.constant 0 : i32
    %dma_start3A_12 = arith.constant 0 : i32
    %dma_start3A_13 = tpu.memref_slice %arg2[%dma_start3A_11, %dma_start3A_12] : memref<10000x128xf32, #tpu.memory_space<hbm>> -> memref<10000x128xf32, #tpu.memory_space<hbm>>
    tpu.enqueue_indirect_dma source(%dma_start3A_13 : memref<10000x128xf32, #tpu.memory_space<hbm>>) target(%arg10 : memref<128x128xf32, #tpu.memory_space<vmem>>) offsets(%dma_start3A_10 : memref<128xi32, #tpu.memory_space<vmem>>) semaphore(%arg15 : memref<!tpu.dma_semaphore, #tpu.memory_space<semaphore_mem>>)
    %scan3A = arith.constant 0 : i32
    %scan3A_14 = arith.constant 0 : i32
    %scan3A_15 = arith.constant 19 : i32
    %scan3A_16 = arith.addi %scan3A_14, %scan3A_15 : i32
    %scan3A_17 = arith.constant 1 : i32
    scf.for %scan3A_109 = %scan3A_14 to %scan3A_16 step %scan3A_17  : i32 {
      %mul3A_110 = arith.constant 2 : i32
      %mul3A_111 = arith.muli %mul3A_110, %scan3A_109 : i32
      %add3A_112 = arith.constant 0 : i32
      %add3A_113 = arith.addi %add3A_112, %mul3A_111 : i32
      %dma_wait3A_114 = arith.constant 0 : i32
      %dma_wait3A_115 = arith.constant 0 : i32
      %dma_wait3A_116 = tpu.memref_slice %arg9[%add3A_113, %dma_wait3A_114, %dma_wait3A_115] : memref<40x2x128xi32, #tpu.memory_space<vmem>> -> memref<1x1x128xi32, #tpu.memory_space<vmem>>
      %dma_wait3A_117 = tpu.memref_squeeze %dma_wait3A_116 : memref<1x1x128xi32, #tpu.memory_space<vmem>> -> memref<128xi32, #tpu.memory_space<vmem>>
      %dma_wait3A_118 = arith.constant 0 : i32
      %dma_wait3A_119 = arith.constant 0 : i32
      %dma_wait3A_120 = tpu.memref_slice %arg2[%dma_wait3A_118, %dma_wait3A_119] : memref<10000x128xf32, #tpu.memory_space<hbm>> -> memref<10000x128xf32, #tpu.memory_space<hbm>>
      tpu.wait_indirect_dma semaphore(%arg15 : memref<!tpu.dma_semaphore, #tpu.memory_space<semaphore_mem>>) src(%dma_wait3A_120 : memref<10000x128xf32, #tpu.memory_space<hbm>>) dst(%arg10 : memref<128x128xf32, #tpu.memory_space<vmem>>)
      %add3A_121 = arith.constant 1 : i32
      %add3A_122 = arith.addi %add3A_113, %add3A_121 : i32
      %dma_start3A_123 = arith.constant 0 : i32
      %dma_start3A_124 = arith.constant 0 : i32
      %dma_start3A_125 = tpu.memref_slice %arg9[%add3A_122, %dma_start3A_123, %dma_start3A_124] : memref<40x2x128xi32, #tpu.memory_space<vmem>> -> memref<1x1x128xi32, #tpu.memory_space<vmem>>
      %dma_start3A_126 = tpu.memref_squeeze %dma_start3A_125 : memref<1x1x128xi32, #tpu.memory_space<vmem>> -> memref<128xi32, #tpu.memory_space<vmem>>
      %dma_start3A_127 = arith.constant 0 : i32
      %dma_start3A_128 = arith.constant 0 : i32
      %dma_start3A_129 = tpu.memref_slice %arg2[%dma_start3A_127, %dma_start3A_128] : memref<10000x128xf32, #tpu.memory_space<hbm>> -> memref<10000x128xf32, #tpu.memory_space<hbm>>
      tpu.enqueue_indirect_dma source(%dma_start3A_129 : memref<10000x128xf32, #tpu.memory_space<hbm>>) target(%arg11 : memref<128x128xf32, #tpu.memory_space<vmem>>) offsets(%dma_start3A_126 : memref<128xi32, #tpu.memory_space<vmem>>) semaphore(%arg16 : memref<!tpu.dma_semaphore, #tpu.memory_space<semaphore_mem>>)
      %run_scoped3A_130 = arith.constant 1 : i32
      "tpu.region"() ({
        %run_scoped3A_154 = tpu.sem_alloc : memref<!tpu.dma_semaphore, #tpu.memory_space<semaphore_mem>>
        %dma_start3A_155 = arith.constant 0 : i32
        %dma_start3A_156 = tpu.memref_slice %arg9[%add3A_113, %run_scoped3A_130, %dma_start3A_155] : memref<40x2x128xi32, #tpu.memory_space<vmem>> -> memref<1x1x128xi32, #tpu.memory_space<vmem>>
        %dma_start3A_157 = tpu.memref_squeeze %dma_start3A_156 : memref<1x1x128xi32, #tpu.memory_space<vmem>> -> memref<128xi32, #tpu.memory_space<vmem>>
        %dma_start3A_158 = arith.constant 0 : i32
        %dma_start3A_159 = arith.constant 0 : i32
        %dma_start3A_160 = tpu.memref_slice %arg13[%dma_start3A_158, %dma_start3A_159] : memref<10000x128xf32, #tpu.memory_space<vmem_shared>> -> memref<10000x128xf32, #tpu.memory_space<vmem_shared>>
        tpu.enqueue_indirect_dma source(%arg10 : memref<128x128xf32, #tpu.memory_space<vmem>>) target(%dma_start3A_160 : memref<10000x128xf32, #tpu.memory_space<vmem_shared>>) offsets(%dma_start3A_157 : memref<128xi32, #tpu.memory_space<vmem>>) semaphore(%run_scoped3A_154 : memref<!tpu.dma_semaphore, #tpu.memory_space<semaphore_mem>>) {add = true}
        %dma_wait3A_161 = arith.constant 0 : i32
        %dma_wait3A_162 = tpu.memref_slice %arg9[%add3A_113, %run_scoped3A_130, %dma_wait3A_161] : memref<40x2x128xi32, #tpu.memory_space<vmem>> -> memref<1x1x128xi32, #tpu.memory_space<vmem>>
        %dma_wait3A_163 = tpu.memref_squeeze %dma_wait3A_162 : memref<1x1x128xi32, #tpu.memory_space<vmem>> -> memref<128xi32, #tpu.memory_space<vmem>>
        %dma_wait3A_164 = arith.constant 0 : i32
        %dma_wait3A_165 = arith.constant 0 : i32
        %dma_wait3A_166 = tpu.memref_slice %arg13[%dma_wait3A_164, %dma_wait3A_165] : memref<10000x128xf32, #tpu.memory_space<vmem_shared>> -> memref<10000x128xf32, #tpu.memory_space<vmem_shared>>
        tpu.wait_indirect_dma semaphore(%run_scoped3A_154 : memref<!tpu.dma_semaphore, #tpu.memory_space<semaphore_mem>>) src(%arg10 : memref<128x128xf32, #tpu.memory_space<vmem>>) dst(%dma_wait3A_166 : memref<10000x128xf32, #tpu.memory_space<vmem_shared>>)
        tpu.yield
      }) : () -> ()
      %run_scoped3A_131 = arith.constant 1 : i32
      "tpu.region"() ({
        %run_scoped3A_154 = tpu.sem_alloc : memref<!tpu.dma_semaphore, #tpu.memory_space<semaphore_mem>>
        %dma_start3A_155 = arith.constant 0 : i32
        %dma_start3A_156 = tpu.memref_slice %arg9[%add3A_113, %run_scoped3A_131, %dma_start3A_155] : memref<40x2x128xi32, #tpu.memory_space<vmem>> -> memref<1x1x128xi32, #tpu.memory_space<vmem>>
        %dma_start3A_157 = tpu.memref_squeeze %dma_start3A_156 : memref<1x1x128xi32, #tpu.memory_space<vmem>> -> memref<128xi32, #tpu.memory_space<vmem>>
        %dma_start3A_158 = arith.constant 0 : i32
        %dma_start3A_159 = arith.constant 0 : i32
        %dma_start3A_160 = tpu.memref_slice %arg14[%dma_start3A_158, %dma_start3A_159] : memref<10000x8xf32, #tpu.memory_space<vmem_shared>> -> memref<10000x8xf32, #tpu.memory_space<vmem_shared>>
        tpu.enqueue_indirect_dma source(%arg12 : memref<128x8xf32, #tpu.memory_space<vmem>>) target(%dma_start3A_160 : memref<10000x8xf32, #tpu.memory_space<vmem_shared>>) offsets(%dma_start3A_157 : memref<128xi32, #tpu.memory_space<vmem>>) semaphore(%run_scoped3A_154 : memref<!tpu.dma_semaphore, #tpu.memory_space<semaphore_mem>>) {add = true}
        %dma_wait3A_161 = arith.constant 0 : i32
        %dma_wait3A_162 = tpu.memref_slice %arg9[%add3A_113, %run_scoped3A_131, %dma_wait3A_161] : memref<40x2x128xi32, #tpu.memory_space<vmem>> -> memref<1x1x128xi32, #tpu.memory_space<vmem>>
        %dma_wait3A_163 = tpu.memref_squeeze %dma_wait3A_162 : memref<1x1x128xi32, #tpu.memory_space<vmem>> -> memref<128xi32, #tpu.memory_space<vmem>>
        %dma_wait3A_164 = arith.constant 0 : i32
        %dma_wait3A_165 = arith.constant 0 : i32
        %dma_wait3A_166 = tpu.memref_slice %arg14[%dma_wait3A_164, %dma_wait3A_165] : memref<10000x8xf32, #tpu.memory_space<vmem_shared>> -> memref<10000x8xf32, #tpu.memory_space<vmem_shared>>
        tpu.wait_indirect_dma semaphore(%run_scoped3A_154 : memref<!tpu.dma_semaphore, #tpu.memory_space<semaphore_mem>>) src(%arg12 : memref<128x8xf32, #tpu.memory_space<vmem>>) dst(%dma_wait3A_166 : memref<10000x8xf32, #tpu.memory_space<vmem_shared>>)
        tpu.yield
      }) : () -> ()
      %add3A_132 = arith.constant 1 : i32
      %add3A_133 = arith.addi %add3A_113, %add3A_132 : i32
      %dma_wait3A_134 = arith.constant 0 : i32
      %dma_wait3A_135 = arith.constant 0 : i32
      %dma_wait3A_136 = tpu.memref_slice %arg9[%add3A_133, %dma_wait3A_134, %dma_wait3A_135] : memref<40x2x128xi32, #tpu.memory_space<vmem>> -> memref<1x1x128xi32, #tpu.memory_space<vmem>>
      %dma_wait3A_137 = tpu.memref_squeeze %dma_wait3A_136 : memref<1x1x128xi32, #tpu.memory_space<vmem>> -> memref<128xi32, #tpu.memory_space<vmem>>
      %dma_wait3A_138 = arith.constant 0 : i32
      %dma_wait3A_139 = arith.constant 0 : i32
      %dma_wait3A_140 = tpu.memref_slice %arg2[%dma_wait3A_138, %dma_wait3A_139] : memref<10000x128xf32, #tpu.memory_space<hbm>> -> memref<10000x128xf32, #tpu.memory_space<hbm>>
      tpu.wait_indirect_dma semaphore(%arg16 : memref<!tpu.dma_semaphore, #tpu.memory_space<semaphore_mem>>) src(%dma_wait3A_140 : memref<10000x128xf32, #tpu.memory_space<hbm>>) dst(%arg11 : memref<128x128xf32, #tpu.memory_space<vmem>>)
      %add3A_141 = arith.constant 2 : i32
      %add3A_142 = arith.addi %add3A_113, %add3A_141 : i32
      %dma_start3A_143 = arith.constant 0 : i32
      %dma_start3A_144 = arith.constant 0 : i32
      %dma_start3A_145 = tpu.memref_slice %arg9[%add3A_142, %dma_start3A_143, %dma_start3A_144] : memref<40x2x128xi32, #tpu.memory_space<vmem>> -> memref<1x1x128xi32, #tpu.memory_space<vmem>>
      %dma_start3A_146 = tpu.memref_squeeze %dma_start3A_145 : memref<1x1x128xi32, #tpu.memory_space<vmem>> -> memref<128xi32, #tpu.memory_space<vmem>>
      %dma_start3A_147 = arith.constant 0 : i32
      %dma_start3A_148 = arith.constant 0 : i32
      %dma_start3A_149 = tpu.memref_slice %arg2[%dma_start3A_147, %dma_start3A_148] : memref<10000x128xf32, #tpu.memory_space<hbm>> -> memref<10000x128xf32, #tpu.memory_space<hbm>>
      tpu.enqueue_indirect_dma source(%dma_start3A_149 : memref<10000x128xf32, #tpu.memory_space<hbm>>) target(%arg10 : memref<128x128xf32, #tpu.memory_space<vmem>>) offsets(%dma_start3A_146 : memref<128xi32, #tpu.memory_space<vmem>>) semaphore(%arg15 : memref<!tpu.dma_semaphore, #tpu.memory_space<semaphore_mem>>)
      %add3A_150 = arith.constant 1 : i32
      %add3A_151 = arith.addi %add3A_113, %add3A_150 : i32
      %run_scoped3A_152 = arith.constant 1 : i32
      "tpu.region"() ({
        %run_scoped3A_154 = tpu.sem_alloc : memref<!tpu.dma_semaphore, #tpu.memory_space<semaphore_mem>>
        %dma_start3A_155 = arith.constant 0 : i32
        %dma_start3A_156 = tpu.memref_slice %arg9[%add3A_151, %run_scoped3A_152, %dma_start3A_155] : memref<40x2x128xi32, #tpu.memory_space<vmem>> -> memref<1x1x128xi32, #tpu.memory_space<vmem>>
        %dma_start3A_157 = tpu.memref_squeeze %dma_start3A_156 : memref<1x1x128xi32, #tpu.memory_space<vmem>> -> memref<128xi32, #tpu.memory_space<vmem>>
        %dma_start3A_158 = arith.constant 0 : i32
        %dma_start3A_159 = arith.constant 0 : i32
        %dma_start3A_160 = tpu.memref_slice %arg13[%dma_start3A_158, %dma_start3A_159] : memref<10000x128xf32, #tpu.memory_space<vmem_shared>> -> memref<10000x128xf32, #tpu.memory_space<vmem_shared>>
        tpu.enqueue_indirect_dma source(%arg11 : memref<128x128xf32, #tpu.memory_space<vmem>>) target(%dma_start3A_160 : memref<10000x128xf32, #tpu.memory_space<vmem_shared>>) offsets(%dma_start3A_157 : memref<128xi32, #tpu.memory_space<vmem>>) semaphore(%run_scoped3A_154 : memref<!tpu.dma_semaphore, #tpu.memory_space<semaphore_mem>>) {add = true}
        %dma_wait3A_161 = arith.constant 0 : i32
        %dma_wait3A_162 = tpu.memref_slice %arg9[%add3A_151, %run_scoped3A_152, %dma_wait3A_161] : memref<40x2x128xi32, #tpu.memory_space<vmem>> -> memref<1x1x128xi32, #tpu.memory_space<vmem>>
        %dma_wait3A_163 = tpu.memref_squeeze %dma_wait3A_162 : memref<1x1x128xi32, #tpu.memory_space<vmem>> -> memref<128xi32, #tpu.memory_space<vmem>>
        %dma_wait3A_164 = arith.constant 0 : i32
        %dma_wait3A_165 = arith.constant 0 : i32
        %dma_wait3A_166 = tpu.memref_slice %arg13[%dma_wait3A_164, %dma_wait3A_165] : memref<10000x128xf32, #tpu.memory_space<vmem_shared>> -> memref<10000x128xf32, #tpu.memory_space<vmem_shared>>
        tpu.wait_indirect_dma semaphore(%run_scoped3A_154 : memref<!tpu.dma_semaphore, #tpu.memory_space<semaphore_mem>>) src(%arg11 : memref<128x128xf32, #tpu.memory_space<vmem>>) dst(%dma_wait3A_166 : memref<10000x128xf32, #tpu.memory_space<vmem_shared>>)
        tpu.yield
      }) : () -> ()
      %run_scoped3A_153 = arith.constant 1 : i32
      "tpu.region"() ({
        %run_scoped3A_154 = tpu.sem_alloc : memref<!tpu.dma_semaphore, #tpu.memory_space<semaphore_mem>>
        %dma_start3A_155 = arith.constant 0 : i32
        %dma_start3A_156 = tpu.memref_slice %arg9[%add3A_151, %run_scoped3A_153, %dma_start3A_155] : memref<40x2x128xi32, #tpu.memory_space<vmem>> -> memref<1x1x128xi32, #tpu.memory_space<vmem>>
        %dma_start3A_157 = tpu.memref_squeeze %dma_start3A_156 : memref<1x1x128xi32, #tpu.memory_space<vmem>> -> memref<128xi32, #tpu.memory_space<vmem>>
        %dma_start3A_158 = arith.constant 0 : i32
        %dma_start3A_159 = arith.constant 0 : i32
        %dma_start3A_160 = tpu.memref_slice %arg14[%dma_start3A_158, %dma_start3A_159] : memref<10000x8xf32, #tpu.memory_space<vmem_shared>> -> memref<10000x8xf32, #tpu.memory_space<vmem_shared>>
        tpu.enqueue_indirect_dma source(%arg12 : memref<128x8xf32, #tpu.memory_space<vmem>>) target(%dma_start3A_160 : memref<10000x8xf32, #tpu.memory_space<vmem_shared>>) offsets(%dma_start3A_157 : memref<128xi32, #tpu.memory_space<vmem>>) semaphore(%run_scoped3A_154 : memref<!tpu.dma_semaphore, #tpu.memory_space<semaphore_mem>>) {add = true}
        %dma_wait3A_161 = arith.constant 0 : i32
        %dma_wait3A_162 = tpu.memref_slice %arg9[%add3A_151, %run_scoped3A_153, %dma_wait3A_161] : memref<40x2x128xi32, #tpu.memory_space<vmem>> -> memref<1x1x128xi32, #tpu.memory_space<vmem>>
        %dma_wait3A_163 = tpu.memref_squeeze %dma_wait3A_162 : memref<1x1x128xi32, #tpu.memory_space<vmem>> -> memref<128xi32, #tpu.memory_space<vmem>>
        %dma_wait3A_164 = arith.constant 0 : i32
        %dma_wait3A_165 = arith.constant 0 : i32
        %dma_wait3A_166 = tpu.memref_slice %arg14[%dma_wait3A_164, %dma_wait3A_165] : memref<10000x8xf32, #tpu.memory_space<vmem_shared>> -> memref<10000x8xf32, #tpu.memory_space<vmem_shared>>
        tpu.wait_indirect_dma semaphore(%run_scoped3A_154 : memref<!tpu.dma_semaphore, #tpu.memory_space<semaphore_mem>>) src(%arg12 : memref<128x8xf32, #tpu.memory_space<vmem>>) dst(%dma_wait3A_166 : memref<10000x8xf32, #tpu.memory_space<vmem_shared>>)
        tpu.yield
      }) : () -> ()
    }
    %scan3A_18 = arith.constant 19 : i32
    %dma_wait3A = arith.constant 38 : i32
    %dma_wait3A_19 = arith.constant 0 : i32
    %dma_wait3A_20 = arith.constant 0 : i32
    %dma_wait3A_21 = tpu.memref_slice %arg9[%dma_wait3A, %dma_wait3A_19, %dma_wait3A_20] : memref<40x2x128xi32, #tpu.memory_space<vmem>> -> memref<1x1x128xi32, #tpu.memory_space<vmem>>
    %dma_wait3A_22 = tpu.memref_squeeze %dma_wait3A_21 : memref<1x1x128xi32, #tpu.memory_space<vmem>> -> memref<128xi32, #tpu.memory_space<vmem>>
    %dma_wait3A_23 = arith.constant 0 : i32
    %dma_wait3A_24 = arith.constant 0 : i32
    %dma_wait3A_25 = tpu.memref_slice %arg2[%dma_wait3A_23, %dma_wait3A_24] : memref<10000x128xf32, #tpu.memory_space<hbm>> -> memref<10000x128xf32, #tpu.memory_space<hbm>>
    tpu.wait_indirect_dma semaphore(%arg15 : memref<!tpu.dma_semaphore, #tpu.memory_space<semaphore_mem>>) src(%dma_wait3A_25 : memref<10000x128xf32, #tpu.memory_space<hbm>>) dst(%arg10 : memref<128x128xf32, #tpu.memory_space<vmem>>)
    %dma_start3A_26 = arith.constant 39 : i32
    %dma_start3A_27 = arith.constant 0 : i32
    %dma_start3A_28 = arith.constant 0 : i32
    %dma_start3A_29 = tpu.memref_slice %arg9[%dma_start3A_26, %dma_start3A_27, %dma_start3A_28] : memref<40x2x128xi32, #tpu.memory_space<vmem>> -> memref<1x1x128xi32, #tpu.memory_space<vmem>>
    %dma_start3A_30 = tpu.memref_squeeze %dma_start3A_29 : memref<1x1x128xi32, #tpu.memory_space<vmem>> -> memref<128xi32, #tpu.memory_space<vmem>>
    %dma_start3A_31 = arith.constant 0 : i32
    %dma_start3A_32 = arith.constant 0 : i32
    %dma_start3A_33 = tpu.memref_slice %arg2[%dma_start3A_31, %dma_start3A_32] : memref<10000x128xf32, #tpu.memory_space<hbm>> -> memref<10000x128xf32, #tpu.memory_space<hbm>>
    tpu.enqueue_indirect_dma source(%dma_start3A_33 : memref<10000x128xf32, #tpu.memory_space<hbm>>) target(%arg11 : memref<128x128xf32, #tpu.memory_space<vmem>>) offsets(%dma_start3A_30 : memref<128xi32, #tpu.memory_space<vmem>>) semaphore(%arg16 : memref<!tpu.dma_semaphore, #tpu.memory_space<semaphore_mem>>)
    %run_scoped3A = arith.constant 38 : i32
    %run_scoped3A_34 = arith.constant 1 : i32
    "tpu.region"() ({
      %run_scoped3A_109 = tpu.sem_alloc : memref<!tpu.dma_semaphore, #tpu.memory_space<semaphore_mem>>
      %dma_start3A_110 = arith.constant 0 : i32
      %dma_start3A_111 = tpu.memref_slice %arg9[%run_scoped3A, %run_scoped3A_34, %dma_start3A_110] : memref<40x2x128xi32, #tpu.memory_space<vmem>> -> memref<1x1x128xi32, #tpu.memory_space<vmem>>
      %dma_start3A_112 = tpu.memref_squeeze %dma_start3A_111 : memref<1x1x128xi32, #tpu.memory_space<vmem>> -> memref<128xi32, #tpu.memory_space<vmem>>
      %dma_start3A_113 = arith.constant 0 : i32
      %dma_start3A_114 = arith.constant 0 : i32
      %dma_start3A_115 = tpu.memref_slice %arg13[%dma_start3A_113, %dma_start3A_114] : memref<10000x128xf32, #tpu.memory_space<vmem_shared>> -> memref<10000x128xf32, #tpu.memory_space<vmem_shared>>
      tpu.enqueue_indirect_dma source(%arg10 : memref<128x128xf32, #tpu.memory_space<vmem>>) target(%dma_start3A_115 : memref<10000x128xf32, #tpu.memory_space<vmem_shared>>) offsets(%dma_start3A_112 : memref<128xi32, #tpu.memory_space<vmem>>) semaphore(%run_scoped3A_109 : memref<!tpu.dma_semaphore, #tpu.memory_space<semaphore_mem>>) {add = true}
      %dma_wait3A_116 = arith.constant 0 : i32
      %dma_wait3A_117 = tpu.memref_slice %arg9[%run_scoped3A, %run_scoped3A_34, %dma_wait3A_116] : memref<40x2x128xi32, #tpu.memory_space<vmem>> -> memref<1x1x128xi32, #tpu.memory_space<vmem>>
      %dma_wait3A_118 = tpu.memref_squeeze %dma_wait3A_117 : memref<1x1x128xi32, #tpu.memory_space<vmem>> -> memref<128xi32, #tpu.memory_space<vmem>>
      %dma_wait3A_119 = arith.constant 0 : i32
      %dma_wait3A_120 = arith.constant 0 : i32
      %dma_wait3A_121 = tpu.memref_slice %arg13[%dma_wait3A_119, %dma_wait3A_120] : memref<10000x128xf32, #tpu.memory_space<vmem_shared>> -> memref<10000x128xf32, #tpu.memory_space<vmem_shared>>
      tpu.wait_indirect_dma semaphore(%run_scoped3A_109 : memref<!tpu.dma_semaphore, #tpu.memory_space<semaphore_mem>>) src(%arg10 : memref<128x128xf32, #tpu.memory_space<vmem>>) dst(%dma_wait3A_121 : memref<10000x128xf32, #tpu.memory_space<vmem_shared>>)
      tpu.yield
    }) : () -> ()
    %run_scoped3A_35 = arith.constant 38 : i32
    %run_scoped3A_36 = arith.constant 1 : i32
    "tpu.region"() ({
      %run_scoped3A_109 = tpu.sem_alloc : memref<!tpu.dma_semaphore, #tpu.memory_space<semaphore_mem>>
      %dma_start3A_110 = arith.constant 0 : i32
      %dma_start3A_111 = tpu.memref_slice %arg9[%run_scoped3A_35, %run_scoped3A_36, %dma_start3A_110] : memref<40x2x128xi32, #tpu.memory_space<vmem>> -> memref<1x1x128xi32, #tpu.memory_space<vmem>>
      %dma_start3A_112 = tpu.memref_squeeze %dma_start3A_111 : memref<1x1x128xi32, #tpu.memory_space<vmem>> -> memref<128xi32, #tpu.memory_space<vmem>>
      %dma_start3A_113 = arith.constant 0 : i32
      %dma_start3A_114 = arith.constant 0 : i32
      %dma_start3A_115 = tpu.memref_slice %arg14[%dma_start3A_113, %dma_start3A_114] : memref<10000x8xf32, #tpu.memory_space<vmem_shared>> -> memref<10000x8xf32, #tpu.memory_space<vmem_shared>>
      tpu.enqueue_indirect_dma source(%arg12 : memref<128x8xf32, #tpu.memory_space<vmem>>) target(%dma_start3A_115 : memref<10000x8xf32, #tpu.memory_space<vmem_shared>>) offsets(%dma_start3A_112 : memref<128xi32, #tpu.memory_space<vmem>>) semaphore(%run_scoped3A_109 : memref<!tpu.dma_semaphore, #tpu.memory_space<semaphore_mem>>) {add = true}
      %dma_wait3A_116 = arith.constant 0 : i32
      %dma_wait3A_117 = tpu.memref_slice %arg9[%run_scoped3A_35, %run_scoped3A_36, %dma_wait3A_116] : memref<40x2x128xi32, #tpu.memory_space<vmem>> -> memref<1x1x128xi32, #tpu.memory_space<vmem>>
      %dma_wait3A_118 = tpu.memref_squeeze %dma_wait3A_117 : memref<1x1x128xi32, #tpu.memory_space<vmem>> -> memref<128xi32, #tpu.memory_space<vmem>>
      %dma_wait3A_119 = arith.constant 0 : i32
      %dma_wait3A_120 = arith.constant 0 : i32
      %dma_wait3A_121 = tpu.memref_slice %arg14[%dma_wait3A_119, %dma_wait3A_120] : memref<10000x8xf32, #tpu.memory_space<vmem_shared>> -> memref<10000x8xf32, #tpu.memory_space<vmem_shared>>
      tpu.wait_indirect_dma semaphore(%run_scoped3A_109 : memref<!tpu.dma_semaphore, #tpu.memory_space<semaphore_mem>>) src(%arg12 : memref<128x8xf32, #tpu.memory_space<vmem>>) dst(%dma_wait3A_121 : memref<10000x8xf32, #tpu.memory_space<vmem_shared>>)
      tpu.yield
    }) : () -> ()
    %dma_wait3A_37 = arith.constant 39 : i32
    %dma_wait3A_38 = arith.constant 0 : i32
    %dma_wait3A_39 = arith.constant 0 : i32
    %dma_wait3A_40 = tpu.memref_slice %arg9[%dma_wait3A_37, %dma_wait3A_38, %dma_wait3A_39] : memref<40x2x128xi32, #tpu.memory_space<vmem>> -> memref<1x1x128xi32, #tpu.memory_space<vmem>>
    %dma_wait3A_41 = tpu.memref_squeeze %dma_wait3A_40 : memref<1x1x128xi32, #tpu.memory_space<vmem>> -> memref<128xi32, #tpu.memory_space<vmem>>
    %dma_wait3A_42 = arith.constant 0 : i32
    %dma_wait3A_43 = arith.constant 0 : i32
    %dma_wait3A_44 = tpu.memref_slice %arg2[%dma_wait3A_42, %dma_wait3A_43] : memref<10000x128xf32, #tpu.memory_space<hbm>> -> memref<10000x128xf32, #tpu.memory_space<hbm>>
    tpu.wait_indirect_dma semaphore(%arg16 : memref<!tpu.dma_semaphore, #tpu.memory_space<semaphore_mem>>) src(%dma_wait3A_44 : memref<10000x128xf32, #tpu.memory_space<hbm>>) dst(%arg11 : memref<128x128xf32, #tpu.memory_space<vmem>>)
    %run_scoped3A_45 = arith.constant 39 : i32
    %run_scoped3A_46 = arith.constant 1 : i32
    "tpu.region"() ({
      %run_scoped3A_109 = tpu.sem_alloc : memref<!tpu.dma_semaphore, #tpu.memory_space<semaphore_mem>>
      %dma_start3A_110 = arith.constant 0 : i32
      %dma_start3A_111 = tpu.memref_slice %arg9[%run_scoped3A_45, %run_scoped3A_46, %dma_start3A_110] : memref<40x2x128xi32, #tpu.memory_space<vmem>> -> memref<1x1x128xi32, #tpu.memory_space<vmem>>
      %dma_start3A_112 = tpu.memref_squeeze %dma_start3A_111 : memref<1x1x128xi32, #tpu.memory_space<vmem>> -> memref<128xi32, #tpu.memory_space<vmem>>
      %dma_start3A_113 = arith.constant 0 : i32
      %dma_start3A_114 = arith.constant 0 : i32
      %dma_start3A_115 = tpu.memref_slice %arg13[%dma_start3A_113, %dma_start3A_114] : memref<10000x128xf32, #tpu.memory_space<vmem_shared>> -> memref<10000x128xf32, #tpu.memory_space<vmem_shared>>
      tpu.enqueue_indirect_dma source(%arg11 : memref<128x128xf32, #tpu.memory_space<vmem>>) target(%dma_start3A_115 : memref<10000x128xf32, #tpu.memory_space<vmem_shared>>) offsets(%dma_start3A_112 : memref<128xi32, #tpu.memory_space<vmem>>) semaphore(%run_scoped3A_109 : memref<!tpu.dma_semaphore, #tpu.memory_space<semaphore_mem>>) {add = true}
      %dma_wait3A_116 = arith.constant 0 : i32
      %dma_wait3A_117 = tpu.memref_slice %arg9[%run_scoped3A_45, %run_scoped3A_46, %dma_wait3A_116] : memref<40x2x128xi32, #tpu.memory_space<vmem>> -> memref<1x1x128xi32, #tpu.memory_space<vmem>>
      %dma_wait3A_118 = tpu.memref_squeeze %dma_wait3A_117 : memref<1x1x128xi32, #tpu.memory_space<vmem>> -> memref<128xi32, #tpu.memory_space<vmem>>
      %dma_wait3A_119 = arith.constant 0 : i32
      %dma_wait3A_120 = arith.constant 0 : i32
      %dma_wait3A_121 = tpu.memref_slice %arg13[%dma_wait3A_119, %dma_wait3A_120] : memref<10000x128xf32, #tpu.memory_space<vmem_shared>> -> memref<10000x128xf32, #tpu.memory_space<vmem_shared>>
      tpu.wait_indirect_dma semaphore(%run_scoped3A_109 : memref<!tpu.dma_semaphore, #tpu.memory_space<semaphore_mem>>) src(%arg11 : memref<128x128xf32, #tpu.memory_space<vmem>>) dst(%dma_wait3A_121 : memref<10000x128xf32, #tpu.memory_space<vmem_shared>>)
      tpu.yield
    }) : () -> ()
    %run_scoped3A_47 = arith.constant 39 : i32
    %run_scoped3A_48 = arith.constant 1 : i32
    "tpu.region"() ({
      %run_scoped3A_109 = tpu.sem_alloc : memref<!tpu.dma_semaphore, #tpu.memory_space<semaphore_mem>>
      %dma_start3A_110 = arith.constant 0 : i32
      %dma_start3A_111 = tpu.memref_slice %arg9[%run_scoped3A_47, %run_scoped3A_48, %dma_start3A_110] : memref<40x2x128xi32, #tpu.memory_space<vmem>> -> memref<1x1x128xi32, #tpu.memory_space<vmem>>
      %dma_start3A_112 = tpu.memref_squeeze %dma_start3A_111 : memref<1x1x128xi32, #tpu.memory_space<vmem>> -> memref<128xi32, #tpu.memory_space<vmem>>
      %dma_start3A_113 = arith.constant 0 : i32
      %dma_start3A_114 = arith.constant 0 : i32
      %dma_start3A_115 = tpu.memref_slice %arg14[%dma_start3A_113, %dma_start3A_114] : memref<10000x8xf32, #tpu.memory_space<vmem_shared>> -> memref<10000x8xf32, #tpu.memory_space<vmem_shared>>
      tpu.enqueue_indirect_dma source(%arg12 : memref<128x8xf32, #tpu.memory_space<vmem>>) target(%dma_start3A_115 : memref<10000x8xf32, #tpu.memory_space<vmem_shared>>) offsets(%dma_start3A_112 : memref<128xi32, #tpu.memory_space<vmem>>) semaphore(%run_scoped3A_109 : memref<!tpu.dma_semaphore, #tpu.memory_space<semaphore_mem>>) {add = true}
      %dma_wait3A_116 = arith.constant 0 : i32
      %dma_wait3A_117 = tpu.memref_slice %arg9[%run_scoped3A_47, %run_scoped3A_48, %dma_wait3A_116] : memref<40x2x128xi32, #tpu.memory_space<vmem>> -> memref<1x1x128xi32, #tpu.memory_space<vmem>>
      %dma_wait3A_118 = tpu.memref_squeeze %dma_wait3A_117 : memref<1x1x128xi32, #tpu.memory_space<vmem>> -> memref<128xi32, #tpu.memory_space<vmem>>
      %dma_wait3A_119 = arith.constant 0 : i32
      %dma_wait3A_120 = arith.constant 0 : i32
      %dma_wait3A_121 = tpu.memref_slice %arg14[%dma_wait3A_119, %dma_wait3A_120] : memref<10000x8xf32, #tpu.memory_space<vmem_shared>> -> memref<10000x8xf32, #tpu.memory_space<vmem_shared>>
      tpu.wait_indirect_dma semaphore(%run_scoped3A_109 : memref<!tpu.dma_semaphore, #tpu.memory_space<semaphore_mem>>) src(%arg12 : memref<128x8xf32, #tpu.memory_space<vmem>>) dst(%dma_wait3A_121 : memref<10000x8xf32, #tpu.memory_space<vmem_shared>>)
      tpu.yield
    }) : () -> ()
    %add3A_49 = arith.constant 78 : i32
    %add3A_50 = arith.addi %mul3A_6, %add3A_49 : i32
    %sub3A = arith.constant 40 : i32
    %sub3A_51 = arith.subi %add3A_50, %sub3A : i32
    "tpu.region"() ({
      %run_scoped3A_109 = tpu.sem_alloc : memref<!tpu.dma_semaphore, #tpu.memory_space<semaphore_mem>>
      %dma_start3A_110 = arith.constant 0 : i32
      %dma_start3A_111 = arith.constant 0 : i32
      %dma_start3A_112 = tpu.memref_slice %arg3[%sub3A_51, %dma_start3A_110, %dma_start3A_111] : memref<2500x2x128xi32, #tpu.memory_space<hbm>> -> memref<40x2x128xi32, #tpu.memory_space<hbm>>
      %dma_start3A_113 = arith.constant 0 : i32
      %dma_start3A_114 = arith.constant 0 : i32
      %dma_start3A_115 = tpu.memref_slice %arg3[%sub3A_51, %dma_start3A_113, %dma_start3A_114] : memref<2500x2x128xi32, #tpu.memory_space<hbm>> -> memref<40x2x128xi32, #tpu.memory_space<hbm>>
      tpu.enqueue_dma source(%dma_start3A_115 : memref<40x2x128xi32, #tpu.memory_space<hbm>>) target(%arg9 : memref<40x2x128xi32, #tpu.memory_space<vmem>>) target_semaphore(%run_scoped3A_109 : memref<!tpu.dma_semaphore, #tpu.memory_space<semaphore_mem>>)
      %dma_wait3A_116 = arith.constant 0 : i32
      %dma_wait3A_117 = arith.constant 0 : i32
      %dma_wait3A_118 = tpu.memref_slice %arg3[%sub3A_51, %dma_wait3A_116, %dma_wait3A_117] : memref<2500x2x128xi32, #tpu.memory_space<hbm>> -> memref<40x2x128xi32, #tpu.memory_space<hbm>>
      %dma_wait3A_119 = arith.constant 0 : i32
      %dma_wait3A_120 = arith.constant 0 : i32
      %dma_wait3A_121 = tpu.memref_slice %arg3[%sub3A_51, %dma_wait3A_119, %dma_wait3A_120] : memref<2500x2x128xi32, #tpu.memory_space<hbm>> -> memref<40x2x128xi32, #tpu.memory_space<hbm>>
      tpu.wait_dma2 semaphore(%run_scoped3A_109 : memref<!tpu.dma_semaphore, #tpu.memory_space<semaphore_mem>>) src(%dma_wait3A_121 : memref<40x2x128xi32, #tpu.memory_space<hbm>>) dst(%arg9 : memref<40x2x128xi32, #tpu.memory_space<vmem>>)
      tpu.yield
    }) : () -> ()
    %dma_start3A_52 = arith.constant 2 : i32
    %dma_start3A_53 = arith.constant 0 : i32
    %dma_start3A_54 = arith.constant 0 : i32
    %dma_start3A_55 = tpu.memref_slice %arg9[%dma_start3A_52, %dma_start3A_53, %dma_start3A_54] : memref<40x2x128xi32, #tpu.memory_space<vmem>> -> memref<1x1x128xi32, #tpu.memory_space<vmem>>
    %dma_start3A_56 = tpu.memref_squeeze %dma_start3A_55 : memref<1x1x128xi32, #tpu.memory_space<vmem>> -> memref<128xi32, #tpu.memory_space<vmem>>
    %dma_start3A_57 = arith.constant 0 : i32
    %dma_start3A_58 = arith.constant 0 : i32
    %dma_start3A_59 = tpu.memref_slice %arg2[%dma_start3A_57, %dma_start3A_58] : memref<10000x128xf32, #tpu.memory_space<hbm>> -> memref<10000x128xf32, #tpu.memory_space<hbm>>
    tpu.enqueue_indirect_dma source(%dma_start3A_59 : memref<10000x128xf32, #tpu.memory_space<hbm>>) target(%arg10 : memref<128x128xf32, #tpu.memory_space<vmem>>) offsets(%dma_start3A_56 : memref<128xi32, #tpu.memory_space<vmem>>) semaphore(%arg15 : memref<!tpu.dma_semaphore, #tpu.memory_space<semaphore_mem>>)
    %scan3A_60 = arith.constant 0 : i32
    %scan3A_61 = arith.constant 0 : i32
    %scan3A_62 = arith.constant 18 : i32
    %scan3A_63 = arith.addi %scan3A_61, %scan3A_62 : i32
    %scan3A_64 = arith.constant 1 : i32
    scf.for %scan3A_109 = %scan3A_61 to %scan3A_63 step %scan3A_64  : i32 {
      %mul3A_110 = arith.constant 2 : i32
      %mul3A_111 = arith.muli %mul3A_110, %scan3A_109 : i32
      %add3A_112 = arith.constant 2 : i32
      %add3A_113 = arith.addi %add3A_112, %mul3A_111 : i32
      %dma_wait3A_114 = arith.constant 0 : i32
      %dma_wait3A_115 = arith.constant 0 : i32
      %dma_wait3A_116 = tpu.memref_slice %arg9[%add3A_113, %dma_wait3A_114, %dma_wait3A_115] : memref<40x2x128xi32, #tpu.memory_space<vmem>> -> memref<1x1x128xi32, #tpu.memory_space<vmem>>
      %dma_wait3A_117 = tpu.memref_squeeze %dma_wait3A_116 : memref<1x1x128xi32, #tpu.memory_space<vmem>> -> memref<128xi32, #tpu.memory_space<vmem>>
      %dma_wait3A_118 = arith.constant 0 : i32
      %dma_wait3A_119 = arith.constant 0 : i32
      %dma_wait3A_120 = tpu.memref_slice %arg2[%dma_wait3A_118, %dma_wait3A_119] : memref<10000x128xf32, #tpu.memory_space<hbm>> -> memref<10000x128xf32, #tpu.memory_space<hbm>>
      tpu.wait_indirect_dma semaphore(%arg15 : memref<!tpu.dma_semaphore, #tpu.memory_space<semaphore_mem>>) src(%dma_wait3A_120 : memref<10000x128xf32, #tpu.memory_space<hbm>>) dst(%arg10 : memref<128x128xf32, #tpu.memory_space<vmem>>)
      %add3A_121 = arith.constant 1 : i32
      %add3A_122 = arith.addi %add3A_113, %add3A_121 : i32
      %dma_start3A_123 = arith.constant 0 : i32
      %dma_start3A_124 = arith.constant 0 : i32
      %dma_start3A_125 = tpu.memref_slice %arg9[%add3A_122, %dma_start3A_123, %dma_start3A_124] : memref<40x2x128xi32, #tpu.memory_space<vmem>> -> memref<1x1x128xi32, #tpu.memory_space<vmem>>
      %dma_start3A_126 = tpu.memref_squeeze %dma_start3A_125 : memref<1x1x128xi32, #tpu.memory_space<vmem>> -> memref<128xi32, #tpu.memory_space<vmem>>
      %dma_start3A_127 = arith.constant 0 : i32
      %dma_start3A_128 = arith.constant 0 : i32
      %dma_start3A_129 = tpu.memref_slice %arg2[%dma_start3A_127, %dma_start3A_128] : memref<10000x128xf32, #tpu.memory_space<hbm>> -> memref<10000x128xf32, #tpu.memory_space<hbm>>
      tpu.enqueue_indirect_dma source(%dma_start3A_129 : memref<10000x128xf32, #tpu.memory_space<hbm>>) target(%arg11 : memref<128x128xf32, #tpu.memory_space<vmem>>) offsets(%dma_start3A_126 : memref<128xi32, #tpu.memory_space<vmem>>) semaphore(%arg16 : memref<!tpu.dma_semaphore, #tpu.memory_space<semaphore_mem>>)
      %run_scoped3A_130 = arith.constant 1 : i32
      "tpu.region"() ({
        %run_scoped3A_154 = tpu.sem_alloc : memref<!tpu.dma_semaphore, #tpu.memory_space<semaphore_mem>>
        %dma_start3A_155 = arith.constant 0 : i32
        %dma_start3A_156 = tpu.memref_slice %arg9[%add3A_113, %run_scoped3A_130, %dma_start3A_155] : memref<40x2x128xi32, #tpu.memory_space<vmem>> -> memref<1x1x128xi32, #tpu.memory_space<vmem>>
        %dma_start3A_157 = tpu.memref_squeeze %dma_start3A_156 : memref<1x1x128xi32, #tpu.memory_space<vmem>> -> memref<128xi32, #tpu.memory_space<vmem>>
        %dma_start3A_158 = arith.constant 0 : i32
        %dma_start3A_159 = arith.constant 0 : i32
        %dma_start3A_160 = tpu.memref_slice %arg13[%dma_start3A_158, %dma_start3A_159] : memref<10000x128xf32, #tpu.memory_space<vmem_shared>> -> memref<10000x128xf32, #tpu.memory_space<vmem_shared>>
        tpu.enqueue_indirect_dma source(%arg10 : memref<128x128xf32, #tpu.memory_space<vmem>>) target(%dma_start3A_160 : memref<10000x128xf32, #tpu.memory_space<vmem_shared>>) offsets(%dma_start3A_157 : memref<128xi32, #tpu.memory_space<vmem>>) semaphore(%run_scoped3A_154 : memref<!tpu.dma_semaphore, #tpu.memory_space<semaphore_mem>>) {add = true}
        %dma_wait3A_161 = arith.constant 0 : i32
        %dma_wait3A_162 = tpu.memref_slice %arg9[%add3A_113, %run_scoped3A_130, %dma_wait3A_161] : memref<40x2x128xi32, #tpu.memory_space<vmem>> -> memref<1x1x128xi32, #tpu.memory_space<vmem>>
        %dma_wait3A_163 = tpu.memref_squeeze %dma_wait3A_162 : memref<1x1x128xi32, #tpu.memory_space<vmem>> -> memref<128xi32, #tpu.memory_space<vmem>>
        %dma_wait3A_164 = arith.constant 0 : i32
        %dma_wait3A_165 = arith.constant 0 : i32
        %dma_wait3A_166 = tpu.memref_slice %arg13[%dma_wait3A_164, %dma_wait3A_165] : memref<10000x128xf32, #tpu.memory_space<vmem_shared>> -> memref<10000x128xf32, #tpu.memory_space<vmem_shared>>
        tpu.wait_indirect_dma semaphore(%run_scoped3A_154 : memref<!tpu.dma_semaphore, #tpu.memory_space<semaphore_mem>>) src(%arg10 : memref<128x128xf32, #tpu.memory_space<vmem>>) dst(%dma_wait3A_166 : memref<10000x128xf32, #tpu.memory_space<vmem_shared>>)
        tpu.yield
      }) : () -> ()
      %run_scoped3A_131 = arith.constant 1 : i32
      "tpu.region"() ({
        %run_scoped3A_154 = tpu.sem_alloc : memref<!tpu.dma_semaphore, #tpu.memory_space<semaphore_mem>>
        %dma_start3A_155 = arith.constant 0 : i32
        %dma_start3A_156 = tpu.memref_slice %arg9[%add3A_113, %run_scoped3A_131, %dma_start3A_155] : memref<40x2x128xi32, #tpu.memory_space<vmem>> -> memref<1x1x128xi32, #tpu.memory_space<vmem>>
        %dma_start3A_157 = tpu.memref_squeeze %dma_start3A_156 : memref<1x1x128xi32, #tpu.memory_space<vmem>> -> memref<128xi32, #tpu.memory_space<vmem>>
        %dma_start3A_158 = arith.constant 0 : i32
        %dma_start3A_159 = arith.constant 0 : i32
        %dma_start3A_160 = tpu.memref_slice %arg14[%dma_start3A_158, %dma_start3A_159] : memref<10000x8xf32, #tpu.memory_space<vmem_shared>> -> memref<10000x8xf32, #tpu.memory_space<vmem_shared>>
        tpu.enqueue_indirect_dma source(%arg12 : memref<128x8xf32, #tpu.memory_space<vmem>>) target(%dma_start3A_160 : memref<10000x8xf32, #tpu.memory_space<vmem_shared>>) offsets(%dma_start3A_157 : memref<128xi32, #tpu.memory_space<vmem>>) semaphore(%run_scoped3A_154 : memref<!tpu.dma_semaphore, #tpu.memory_space<semaphore_mem>>) {add = true}
        %dma_wait3A_161 = arith.constant 0 : i32
        %dma_wait3A_162 = tpu.memref_slice %arg9[%add3A_113, %run_scoped3A_131, %dma_wait3A_161] : memref<40x2x128xi32, #tpu.memory_space<vmem>> -> memref<1x1x128xi32, #tpu.memory_space<vmem>>
        %dma_wait3A_163 = tpu.memref_squeeze %dma_wait3A_162 : memref<1x1x128xi32, #tpu.memory_space<vmem>> -> memref<128xi32, #tpu.memory_space<vmem>>
        %dma_wait3A_164 = arith.constant 0 : i32
        %dma_wait3A_165 = arith.constant 0 : i32
        %dma_wait3A_166 = tpu.memref_slice %arg14[%dma_wait3A_164, %dma_wait3A_165] : memref<10000x8xf32, #tpu.memory_space<vmem_shared>> -> memref<10000x8xf32, #tpu.memory_space<vmem_shared>>
        tpu.wait_indirect_dma semaphore(%run_scoped3A_154 : memref<!tpu.dma_semaphore, #tpu.memory_space<semaphore_mem>>) src(%arg12 : memref<128x8xf32, #tpu.memory_space<vmem>>) dst(%dma_wait3A_166 : memref<10000x8xf32, #tpu.memory_space<vmem_shared>>)
        tpu.yield
      }) : () -> ()
      %add3A_132 = arith.constant 1 : i32
      %add3A_133 = arith.addi %add3A_113, %add3A_132 : i32
      %dma_wait3A_134 = arith.constant 0 : i32
      %dma_wait3A_135 = arith.constant 0 : i32
      %dma_wait3A_136 = tpu.memref_slice %arg9[%add3A_133, %dma_wait3A_134, %dma_wait3A_135] : memref<40x2x128xi32, #tpu.memory_space<vmem>> -> memref<1x1x128xi32, #tpu.memory_space<vmem>>
      %dma_wait3A_137 = tpu.memref_squeeze %dma_wait3A_136 : memref<1x1x128xi32, #tpu.memory_space<vmem>> -> memref<128xi32, #tpu.memory_space<vmem>>
      %dma_wait3A_138 = arith.constant 0 : i32
      %dma_wait3A_139 = arith.constant 0 : i32
      %dma_wait3A_140 = tpu.memref_slice %arg2[%dma_wait3A_138, %dma_wait3A_139] : memref<10000x128xf32, #tpu.memory_space<hbm>> -> memref<10000x128xf32, #tpu.memory_space<hbm>>
      tpu.wait_indirect_dma semaphore(%arg16 : memref<!tpu.dma_semaphore, #tpu.memory_space<semaphore_mem>>) src(%dma_wait3A_140 : memref<10000x128xf32, #tpu.memory_space<hbm>>) dst(%arg11 : memref<128x128xf32, #tpu.memory_space<vmem>>)
      %add3A_141 = arith.constant 2 : i32
      %add3A_142 = arith.addi %add3A_113, %add3A_141 : i32
      %dma_start3A_143 = arith.constant 0 : i32
      %dma_start3A_144 = arith.constant 0 : i32
      %dma_start3A_145 = tpu.memref_slice %arg9[%add3A_142, %dma_start3A_143, %dma_start3A_144] : memref<40x2x128xi32, #tpu.memory_space<vmem>> -> memref<1x1x128xi32, #tpu.memory_space<vmem>>
      %dma_start3A_146 = tpu.memref_squeeze %dma_start3A_145 : memref<1x1x128xi32, #tpu.memory_space<vmem>> -> memref<128xi32, #tpu.memory_space<vmem>>
      %dma_start3A_147 = arith.constant 0 : i32
      %dma_start3A_148 = arith.constant 0 : i32
      %dma_start3A_149 = tpu.memref_slice %arg2[%dma_start3A_147, %dma_start3A_148] : memref<10000x128xf32, #tpu.memory_space<hbm>> -> memref<10000x128xf32, #tpu.memory_space<hbm>>
      tpu.enqueue_indirect_dma source(%dma_start3A_149 : memref<10000x128xf32, #tpu.memory_space<hbm>>) target(%arg10 : memref<128x128xf32, #tpu.memory_space<vmem>>) offsets(%dma_start3A_146 : memref<128xi32, #tpu.memory_space<vmem>>) semaphore(%arg15 : memref<!tpu.dma_semaphore, #tpu.memory_space<semaphore_mem>>)
      %add3A_150 = arith.constant 1 : i32
      %add3A_151 = arith.addi %add3A_113, %add3A_150 : i32
      %run_scoped3A_152 = arith.constant 1 : i32
      "tpu.region"() ({
        %run_scoped3A_154 = tpu.sem_alloc : memref<!tpu.dma_semaphore, #tpu.memory_space<semaphore_mem>>
        %dma_start3A_155 = arith.constant 0 : i32
        %dma_start3A_156 = tpu.memref_slice %arg9[%add3A_151, %run_scoped3A_152, %dma_start3A_155] : memref<40x2x128xi32, #tpu.memory_space<vmem>> -> memref<1x1x128xi32, #tpu.memory_space<vmem>>
        %dma_start3A_157 = tpu.memref_squeeze %dma_start3A_156 : memref<1x1x128xi32, #tpu.memory_space<vmem>> -> memref<128xi32, #tpu.memory_space<vmem>>
        %dma_start3A_158 = arith.constant 0 : i32
        %dma_start3A_159 = arith.constant 0 : i32
        %dma_start3A_160 = tpu.memref_slice %arg13[%dma_start3A_158, %dma_start3A_159] : memref<10000x128xf32, #tpu.memory_space<vmem_shared>> -> memref<10000x128xf32, #tpu.memory_space<vmem_shared>>
        tpu.enqueue_indirect_dma source(%arg11 : memref<128x128xf32, #tpu.memory_space<vmem>>) target(%dma_start3A_160 : memref<10000x128xf32, #tpu.memory_space<vmem_shared>>) offsets(%dma_start3A_157 : memref<128xi32, #tpu.memory_space<vmem>>) semaphore(%run_scoped3A_154 : memref<!tpu.dma_semaphore, #tpu.memory_space<semaphore_mem>>) {add = true}
        %dma_wait3A_161 = arith.constant 0 : i32
        %dma_wait3A_162 = tpu.memref_slice %arg9[%add3A_151, %run_scoped3A_152, %dma_wait3A_161] : memref<40x2x128xi32, #tpu.memory_space<vmem>> -> memref<1x1x128xi32, #tpu.memory_space<vmem>>
        %dma_wait3A_163 = tpu.memref_squeeze %dma_wait3A_162 : memref<1x1x128xi32, #tpu.memory_space<vmem>> -> memref<128xi32, #tpu.memory_space<vmem>>
        %dma_wait3A_164 = arith.constant 0 : i32
        %dma_wait3A_165 = arith.constant 0 : i32
        %dma_wait3A_166 = tpu.memref_slice %arg13[%dma_wait3A_164, %dma_wait3A_165] : memref<10000x128xf32, #tpu.memory_space<vmem_shared>> -> memref<10000x128xf32, #tpu.memory_space<vmem_shared>>
        tpu.wait_indirect_dma semaphore(%run_scoped3A_154 : memref<!tpu.dma_semaphore, #tpu.memory_space<semaphore_mem>>) src(%arg11 : memref<128x128xf32, #tpu.memory_space<vmem>>) dst(%dma_wait3A_166 : memref<10000x128xf32, #tpu.memory_space<vmem_shared>>)
        tpu.yield
      }) : () -> ()
      %run_scoped3A_153 = arith.constant 1 : i32
      "tpu.region"() ({
        %run_scoped3A_154 = tpu.sem_alloc : memref<!tpu.dma_semaphore, #tpu.memory_space<semaphore_mem>>
        %dma_start3A_155 = arith.constant 0 : i32
        %dma_start3A_156 = tpu.memref_slice %arg9[%add3A_151, %run_scoped3A_153, %dma_start3A_155] : memref<40x2x128xi32, #tpu.memory_space<vmem>> -> memref<1x1x128xi32, #tpu.memory_space<vmem>>
        %dma_start3A_157 = tpu.memref_squeeze %dma_start3A_156 : memref<1x1x128xi32, #tpu.memory_space<vmem>> -> memref<128xi32, #tpu.memory_space<vmem>>
        %dma_start3A_158 = arith.constant 0 : i32
        %dma_start3A_159 = arith.constant 0 : i32
        %dma_start3A_160 = tpu.memref_slice %arg14[%dma_start3A_158, %dma_start3A_159] : memref<10000x8xf32, #tpu.memory_space<vmem_shared>> -> memref<10000x8xf32, #tpu.memory_space<vmem_shared>>
        tpu.enqueue_indirect_dma source(%arg12 : memref<128x8xf32, #tpu.memory_space<vmem>>) target(%dma_start3A_160 : memref<10000x8xf32, #tpu.memory_space<vmem_shared>>) offsets(%dma_start3A_157 : memref<128xi32, #tpu.memory_space<vmem>>) semaphore(%run_scoped3A_154 : memref<!tpu.dma_semaphore, #tpu.memory_space<semaphore_mem>>) {add = true}
        %dma_wait3A_161 = arith.constant 0 : i32
        %dma_wait3A_162 = tpu.memref_slice %arg9[%add3A_151, %run_scoped3A_153, %dma_wait3A_161] : memref<40x2x128xi32, #tpu.memory_space<vmem>> -> memref<1x1x128xi32, #tpu.memory_space<vmem>>
        %dma_wait3A_163 = tpu.memref_squeeze %dma_wait3A_162 : memref<1x1x128xi32, #tpu.memory_space<vmem>> -> memref<128xi32, #tpu.memory_space<vmem>>
        %dma_wait3A_164 = arith.constant 0 : i32
        %dma_wait3A_165 = arith.constant 0 : i32
        %dma_wait3A_166 = tpu.memref_slice %arg14[%dma_wait3A_164, %dma_wait3A_165] : memref<10000x8xf32, #tpu.memory_space<vmem_shared>> -> memref<10000x8xf32, #tpu.memory_space<vmem_shared>>
        tpu.wait_indirect_dma semaphore(%run_scoped3A_154 : memref<!tpu.dma_semaphore, #tpu.memory_space<semaphore_mem>>) src(%arg12 : memref<128x8xf32, #tpu.memory_space<vmem>>) dst(%dma_wait3A_166 : memref<10000x8xf32, #tpu.memory_space<vmem_shared>>)
        tpu.yield
      }) : () -> ()
    }
    %scan3A_65 = arith.constant 18 : i32
    %dma_wait3A_66 = arith.constant 38 : i32
    %dma_wait3A_67 = arith.constant 0 : i32
    %dma_wait3A_68 = arith.constant 0 : i32
    %dma_wait3A_69 = tpu.memref_slice %arg9[%dma_wait3A_66, %dma_wait3A_67, %dma_wait3A_68] : memref<40x2x128xi32, #tpu.memory_space<vmem>> -> memref<1x1x128xi32, #tpu.memory_space<vmem>>
    %dma_wait3A_70 = tpu.memref_squeeze %dma_wait3A_69 : memref<1x1x128xi32, #tpu.memory_space<vmem>> -> memref<128xi32, #tpu.memory_space<vmem>>
    %dma_wait3A_71 = arith.constant 0 : i32
    %dma_wait3A_72 = arith.constant 0 : i32
    %dma_wait3A_73 = tpu.memref_slice %arg2[%dma_wait3A_71, %dma_wait3A_72] : memref<10000x128xf32, #tpu.memory_space<hbm>> -> memref<10000x128xf32, #tpu.memory_space<hbm>>
    tpu.wait_indirect_dma semaphore(%arg15 : memref<!tpu.dma_semaphore, #tpu.memory_space<semaphore_mem>>) src(%dma_wait3A_73 : memref<10000x128xf32, #tpu.memory_space<hbm>>) dst(%arg10 : memref<128x128xf32, #tpu.memory_space<vmem>>)
    %dma_start3A_74 = arith.constant 39 : i32
    %dma_start3A_75 = arith.constant 0 : i32
    %dma_start3A_76 = arith.constant 0 : i32
    %dma_start3A_77 = tpu.memref_slice %arg9[%dma_start3A_74, %dma_start3A_75, %dma_start3A_76] : memref<40x2x128xi32, #tpu.memory_space<vmem>> -> memref<1x1x128xi32, #tpu.memory_space<vmem>>
    %dma_start3A_78 = tpu.memref_squeeze %dma_start3A_77 : memref<1x1x128xi32, #tpu.memory_space<vmem>> -> memref<128xi32, #tpu.memory_space<vmem>>
    %dma_start3A_79 = arith.constant 0 : i32
    %dma_start3A_80 = arith.constant 0 : i32
    %dma_start3A_81 = tpu.memref_slice %arg2[%dma_start3A_79, %dma_start3A_80] : memref<10000x128xf32, #tpu.memory_space<hbm>> -> memref<10000x128xf32, #tpu.memory_space<hbm>>
    tpu.enqueue_indirect_dma source(%dma_start3A_81 : memref<10000x128xf32, #tpu.memory_space<hbm>>) target(%arg11 : memref<128x128xf32, #tpu.memory_space<vmem>>) offsets(%dma_start3A_78 : memref<128xi32, #tpu.memory_space<vmem>>) semaphore(%arg16 : memref<!tpu.dma_semaphore, #tpu.memory_space<semaphore_mem>>)
    %run_scoped3A_82 = arith.constant 38 : i32
    %run_scoped3A_83 = arith.constant 1 : i32
    "tpu.region"() ({
      %run_scoped3A_109 = tpu.sem_alloc : memref<!tpu.dma_semaphore, #tpu.memory_space<semaphore_mem>>
      %dma_start3A_110 = arith.constant 0 : i32
      %dma_start3A_111 = tpu.memref_slice %arg9[%run_scoped3A_82, %run_scoped3A_83, %dma_start3A_110] : memref<40x2x128xi32, #tpu.memory_space<vmem>> -> memref<1x1x128xi32, #tpu.memory_space<vmem>>
      %dma_start3A_112 = tpu.memref_squeeze %dma_start3A_111 : memref<1x1x128xi32, #tpu.memory_space<vmem>> -> memref<128xi32, #tpu.memory_space<vmem>>
      %dma_start3A_113 = arith.constant 0 : i32
      %dma_start3A_114 = arith.constant 0 : i32
      %dma_start3A_115 = tpu.memref_slice %arg13[%dma_start3A_113, %dma_start3A_114] : memref<10000x128xf32, #tpu.memory_space<vmem_shared>> -> memref<10000x128xf32, #tpu.memory_space<vmem_shared>>
      tpu.enqueue_indirect_dma source(%arg10 : memref<128x128xf32, #tpu.memory_space<vmem>>) target(%dma_start3A_115 : memref<10000x128xf32, #tpu.memory_space<vmem_shared>>) offsets(%dma_start3A_112 : memref<128xi32, #tpu.memory_space<vmem>>) semaphore(%run_scoped3A_109 : memref<!tpu.dma_semaphore, #tpu.memory_space<semaphore_mem>>) {add = true}
      %dma_wait3A_116 = arith.constant 0 : i32
      %dma_wait3A_117 = tpu.memref_slice %arg9[%run_scoped3A_82, %run_scoped3A_83, %dma_wait3A_116] : memref<40x2x128xi32, #tpu.memory_space<vmem>> -> memref<1x1x128xi32, #tpu.memory_space<vmem>>
      %dma_wait3A_118 = tpu.memref_squeeze %dma_wait3A_117 : memref<1x1x128xi32, #tpu.memory_space<vmem>> -> memref<128xi32, #tpu.memory_space<vmem>>
      %dma_wait3A_119 = arith.constant 0 : i32
      %dma_wait3A_120 = arith.constant 0 : i32
      %dma_wait3A_121 = tpu.memref_slice %arg13[%dma_wait3A_119, %dma_wait3A_120] : memref<10000x128xf32, #tpu.memory_space<vmem_shared>> -> memref<10000x128xf32, #tpu.memory_space<vmem_shared>>
      tpu.wait_indirect_dma semaphore(%run_scoped3A_109 : memref<!tpu.dma_semaphore, #tpu.memory_space<semaphore_mem>>) src(%arg10 : memref<128x128xf32, #tpu.memory_space<vmem>>) dst(%dma_wait3A_121 : memref<10000x128xf32, #tpu.memory_space<vmem_shared>>)
      tpu.yield
    }) : () -> ()
    %run_scoped3A_84 = arith.constant 38 : i32
    %run_scoped3A_85 = arith.constant 1 : i32
    "tpu.region"() ({
      %run_scoped3A_109 = tpu.sem_alloc : memref<!tpu.dma_semaphore, #tpu.memory_space<semaphore_mem>>
      %dma_start3A_110 = arith.constant 0 : i32
      %dma_start3A_111 = tpu.memref_slice %arg9[%run_scoped3A_84, %run_scoped3A_85, %dma_start3A_110] : memref<40x2x128xi32, #tpu.memory_space<vmem>> -> memref<1x1x128xi32, #tpu.memory_space<vmem>>
      %dma_start3A_112 = tpu.memref_squeeze %dma_start3A_111 : memref<1x1x128xi32, #tpu.memory_space<vmem>> -> memref<128xi32, #tpu.memory_space<vmem>>
      %dma_start3A_113 = arith.constant 0 : i32
      %dma_start3A_114 = arith.constant 0 : i32
      %dma_start3A_115 = tpu.memref_slice %arg14[%dma_start3A_113, %dma_start3A_114] : memref<10000x8xf32, #tpu.memory_space<vmem_shared>> -> memref<10000x8xf32, #tpu.memory_space<vmem_shared>>
      tpu.enqueue_indirect_dma source(%arg12 : memref<128x8xf32, #tpu.memory_space<vmem>>) target(%dma_start3A_115 : memref<10000x8xf32, #tpu.memory_space<vmem_shared>>) offsets(%dma_start3A_112 : memref<128xi32, #tpu.memory_space<vmem>>) semaphore(%run_scoped3A_109 : memref<!tpu.dma_semaphore, #tpu.memory_space<semaphore_mem>>) {add = true}
      %dma_wait3A_116 = arith.constant 0 : i32
      %dma_wait3A_117 = tpu.memref_slice %arg9[%run_scoped3A_84, %run_scoped3A_85, %dma_wait3A_116] : memref<40x2x128xi32, #tpu.memory_space<vmem>> -> memref<1x1x128xi32, #tpu.memory_space<vmem>>
      %dma_wait3A_118 = tpu.memref_squeeze %dma_wait3A_117 : memref<1x1x128xi32, #tpu.memory_space<vmem>> -> memref<128xi32, #tpu.memory_space<vmem>>
      %dma_wait3A_119 = arith.constant 0 : i32
      %dma_wait3A_120 = arith.constant 0 : i32
      %dma_wait3A_121 = tpu.memref_slice %arg14[%dma_wait3A_119, %dma_wait3A_120] : memref<10000x8xf32, #tpu.memory_space<vmem_shared>> -> memref<10000x8xf32, #tpu.memory_space<vmem_shared>>
      tpu.wait_indirect_dma semaphore(%run_scoped3A_109 : memref<!tpu.dma_semaphore, #tpu.memory_space<semaphore_mem>>) src(%arg12 : memref<128x8xf32, #tpu.memory_space<vmem>>) dst(%dma_wait3A_121 : memref<10000x8xf32, #tpu.memory_space<vmem_shared>>)
      tpu.yield
    }) : () -> ()
    %dma_wait3A_86 = arith.constant 39 : i32
    %dma_wait3A_87 = arith.constant 0 : i32
    %dma_wait3A_88 = arith.constant 0 : i32
    %dma_wait3A_89 = tpu.memref_slice %arg9[%dma_wait3A_86, %dma_wait3A_87, %dma_wait3A_88] : memref<40x2x128xi32, #tpu.memory_space<vmem>> -> memref<1x1x128xi32, #tpu.memory_space<vmem>>
    %dma_wait3A_90 = tpu.memref_squeeze %dma_wait3A_89 : memref<1x1x128xi32, #tpu.memory_space<vmem>> -> memref<128xi32, #tpu.memory_space<vmem>>
    %dma_wait3A_91 = arith.constant 0 : i32
    %dma_wait3A_92 = arith.constant 0 : i32
    %dma_wait3A_93 = tpu.memref_slice %arg2[%dma_wait3A_91, %dma_wait3A_92] : memref<10000x128xf32, #tpu.memory_space<hbm>> -> memref<10000x128xf32, #tpu.memory_space<hbm>>
    tpu.wait_indirect_dma semaphore(%arg16 : memref<!tpu.dma_semaphore, #tpu.memory_space<semaphore_mem>>) src(%dma_wait3A_93 : memref<10000x128xf32, #tpu.memory_space<hbm>>) dst(%arg11 : memref<128x128xf32, #tpu.memory_space<vmem>>)
    %run_scoped3A_94 = arith.constant 39 : i32
    %run_scoped3A_95 = arith.constant 1 : i32
    "tpu.region"() ({
      %run_scoped3A_109 = tpu.sem_alloc : memref<!tpu.dma_semaphore, #tpu.memory_space<semaphore_mem>>
      %dma_start3A_110 = arith.constant 0 : i32
      %dma_start3A_111 = tpu.memref_slice %arg9[%run_scoped3A_94, %run_scoped3A_95, %dma_start3A_110] : memref<40x2x128xi32, #tpu.memory_space<vmem>> -> memref<1x1x128xi32, #tpu.memory_space<vmem>>
      %dma_start3A_112 = tpu.memref_squeeze %dma_start3A_111 : memref<1x1x128xi32, #tpu.memory_space<vmem>> -> memref<128xi32, #tpu.memory_space<vmem>>
      %dma_start3A_113 = arith.constant 0 : i32
      %dma_start3A_114 = arith.constant 0 : i32
      %dma_start3A_115 = tpu.memref_slice %arg13[%dma_start3A_113, %dma_start3A_114] : memref<10000x128xf32, #tpu.memory_space<vmem_shared>> -> memref<10000x128xf32, #tpu.memory_space<vmem_shared>>
      tpu.enqueue_indirect_dma source(%arg11 : memref<128x128xf32, #tpu.memory_space<vmem>>) target(%dma_start3A_115 : memref<10000x128xf32, #tpu.memory_space<vmem_shared>>) offsets(%dma_start3A_112 : memref<128xi32, #tpu.memory_space<vmem>>) semaphore(%run_scoped3A_109 : memref<!tpu.dma_semaphore, #tpu.memory_space<semaphore_mem>>) {add = true}
      %dma_wait3A_116 = arith.constant 0 : i32
      %dma_wait3A_117 = tpu.memref_slice %arg9[%run_scoped3A_94, %run_scoped3A_95, %dma_wait3A_116] : memref<40x2x128xi32, #tpu.memory_space<vmem>> -> memref<1x1x128xi32, #tpu.memory_space<vmem>>
      %dma_wait3A_118 = tpu.memref_squeeze %dma_wait3A_117 : memref<1x1x128xi32, #tpu.memory_space<vmem>> -> memref<128xi32, #tpu.memory_space<vmem>>
      %dma_wait3A_119 = arith.constant 0 : i32
      %dma_wait3A_120 = arith.constant 0 : i32
      %dma_wait3A_121 = tpu.memref_slice %arg13[%dma_wait3A_119, %dma_wait3A_120] : memref<10000x128xf32, #tpu.memory_space<vmem_shared>> -> memref<10000x128xf32, #tpu.memory_space<vmem_shared>>
      tpu.wait_indirect_dma semaphore(%run_scoped3A_109 : memref<!tpu.dma_semaphore, #tpu.memory_space<semaphore_mem>>) src(%arg11 : memref<128x128xf32, #tpu.memory_space<vmem>>) dst(%dma_wait3A_121 : memref<10000x128xf32, #tpu.memory_space<vmem_shared>>)
      tpu.yield
    }) : () -> ()
    %run_scoped3A_96 = arith.constant 39 : i32
    %run_scoped3A_97 = arith.constant 1 : i32
    "tpu.region"() ({
      %run_scoped3A_109 = tpu.sem_alloc : memref<!tpu.dma_semaphore, #tpu.memory_space<semaphore_mem>>
      %dma_start3A_110 = arith.constant 0 : i32
      %dma_start3A_111 = tpu.memref_slice %arg9[%run_scoped3A_96, %run_scoped3A_97, %dma_start3A_110] : memref<40x2x128xi32, #tpu.memory_space<vmem>> -> memref<1x1x128xi32, #tpu.memory_space<vmem>>
      %dma_start3A_112 = tpu.memref_squeeze %dma_start3A_111 : memref<1x1x128xi32, #tpu.memory_space<vmem>> -> memref<128xi32, #tpu.memory_space<vmem>>
      %dma_start3A_113 = arith.constant 0 : i32
      %dma_start3A_114 = arith.constant 0 : i32
      %dma_start3A_115 = tpu.memref_slice %arg14[%dma_start3A_113, %dma_start3A_114] : memref<10000x8xf32, #tpu.memory_space<vmem_shared>> -> memref<10000x8xf32, #tpu.memory_space<vmem_shared>>
      tpu.enqueue_indirect_dma source(%arg12 : memref<128x8xf32, #tpu.memory_space<vmem>>) target(%dma_start3A_115 : memref<10000x8xf32, #tpu.memory_space<vmem_shared>>) offsets(%dma_start3A_112 : memref<128xi32, #tpu.memory_space<vmem>>) semaphore(%run_scoped3A_109 : memref<!tpu.dma_semaphore, #tpu.memory_space<semaphore_mem>>) {add = true}
      %dma_wait3A_116 = arith.constant 0 : i32
      %dma_wait3A_117 = tpu.memref_slice %arg9[%run_scoped3A_96, %run_scoped3A_97, %dma_wait3A_116] : memref<40x2x128xi32, #tpu.memory_space<vmem>> -> memref<1x1x128xi32, #tpu.memory_space<vmem>>
      %dma_wait3A_118 = tpu.memref_squeeze %dma_wait3A_117 : memref<1x1x128xi32, #tpu.memory_space<vmem>> -> memref<128xi32, #tpu.memory_space<vmem>>
      %dma_wait3A_119 = arith.constant 0 : i32
      %dma_wait3A_120 = arith.constant 0 : i32
      %dma_wait3A_121 = tpu.memref_slice %arg14[%dma_wait3A_119, %dma_wait3A_120] : memref<10000x8xf32, #tpu.memory_space<vmem_shared>> -> memref<10000x8xf32, #tpu.memory_space<vmem_shared>>
      tpu.wait_indirect_dma semaphore(%run_scoped3A_109 : memref<!tpu.dma_semaphore, #tpu.memory_space<semaphore_mem>>) src(%arg12 : memref<128x8xf32, #tpu.memory_space<vmem>>) dst(%dma_wait3A_121 : memref<10000x8xf32, #tpu.memory_space<vmem_shared>>)
      tpu.yield
    }) : () -> ()
    %lt3A = arith.constant 4 : i32
    %lt3A_98 = arith.cmpi slt, %add3A, %lt3A : i32
    %convert_element_type3A = arith.extui %lt3A_98 : i1 to i32
    %cond3A = arith.constant 0 : i32
    %cond3A_99 = arith.cmpi ne, %convert_element_type3A, %cond3A : i32
    scf.if %cond3A_99 {
      %add3A_109 = arith.constant 2496 : i32
      %add3A_110 = arith.addi %add3A_109, %add3A : i32
      "tpu.region"() ({
        %run_scoped3A_131 = tpu.sem_alloc : memref<!tpu.dma_semaphore, #tpu.memory_space<semaphore_mem>>
        %dma_start3A_132 = arith.constant 0 : i32
        %dma_start3A_133 = arith.constant 0 : i32
        %dma_start3A_134 = arith.constant 0 : i32
        %dma_start3A_135 = tpu.memref_slice %arg9[%dma_start3A_132, %dma_start3A_133, %dma_start3A_134] : memref<40x2x128xi32, #tpu.memory_space<vmem>> -> memref<1x2x128xi32, #tpu.memory_space<vmem>>
        %dma_start3A_136 = arith.constant 0 : i32
        %dma_start3A_137 = arith.constant 0 : i32
        %dma_start3A_138 = tpu.memref_slice %arg3[%add3A_110, %dma_start3A_136, %dma_start3A_137] : memref<2500x2x128xi32, #tpu.memory_space<hbm>> -> memref<1x2x128xi32, #tpu.memory_space<hbm>>
        %dma_start3A_139 = arith.constant 0 : i32
        %dma_start3A_140 = arith.constant 0 : i32
        %dma_start3A_141 = arith.constant 0 : i32
        %dma_start3A_142 = tpu.memref_slice %arg9[%dma_start3A_139, %dma_start3A_140, %dma_start3A_141] : memref<40x2x128xi32, #tpu.memory_space<vmem>> -> memref<1x2x128xi32, #tpu.memory_space<vmem>>
        %dma_start3A_143 = arith.constant 0 : i32
        %dma_start3A_144 = arith.constant 0 : i32
        %dma_start3A_145 = tpu.memref_slice %arg3[%add3A_110, %dma_start3A_143, %dma_start3A_144] : memref<2500x2x128xi32, #tpu.memory_space<hbm>> -> memref<1x2x128xi32, #tpu.memory_space<hbm>>
        tpu.enqueue_dma source(%dma_start3A_145 : memref<1x2x128xi32, #tpu.memory_space<hbm>>) target(%dma_start3A_142 : memref<1x2x128xi32, #tpu.memory_space<vmem>>) target_semaphore(%run_scoped3A_131 : memref<!tpu.dma_semaphore, #tpu.memory_space<semaphore_mem>>)
        %dma_wait3A_146 = arith.constant 0 : i32
        %dma_wait3A_147 = arith.constant 0 : i32
        %dma_wait3A_148 = arith.constant 0 : i32
        %dma_wait3A_149 = tpu.memref_slice %arg9[%dma_wait3A_146, %dma_wait3A_147, %dma_wait3A_148] : memref<40x2x128xi32, #tpu.memory_space<vmem>> -> memref<1x2x128xi32, #tpu.memory_space<vmem>>
        %dma_wait3A_150 = arith.constant 0 : i32
        %dma_wait3A_151 = arith.constant 0 : i32
        %dma_wait3A_152 = tpu.memref_slice %arg3[%add3A_110, %dma_wait3A_150, %dma_wait3A_151] : memref<2500x2x128xi32, #tpu.memory_space<hbm>> -> memref<1x2x128xi32, #tpu.memory_space<hbm>>
        %dma_wait3A_153 = arith.constant 0 : i32
        %dma_wait3A_154 = arith.constant 0 : i32
        %dma_wait3A_155 = arith.constant 0 : i32
        %dma_wait3A_156 = tpu.memref_slice %arg9[%dma_wait3A_153, %dma_wait3A_154, %dma_wait3A_155] : memref<40x2x128xi32, #tpu.memory_space<vmem>> -> memref<1x2x128xi32, #tpu.memory_space<vmem>>
        %dma_wait3A_157 = arith.constant 0 : i32
        %dma_wait3A_158 = arith.constant 0 : i32
        %dma_wait3A_159 = tpu.memref_slice %arg3[%add3A_110, %dma_wait3A_157, %dma_wait3A_158] : memref<2500x2x128xi32, #tpu.memory_space<hbm>> -> memref<1x2x128xi32, #tpu.memory_space<hbm>>
        tpu.wait_dma2 semaphore(%run_scoped3A_131 : memref<!tpu.dma_semaphore, #tpu.memory_space<semaphore_mem>>) src(%dma_wait3A_159 : memref<1x2x128xi32, #tpu.memory_space<hbm>>) dst(%dma_wait3A_156 : memref<1x2x128xi32, #tpu.memory_space<vmem>>)
        tpu.yield
      }) : () -> ()
      %dma_start3A_111 = arith.constant 0 : i32
      %dma_start3A_112 = arith.constant 0 : i32
      %dma_start3A_113 = arith.constant 0 : i32
      %dma_start3A_114 = tpu.memref_slice %arg9[%dma_start3A_111, %dma_start3A_112, %dma_start3A_113] : memref<40x2x128xi32, #tpu.memory_space<vmem>> -> memref<1x1x128xi32, #tpu.memory_space<vmem>>
      %dma_start3A_115 = tpu.memref_squeeze %dma_start3A_114 : memref<1x1x128xi32, #tpu.memory_space<vmem>> -> memref<128xi32, #tpu.memory_space<vmem>>
      %dma_start3A_116 = arith.constant 0 : i32
      %dma_start3A_117 = arith.constant 0 : i32
      %dma_start3A_118 = tpu.memref_slice %arg2[%dma_start3A_116, %dma_start3A_117] : memref<10000x128xf32, #tpu.memory_space<hbm>> -> memref<10000x128xf32, #tpu.memory_space<hbm>>
      tpu.enqueue_indirect_dma source(%dma_start3A_118 : memref<10000x128xf32, #tpu.memory_space<hbm>>) target(%arg10 : memref<128x128xf32, #tpu.memory_space<vmem>>) offsets(%dma_start3A_115 : memref<128xi32, #tpu.memory_space<vmem>>) semaphore(%arg15 : memref<!tpu.dma_semaphore, #tpu.memory_space<semaphore_mem>>)
      %dma_wait3A_119 = arith.constant 0 : i32
      %dma_wait3A_120 = arith.constant 0 : i32
      %dma_wait3A_121 = arith.constant 0 : i32
      %dma_wait3A_122 = tpu.memref_slice %arg9[%dma_wait3A_119, %dma_wait3A_120, %dma_wait3A_121] : memref<40x2x128xi32, #tpu.memory_space<vmem>> -> memref<1x1x128xi32, #tpu.memory_space<vmem>>
      %dma_wait3A_123 = tpu.memref_squeeze %dma_wait3A_122 : memref<1x1x128xi32, #tpu.memory_space<vmem>> -> memref<128xi32, #tpu.memory_space<vmem>>
      %dma_wait3A_124 = arith.constant 0 : i32
      %dma_wait3A_125 = arith.constant 0 : i32
      %dma_wait3A_126 = tpu.memref_slice %arg2[%dma_wait3A_124, %dma_wait3A_125] : memref<10000x128xf32, #tpu.memory_space<hbm>> -> memref<10000x128xf32, #tpu.memory_space<hbm>>
      tpu.wait_indirect_dma semaphore(%arg15 : memref<!tpu.dma_semaphore, #tpu.memory_space<semaphore_mem>>) src(%dma_wait3A_126 : memref<10000x128xf32, #tpu.memory_space<hbm>>) dst(%arg10 : memref<128x128xf32, #tpu.memory_space<vmem>>)
      %run_scoped3A_127 = arith.constant 0 : i32
      %run_scoped3A_128 = arith.constant 1 : i32
      "tpu.region"() ({
        %run_scoped3A_131 = tpu.sem_alloc : memref<!tpu.dma_semaphore, #tpu.memory_space<semaphore_mem>>
        %dma_start3A_132 = arith.constant 0 : i32
        %dma_start3A_133 = tpu.memref_slice %arg9[%run_scoped3A_127, %run_scoped3A_128, %dma_start3A_132] : memref<40x2x128xi32, #tpu.memory_space<vmem>> -> memref<1x1x128xi32, #tpu.memory_space<vmem>>
        %dma_start3A_134 = tpu.memref_squeeze %dma_start3A_133 : memref<1x1x128xi32, #tpu.memory_space<vmem>> -> memref<128xi32, #tpu.memory_space<vmem>>
        %dma_start3A_135 = arith.constant 0 : i32
        %dma_start3A_136 = arith.constant 0 : i32
        %dma_start3A_137 = tpu.memref_slice %arg13[%dma_start3A_135, %dma_start3A_136] : memref<10000x128xf32, #tpu.memory_space<vmem_shared>> -> memref<10000x128xf32, #tpu.memory_space<vmem_shared>>
        tpu.enqueue_indirect_dma source(%arg10 : memref<128x128xf32, #tpu.memory_space<vmem>>) target(%dma_start3A_137 : memref<10000x128xf32, #tpu.memory_space<vmem_shared>>) offsets(%dma_start3A_134 : memref<128xi32, #tpu.memory_space<vmem>>) semaphore(%run_scoped3A_131 : memref<!tpu.dma_semaphore, #tpu.memory_space<semaphore_mem>>) {add = true}
        %dma_wait3A_138 = arith.constant 0 : i32
        %dma_wait3A_139 = tpu.memref_slice %arg9[%run_scoped3A_127, %run_scoped3A_128, %dma_wait3A_138] : memref<40x2x128xi32, #tpu.memory_space<vmem>> -> memref<1x1x128xi32, #tpu.memory_space<vmem>>
        %dma_wait3A_140 = tpu.memref_squeeze %dma_wait3A_139 : memref<1x1x128xi32, #tpu.memory_space<vmem>> -> memref<128xi32, #tpu.memory_space<vmem>>
        %dma_wait3A_141 = arith.constant 0 : i32
        %dma_wait3A_142 = arith.constant 0 : i32
        %dma_wait3A_143 = tpu.memref_slice %arg13[%dma_wait3A_141, %dma_wait3A_142] : memref<10000x128xf32, #tpu.memory_space<vmem_shared>> -> memref<10000x128xf32, #tpu.memory_space<vmem_shared>>
        tpu.wait_indirect_dma semaphore(%run_scoped3A_131 : memref<!tpu.dma_semaphore, #tpu.memory_space<semaphore_mem>>) src(%arg10 : memref<128x128xf32, #tpu.memory_space<vmem>>) dst(%dma_wait3A_143 : memref<10000x128xf32, #tpu.memory_space<vmem_shared>>)
        tpu.yield
      }) : () -> ()
      %run_scoped3A_129 = arith.constant 0 : i32
      %run_scoped3A_130 = arith.constant 1 : i32
      "tpu.region"() ({
        %run_scoped3A_131 = tpu.sem_alloc : memref<!tpu.dma_semaphore, #tpu.memory_space<semaphore_mem>>
        %dma_start3A_132 = arith.constant 0 : i32
        %dma_start3A_133 = tpu.memref_slice %arg9[%run_scoped3A_129, %run_scoped3A_130, %dma_start3A_132] : memref<40x2x128xi32, #tpu.memory_space<vmem>> -> memref<1x1x128xi32, #tpu.memory_space<vmem>>
        %dma_start3A_134 = tpu.memref_squeeze %dma_start3A_133 : memref<1x1x128xi32, #tpu.memory_space<vmem>> -> memref<128xi32, #tpu.memory_space<vmem>>
        %dma_start3A_135 = arith.constant 0 : i32
        %dma_start3A_136 = arith.constant 0 : i32
        %dma_start3A_137 = tpu.memref_slice %arg14[%dma_start3A_135, %dma_start3A_136] : memref<10000x8xf32, #tpu.memory_space<vmem_shared>> -> memref<10000x8xf32, #tpu.memory_space<vmem_shared>>
        tpu.enqueue_indirect_dma source(%arg12 : memref<128x8xf32, #tpu.memory_space<vmem>>) target(%dma_start3A_137 : memref<10000x8xf32, #tpu.memory_space<vmem_shared>>) offsets(%dma_start3A_134 : memref<128xi32, #tpu.memory_space<vmem>>) semaphore(%run_scoped3A_131 : memref<!tpu.dma_semaphore, #tpu.memory_space<semaphore_mem>>) {add = true}
        %dma_wait3A_138 = arith.constant 0 : i32
        %dma_wait3A_139 = tpu.memref_slice %arg9[%run_scoped3A_129, %run_scoped3A_130, %dma_wait3A_138] : memref<40x2x128xi32, #tpu.memory_space<vmem>> -> memref<1x1x128xi32, #tpu.memory_space<vmem>>
        %dma_wait3A_140 = tpu.memref_squeeze %dma_wait3A_139 : memref<1x1x128xi32, #tpu.memory_space<vmem>> -> memref<128xi32, #tpu.memory_space<vmem>>
        %dma_wait3A_141 = arith.constant 0 : i32
        %dma_wait3A_142 = arith.constant 0 : i32
        %dma_wait3A_143 = tpu.memref_slice %arg14[%dma_wait3A_141, %dma_wait3A_142] : memref<10000x8xf32, #tpu.memory_space<vmem_shared>> -> memref<10000x8xf32, #tpu.memory_space<vmem_shared>>
        tpu.wait_indirect_dma semaphore(%run_scoped3A_131 : memref<!tpu.dma_semaphore, #tpu.memory_space<semaphore_mem>>) src(%arg12 : memref<128x8xf32, #tpu.memory_space<vmem>>) dst(%dma_wait3A_143 : memref<10000x8xf32, #tpu.memory_space<vmem_shared>>)
        tpu.yield
      }) : () -> ()
    } else {
    }
    %barrier3A_100 = arith.constant 0 : index
    tpu.barrier barrier_id(%barrier3A_100)
    %mul3A_101 = arith.constant 625 : i32
    %mul3A_102 = arith.muli %arg1, %mul3A_101 : i32
    %mul3A_103 = arith.constant 625 : i32
    %mul3A_104 = arith.muli %arg1, %mul3A_103 : i32
    "tpu.region"() ({
      %run_scoped3A_109 = tpu.sem_alloc : memref<!tpu.dma_semaphore, #tpu.memory_space<semaphore_mem>>
      %dma_start3A_110 = arith.constant 0 : i32
      %dma_start3A_111 = tpu.memref_slice %arg7[%arg0, %mul3A_104, %dma_start3A_110] : memref<2x10000x128xf32, #tpu.memory_space<hbm>> -> memref<1x625x128xf32, #tpu.memory_space<hbm>>
      %dma_start3A_112 = tpu.memref_squeeze %dma_start3A_111 : memref<1x625x128xf32, #tpu.memory_space<hbm>> -> memref<625x128xf32, #tpu.memory_space<hbm>>
      %dma_start3A_113 = arith.constant 0 : i32
      %dma_start3A_114 = tpu.memref_slice %arg13[%mul3A_102, %dma_start3A_113] : memref<10000x128xf32, #tpu.memory_space<vmem_shared>> -> memref<625x128xf32, #tpu.memory_space<vmem_shared>>
      tpu.enqueue_dma source(%dma_start3A_114 : memref<625x128xf32, #tpu.memory_space<vmem_shared>>) target(%dma_start3A_112 : memref<625x128xf32, #tpu.memory_space<hbm>>) target_semaphore(%run_scoped3A_109 : memref<!tpu.dma_semaphore, #tpu.memory_space<semaphore_mem>>)
      %dma_wait3A_115 = arith.constant 0 : i32
      %dma_wait3A_116 = tpu.memref_slice %arg7[%arg0, %mul3A_104, %dma_wait3A_115] : memref<2x10000x128xf32, #tpu.memory_space<hbm>> -> memref<1x625x128xf32, #tpu.memory_space<hbm>>
      %dma_wait3A_117 = tpu.memref_squeeze %dma_wait3A_116 : memref<1x625x128xf32, #tpu.memory_space<hbm>> -> memref<625x128xf32, #tpu.memory_space<hbm>>
      %dma_wait3A_118 = arith.constant 0 : i32
      %dma_wait3A_119 = tpu.memref_slice %arg13[%mul3A_102, %dma_wait3A_118] : memref<10000x128xf32, #tpu.memory_space<vmem_shared>> -> memref<625x128xf32, #tpu.memory_space<vmem_shared>>
      tpu.wait_dma2 semaphore(%run_scoped3A_109 : memref<!tpu.dma_semaphore, #tpu.memory_space<semaphore_mem>>) src(%dma_wait3A_119 : memref<625x128xf32, #tpu.memory_space<vmem_shared>>) dst(%dma_wait3A_117 : memref<625x128xf32, #tpu.memory_space<hbm>>)
      tpu.yield
    }) : () -> ()
    %mul3A_105 = arith.constant 625 : i32
    %mul3A_106 = arith.muli %arg1, %mul3A_105 : i32
    %mul3A_107 = arith.constant 625 : i32
    %mul3A_108 = arith.muli %arg1, %mul3A_107 : i32
    "tpu.region"() ({
      %run_scoped3A_109 = tpu.sem_alloc : memref<!tpu.dma_semaphore, #tpu.memory_space<semaphore_mem>>
      %dma_start3A_110 = arith.constant 0 : i32
      %dma_start3A_111 = tpu.memref_slice %arg8[%arg0, %mul3A_108, %dma_start3A_110] : memref<2x10000x8xf32, #tpu.memory_space<hbm>> -> memref<1x625x8xf32, #tpu.memory_space<hbm>>
      %dma_start3A_112 = tpu.memref_squeeze %dma_start3A_111 : memref<1x625x8xf32, #tpu.memory_space<hbm>> -> memref<625x8xf32, #tpu.memory_space<hbm>>
      %dma_start3A_113 = arith.constant 0 : i32
      %dma_start3A_114 = tpu.memref_slice %arg14[%mul3A_106, %dma_start3A_113] : memref<10000x8xf32, #tpu.memory_space<vmem_shared>> -> memref<625x8xf32, #tpu.memory_space<vmem_shared>>
      tpu.enqueue_dma source(%dma_start3A_114 : memref<625x8xf32, #tpu.memory_space<vmem_shared>>) target(%dma_start3A_112 : memref<625x8xf32, #tpu.memory_space<hbm>>) target_semaphore(%run_scoped3A_109 : memref<!tpu.dma_semaphore, #tpu.memory_space<semaphore_mem>>)
      %dma_wait3A_115 = arith.constant 0 : i32
      %dma_wait3A_116 = tpu.memref_slice %arg8[%arg0, %mul3A_108, %dma_wait3A_115] : memref<2x10000x8xf32, #tpu.memory_space<hbm>> -> memref<1x625x8xf32, #tpu.memory_space<hbm>>
      %dma_wait3A_117 = tpu.memref_squeeze %dma_wait3A_116 : memref<1x625x8xf32, #tpu.memory_space<hbm>> -> memref<625x8xf32, #tpu.memory_space<hbm>>
      %dma_wait3A_118 = arith.constant 0 : i32
      %dma_wait3A_119 = tpu.memref_slice %arg14[%mul3A_106, %dma_wait3A_118] : memref<10000x8xf32, #tpu.memory_space<vmem_shared>> -> memref<625x8xf32, #tpu.memory_space<vmem_shared>>
      tpu.wait_dma2 semaphore(%run_scoped3A_109 : memref<!tpu.dma_semaphore, #tpu.memory_space<semaphore_mem>>) src(%dma_wait3A_119 : memref<625x8xf32, #tpu.memory_space<vmem_shared>>) dst(%dma_wait3A_117 : memref<625x8xf32, #tpu.memory_space<hbm>>)
      tpu.yield
    }) : () -> ()
    return
  }
}

#map = affine_map<(d0, d1) -> (0, 0)>
#map1 = affine_map<(d0, d1) -> (0, 0, 0)>
module attributes {stable_mosaic.version = 14 : i64} {
  func.func @_sc_agg2_body(%arg0: i32, %arg1: i32, %arg2: memref<10000x128xf32, #tpu.memory_space<hbm>>, %arg3: memref<2500x2x128xi32, #tpu.memory_space<hbm>>, %arg4: memref<625x128xf32, #tpu.memory_space<hbm>>, %arg5: memref<2x10000x128xf32, #tpu.memory_space<hbm>>, %arg6: memref<40x2x128xi32, #tpu.memory_space<vmem>>, %arg7: memref<128x128xf32, #tpu.memory_space<vmem>>, %arg8: memref<128x128xf32, #tpu.memory_space<vmem>>, %arg9: memref<10000x128xf32, #tpu.memory_space<vmem_shared>>, %arg10: memref<!tpu.dma_semaphore, #tpu.memory_space<semaphore_mem>>, %arg11: memref<!tpu.dma_semaphore, #tpu.memory_space<semaphore_mem>>) attributes {dimension_semantics = [#tpu.dimension_semantics<core_parallel>, #tpu.dimension_semantics<subcore_parallel>], iteration_bounds = array<i64: 2, 16>, scalar_prefetch = 0 : i64, scratch_operands = 6 : i64, tpu.core_type = #tpu.core_type<sc_vector_subcore>, window_params = [{transform_indices = #map}, {transform_indices = #map1}, {transform_indices = #map}, {transform_indices = #map1}]} {
    %mul3A = arith.constant 625 : i32
    %mul3A_0 = arith.muli %arg1, %mul3A : i32
    "tpu.region"() ({
      %run_scoped3A_95 = tpu.sem_alloc : memref<!tpu.dma_semaphore, #tpu.memory_space<semaphore_mem>>
      %dma_start3A_96 = arith.constant 0 : i32
      %dma_start3A_97 = tpu.memref_slice %arg9[%mul3A_0, %dma_start3A_96] : memref<10000x128xf32, #tpu.memory_space<vmem_shared>> -> memref<625x128xf32, #tpu.memory_space<vmem_shared>>
      tpu.enqueue_dma source(%arg4 : memref<625x128xf32, #tpu.memory_space<hbm>>) target(%dma_start3A_97 : memref<625x128xf32, #tpu.memory_space<vmem_shared>>) target_semaphore(%run_scoped3A_95 : memref<!tpu.dma_semaphore, #tpu.memory_space<semaphore_mem>>)
      %dma_wait3A_98 = arith.constant 0 : i32
      %dma_wait3A_99 = tpu.memref_slice %arg9[%mul3A_0, %dma_wait3A_98] : memref<10000x128xf32, #tpu.memory_space<vmem_shared>> -> memref<625x128xf32, #tpu.memory_space<vmem_shared>>
      tpu.wait_dma2 semaphore(%run_scoped3A_95 : memref<!tpu.dma_semaphore, #tpu.memory_space<semaphore_mem>>) src(%arg4 : memref<625x128xf32, #tpu.memory_space<hbm>>) dst(%dma_wait3A_99 : memref<625x128xf32, #tpu.memory_space<vmem_shared>>)
      tpu.yield
    }) : () -> ()
    %barrier3A = arith.constant 0 : index
    tpu.barrier barrier_id(%barrier3A)
    %mul3A_1 = arith.constant 16 : i32
    %mul3A_2 = arith.muli %arg0, %mul3A_1 : i32
    %add3A = arith.addi %mul3A_2, %arg1 : i32
    %mul3A_3 = arith.constant 78 : i32
    %mul3A_4 = arith.muli %mul3A_3, %add3A : i32
    "tpu.region"() ({
      %run_scoped3A_95 = tpu.sem_alloc : memref<!tpu.dma_semaphore, #tpu.memory_space<semaphore_mem>>
      %dma_start3A_96 = arith.constant 0 : i32
      %dma_start3A_97 = arith.constant 0 : i32
      %dma_start3A_98 = tpu.memref_slice %arg3[%mul3A_4, %dma_start3A_96, %dma_start3A_97] : memref<2500x2x128xi32, #tpu.memory_space<hbm>> -> memref<40x2x128xi32, #tpu.memory_space<hbm>>
      %dma_start3A_99 = arith.constant 0 : i32
      %dma_start3A_100 = arith.constant 0 : i32
      %dma_start3A_101 = tpu.memref_slice %arg3[%mul3A_4, %dma_start3A_99, %dma_start3A_100] : memref<2500x2x128xi32, #tpu.memory_space<hbm>> -> memref<40x2x128xi32, #tpu.memory_space<hbm>>
      tpu.enqueue_dma source(%dma_start3A_101 : memref<40x2x128xi32, #tpu.memory_space<hbm>>) target(%arg6 : memref<40x2x128xi32, #tpu.memory_space<vmem>>) target_semaphore(%run_scoped3A_95 : memref<!tpu.dma_semaphore, #tpu.memory_space<semaphore_mem>>)
      %dma_wait3A_102 = arith.constant 0 : i32
      %dma_wait3A_103 = arith.constant 0 : i32
      %dma_wait3A_104 = tpu.memref_slice %arg3[%mul3A_4, %dma_wait3A_102, %dma_wait3A_103] : memref<2500x2x128xi32, #tpu.memory_space<hbm>> -> memref<40x2x128xi32, #tpu.memory_space<hbm>>
      %dma_wait3A_105 = arith.constant 0 : i32
      %dma_wait3A_106 = arith.constant 0 : i32
      %dma_wait3A_107 = tpu.memref_slice %arg3[%mul3A_4, %dma_wait3A_105, %dma_wait3A_106] : memref<2500x2x128xi32, #tpu.memory_space<hbm>> -> memref<40x2x128xi32, #tpu.memory_space<hbm>>
      tpu.wait_dma2 semaphore(%run_scoped3A_95 : memref<!tpu.dma_semaphore, #tpu.memory_space<semaphore_mem>>) src(%dma_wait3A_107 : memref<40x2x128xi32, #tpu.memory_space<hbm>>) dst(%arg6 : memref<40x2x128xi32, #tpu.memory_space<vmem>>)
      tpu.yield
    }) : () -> ()
    %dma_start3A = arith.constant 0 : i32
    %dma_start3A_5 = arith.constant 0 : i32
    %dma_start3A_6 = arith.constant 0 : i32
    %dma_start3A_7 = tpu.memref_slice %arg6[%dma_start3A, %dma_start3A_5, %dma_start3A_6] : memref<40x2x128xi32, #tpu.memory_space<vmem>> -> memref<1x1x128xi32, #tpu.memory_space<vmem>>
    %dma_start3A_8 = tpu.memref_squeeze %dma_start3A_7 : memref<1x1x128xi32, #tpu.memory_space<vmem>> -> memref<128xi32, #tpu.memory_space<vmem>>
    %dma_start3A_9 = arith.constant 0 : i32
    %dma_start3A_10 = arith.constant 0 : i32
    %dma_start3A_11 = tpu.memref_slice %arg2[%dma_start3A_9, %dma_start3A_10] : memref<10000x128xf32, #tpu.memory_space<hbm>> -> memref<10000x128xf32, #tpu.memory_space<hbm>>
    tpu.enqueue_indirect_dma source(%dma_start3A_11 : memref<10000x128xf32, #tpu.memory_space<hbm>>) target(%arg7 : memref<128x128xf32, #tpu.memory_space<vmem>>) offsets(%dma_start3A_8 : memref<128xi32, #tpu.memory_space<vmem>>) semaphore(%arg10 : memref<!tpu.dma_semaphore, #tpu.memory_space<semaphore_mem>>)
    %scan3A = arith.constant 0 : i32
    %scan3A_12 = arith.constant 0 : i32
    %scan3A_13 = arith.constant 19 : i32
    %scan3A_14 = arith.addi %scan3A_12, %scan3A_13 : i32
    %scan3A_15 = arith.constant 1 : i32
    scf.for %scan3A_95 = %scan3A_12 to %scan3A_14 step %scan3A_15  : i32 {
      %mul3A_96 = arith.constant 2 : i32
      %mul3A_97 = arith.muli %mul3A_96, %scan3A_95 : i32
      %add3A_98 = arith.constant 0 : i32
      %add3A_99 = arith.addi %add3A_98, %mul3A_97 : i32
      %dma_wait3A_100 = arith.constant 0 : i32
      %dma_wait3A_101 = arith.constant 0 : i32
      %dma_wait3A_102 = tpu.memref_slice %arg6[%add3A_99, %dma_wait3A_100, %dma_wait3A_101] : memref<40x2x128xi32, #tpu.memory_space<vmem>> -> memref<1x1x128xi32, #tpu.memory_space<vmem>>
      %dma_wait3A_103 = tpu.memref_squeeze %dma_wait3A_102 : memref<1x1x128xi32, #tpu.memory_space<vmem>> -> memref<128xi32, #tpu.memory_space<vmem>>
      %dma_wait3A_104 = arith.constant 0 : i32
      %dma_wait3A_105 = arith.constant 0 : i32
      %dma_wait3A_106 = tpu.memref_slice %arg2[%dma_wait3A_104, %dma_wait3A_105] : memref<10000x128xf32, #tpu.memory_space<hbm>> -> memref<10000x128xf32, #tpu.memory_space<hbm>>
      tpu.wait_indirect_dma semaphore(%arg10 : memref<!tpu.dma_semaphore, #tpu.memory_space<semaphore_mem>>) src(%dma_wait3A_106 : memref<10000x128xf32, #tpu.memory_space<hbm>>) dst(%arg7 : memref<128x128xf32, #tpu.memory_space<vmem>>)
      %add3A_107 = arith.constant 1 : i32
      %add3A_108 = arith.addi %add3A_99, %add3A_107 : i32
      %dma_start3A_109 = arith.constant 0 : i32
      %dma_start3A_110 = arith.constant 0 : i32
      %dma_start3A_111 = tpu.memref_slice %arg6[%add3A_108, %dma_start3A_109, %dma_start3A_110] : memref<40x2x128xi32, #tpu.memory_space<vmem>> -> memref<1x1x128xi32, #tpu.memory_space<vmem>>
      %dma_start3A_112 = tpu.memref_squeeze %dma_start3A_111 : memref<1x1x128xi32, #tpu.memory_space<vmem>> -> memref<128xi32, #tpu.memory_space<vmem>>
      %dma_start3A_113 = arith.constant 0 : i32
      %dma_start3A_114 = arith.constant 0 : i32
      %dma_start3A_115 = tpu.memref_slice %arg2[%dma_start3A_113, %dma_start3A_114] : memref<10000x128xf32, #tpu.memory_space<hbm>> -> memref<10000x128xf32, #tpu.memory_space<hbm>>
      tpu.enqueue_indirect_dma source(%dma_start3A_115 : memref<10000x128xf32, #tpu.memory_space<hbm>>) target(%arg8 : memref<128x128xf32, #tpu.memory_space<vmem>>) offsets(%dma_start3A_112 : memref<128xi32, #tpu.memory_space<vmem>>) semaphore(%arg11 : memref<!tpu.dma_semaphore, #tpu.memory_space<semaphore_mem>>)
      %run_scoped3A_116 = arith.constant 1 : i32
      "tpu.region"() ({
        %run_scoped3A_138 = tpu.sem_alloc : memref<!tpu.dma_semaphore, #tpu.memory_space<semaphore_mem>>
        %dma_start3A_139 = arith.constant 0 : i32
        %dma_start3A_140 = tpu.memref_slice %arg6[%add3A_99, %run_scoped3A_116, %dma_start3A_139] : memref<40x2x128xi32, #tpu.memory_space<vmem>> -> memref<1x1x128xi32, #tpu.memory_space<vmem>>
        %dma_start3A_141 = tpu.memref_squeeze %dma_start3A_140 : memref<1x1x128xi32, #tpu.memory_space<vmem>> -> memref<128xi32, #tpu.memory_space<vmem>>
        %dma_start3A_142 = arith.constant 0 : i32
        %dma_start3A_143 = arith.constant 0 : i32
        %dma_start3A_144 = tpu.memref_slice %arg9[%dma_start3A_142, %dma_start3A_143] : memref<10000x128xf32, #tpu.memory_space<vmem_shared>> -> memref<10000x128xf32, #tpu.memory_space<vmem_shared>>
        tpu.enqueue_indirect_dma source(%arg7 : memref<128x128xf32, #tpu.memory_space<vmem>>) target(%dma_start3A_144 : memref<10000x128xf32, #tpu.memory_space<vmem_shared>>) offsets(%dma_start3A_141 : memref<128xi32, #tpu.memory_space<vmem>>) semaphore(%run_scoped3A_138 : memref<!tpu.dma_semaphore, #tpu.memory_space<semaphore_mem>>) {add = true}
        %dma_wait3A_145 = arith.constant 0 : i32
        %dma_wait3A_146 = tpu.memref_slice %arg6[%add3A_99, %run_scoped3A_116, %dma_wait3A_145] : memref<40x2x128xi32, #tpu.memory_space<vmem>> -> memref<1x1x128xi32, #tpu.memory_space<vmem>>
        %dma_wait3A_147 = tpu.memref_squeeze %dma_wait3A_146 : memref<1x1x128xi32, #tpu.memory_space<vmem>> -> memref<128xi32, #tpu.memory_space<vmem>>
        %dma_wait3A_148 = arith.constant 0 : i32
        %dma_wait3A_149 = arith.constant 0 : i32
        %dma_wait3A_150 = tpu.memref_slice %arg9[%dma_wait3A_148, %dma_wait3A_149] : memref<10000x128xf32, #tpu.memory_space<vmem_shared>> -> memref<10000x128xf32, #tpu.memory_space<vmem_shared>>
        tpu.wait_indirect_dma semaphore(%run_scoped3A_138 : memref<!tpu.dma_semaphore, #tpu.memory_space<semaphore_mem>>) src(%arg7 : memref<128x128xf32, #tpu.memory_space<vmem>>) dst(%dma_wait3A_150 : memref<10000x128xf32, #tpu.memory_space<vmem_shared>>)
        tpu.yield
      }) : () -> ()
      %add3A_117 = arith.constant 1 : i32
      %add3A_118 = arith.addi %add3A_99, %add3A_117 : i32
      %dma_wait3A_119 = arith.constant 0 : i32
      %dma_wait3A_120 = arith.constant 0 : i32
      %dma_wait3A_121 = tpu.memref_slice %arg6[%add3A_118, %dma_wait3A_119, %dma_wait3A_120] : memref<40x2x128xi32, #tpu.memory_space<vmem>> -> memref<1x1x128xi32, #tpu.memory_space<vmem>>
      %dma_wait3A_122 = tpu.memref_squeeze %dma_wait3A_121 : memref<1x1x128xi32, #tpu.memory_space<vmem>> -> memref<128xi32, #tpu.memory_space<vmem>>
      %dma_wait3A_123 = arith.constant 0 : i32
      %dma_wait3A_124 = arith.constant 0 : i32
      %dma_wait3A_125 = tpu.memref_slice %arg2[%dma_wait3A_123, %dma_wait3A_124] : memref<10000x128xf32, #tpu.memory_space<hbm>> -> memref<10000x128xf32, #tpu.memory_space<hbm>>
      tpu.wait_indirect_dma semaphore(%arg11 : memref<!tpu.dma_semaphore, #tpu.memory_space<semaphore_mem>>) src(%dma_wait3A_125 : memref<10000x128xf32, #tpu.memory_space<hbm>>) dst(%arg8 : memref<128x128xf32, #tpu.memory_space<vmem>>)
      %add3A_126 = arith.constant 2 : i32
      %add3A_127 = arith.addi %add3A_99, %add3A_126 : i32
      %dma_start3A_128 = arith.constant 0 : i32
      %dma_start3A_129 = arith.constant 0 : i32
      %dma_start3A_130 = tpu.memref_slice %arg6[%add3A_127, %dma_start3A_128, %dma_start3A_129] : memref<40x2x128xi32, #tpu.memory_space<vmem>> -> memref<1x1x128xi32, #tpu.memory_space<vmem>>
      %dma_start3A_131 = tpu.memref_squeeze %dma_start3A_130 : memref<1x1x128xi32, #tpu.memory_space<vmem>> -> memref<128xi32, #tpu.memory_space<vmem>>
      %dma_start3A_132 = arith.constant 0 : i32
      %dma_start3A_133 = arith.constant 0 : i32
      %dma_start3A_134 = tpu.memref_slice %arg2[%dma_start3A_132, %dma_start3A_133] : memref<10000x128xf32, #tpu.memory_space<hbm>> -> memref<10000x128xf32, #tpu.memory_space<hbm>>
      tpu.enqueue_indirect_dma source(%dma_start3A_134 : memref<10000x128xf32, #tpu.memory_space<hbm>>) target(%arg7 : memref<128x128xf32, #tpu.memory_space<vmem>>) offsets(%dma_start3A_131 : memref<128xi32, #tpu.memory_space<vmem>>) semaphore(%arg10 : memref<!tpu.dma_semaphore, #tpu.memory_space<semaphore_mem>>)
      %add3A_135 = arith.constant 1 : i32
      %add3A_136 = arith.addi %add3A_99, %add3A_135 : i32
      %run_scoped3A_137 = arith.constant 1 : i32
      "tpu.region"() ({
        %run_scoped3A_138 = tpu.sem_alloc : memref<!tpu.dma_semaphore, #tpu.memory_space<semaphore_mem>>
        %dma_start3A_139 = arith.constant 0 : i32
        %dma_start3A_140 = tpu.memref_slice %arg6[%add3A_136, %run_scoped3A_137, %dma_start3A_139] : memref<40x2x128xi32, #tpu.memory_space<vmem>> -> memref<1x1x128xi32, #tpu.memory_space<vmem>>
        %dma_start3A_141 = tpu.memref_squeeze %dma_start3A_140 : memref<1x1x128xi32, #tpu.memory_space<vmem>> -> memref<128xi32, #tpu.memory_space<vmem>>
        %dma_start3A_142 = arith.constant 0 : i32
        %dma_start3A_143 = arith.constant 0 : i32
        %dma_start3A_144 = tpu.memref_slice %arg9[%dma_start3A_142, %dma_start3A_143] : memref<10000x128xf32, #tpu.memory_space<vmem_shared>> -> memref<10000x128xf32, #tpu.memory_space<vmem_shared>>
        tpu.enqueue_indirect_dma source(%arg8 : memref<128x128xf32, #tpu.memory_space<vmem>>) target(%dma_start3A_144 : memref<10000x128xf32, #tpu.memory_space<vmem_shared>>) offsets(%dma_start3A_141 : memref<128xi32, #tpu.memory_space<vmem>>) semaphore(%run_scoped3A_138 : memref<!tpu.dma_semaphore, #tpu.memory_space<semaphore_mem>>) {add = true}
        %dma_wait3A_145 = arith.constant 0 : i32
        %dma_wait3A_146 = tpu.memref_slice %arg6[%add3A_136, %run_scoped3A_137, %dma_wait3A_145] : memref<40x2x128xi32, #tpu.memory_space<vmem>> -> memref<1x1x128xi32, #tpu.memory_space<vmem>>
        %dma_wait3A_147 = tpu.memref_squeeze %dma_wait3A_146 : memref<1x1x128xi32, #tpu.memory_space<vmem>> -> memref<128xi32, #tpu.memory_space<vmem>>
        %dma_wait3A_148 = arith.constant 0 : i32
        %dma_wait3A_149 = arith.constant 0 : i32
        %dma_wait3A_150 = tpu.memref_slice %arg9[%dma_wait3A_148, %dma_wait3A_149] : memref<10000x128xf32, #tpu.memory_space<vmem_shared>> -> memref<10000x128xf32, #tpu.memory_space<vmem_shared>>
        tpu.wait_indirect_dma semaphore(%run_scoped3A_138 : memref<!tpu.dma_semaphore, #tpu.memory_space<semaphore_mem>>) src(%arg8 : memref<128x128xf32, #tpu.memory_space<vmem>>) dst(%dma_wait3A_150 : memref<10000x128xf32, #tpu.memory_space<vmem_shared>>)
        tpu.yield
      }) : () -> ()
    }
    %scan3A_16 = arith.constant 19 : i32
    %dma_wait3A = arith.constant 38 : i32
    %dma_wait3A_17 = arith.constant 0 : i32
    %dma_wait3A_18 = arith.constant 0 : i32
    %dma_wait3A_19 = tpu.memref_slice %arg6[%dma_wait3A, %dma_wait3A_17, %dma_wait3A_18] : memref<40x2x128xi32, #tpu.memory_space<vmem>> -> memref<1x1x128xi32, #tpu.memory_space<vmem>>
    %dma_wait3A_20 = tpu.memref_squeeze %dma_wait3A_19 : memref<1x1x128xi32, #tpu.memory_space<vmem>> -> memref<128xi32, #tpu.memory_space<vmem>>
    %dma_wait3A_21 = arith.constant 0 : i32
    %dma_wait3A_22 = arith.constant 0 : i32
    %dma_wait3A_23 = tpu.memref_slice %arg2[%dma_wait3A_21, %dma_wait3A_22] : memref<10000x128xf32, #tpu.memory_space<hbm>> -> memref<10000x128xf32, #tpu.memory_space<hbm>>
    tpu.wait_indirect_dma semaphore(%arg10 : memref<!tpu.dma_semaphore, #tpu.memory_space<semaphore_mem>>) src(%dma_wait3A_23 : memref<10000x128xf32, #tpu.memory_space<hbm>>) dst(%arg7 : memref<128x128xf32, #tpu.memory_space<vmem>>)
    %dma_start3A_24 = arith.constant 39 : i32
    %dma_start3A_25 = arith.constant 0 : i32
    %dma_start3A_26 = arith.constant 0 : i32
    %dma_start3A_27 = tpu.memref_slice %arg6[%dma_start3A_24, %dma_start3A_25, %dma_start3A_26] : memref<40x2x128xi32, #tpu.memory_space<vmem>> -> memref<1x1x128xi32, #tpu.memory_space<vmem>>
    %dma_start3A_28 = tpu.memref_squeeze %dma_start3A_27 : memref<1x1x128xi32, #tpu.memory_space<vmem>> -> memref<128xi32, #tpu.memory_space<vmem>>
    %dma_start3A_29 = arith.constant 0 : i32
    %dma_start3A_30 = arith.constant 0 : i32
    %dma_start3A_31 = tpu.memref_slice %arg2[%dma_start3A_29, %dma_start3A_30] : memref<10000x128xf32, #tpu.memory_space<hbm>> -> memref<10000x128xf32, #tpu.memory_space<hbm>>
    tpu.enqueue_indirect_dma source(%dma_start3A_31 : memref<10000x128xf32, #tpu.memory_space<hbm>>) target(%arg8 : memref<128x128xf32, #tpu.memory_space<vmem>>) offsets(%dma_start3A_28 : memref<128xi32, #tpu.memory_space<vmem>>) semaphore(%arg11 : memref<!tpu.dma_semaphore, #tpu.memory_space<semaphore_mem>>)
    %run_scoped3A = arith.constant 38 : i32
    %run_scoped3A_32 = arith.constant 1 : i32
    "tpu.region"() ({
      %run_scoped3A_95 = tpu.sem_alloc : memref<!tpu.dma_semaphore, #tpu.memory_space<semaphore_mem>>
      %dma_start3A_96 = arith.constant 0 : i32
      %dma_start3A_97 = tpu.memref_slice %arg6[%run_scoped3A, %run_scoped3A_32, %dma_start3A_96] : memref<40x2x128xi32, #tpu.memory_space<vmem>> -> memref<1x1x128xi32, #tpu.memory_space<vmem>>
      %dma_start3A_98 = tpu.memref_squeeze %dma_start3A_97 : memref<1x1x128xi32, #tpu.memory_space<vmem>> -> memref<128xi32, #tpu.memory_space<vmem>>
      %dma_start3A_99 = arith.constant 0 : i32
      %dma_start3A_100 = arith.constant 0 : i32
      %dma_start3A_101 = tpu.memref_slice %arg9[%dma_start3A_99, %dma_start3A_100] : memref<10000x128xf32, #tpu.memory_space<vmem_shared>> -> memref<10000x128xf32, #tpu.memory_space<vmem_shared>>
      tpu.enqueue_indirect_dma source(%arg7 : memref<128x128xf32, #tpu.memory_space<vmem>>) target(%dma_start3A_101 : memref<10000x128xf32, #tpu.memory_space<vmem_shared>>) offsets(%dma_start3A_98 : memref<128xi32, #tpu.memory_space<vmem>>) semaphore(%run_scoped3A_95 : memref<!tpu.dma_semaphore, #tpu.memory_space<semaphore_mem>>) {add = true}
      %dma_wait3A_102 = arith.constant 0 : i32
      %dma_wait3A_103 = tpu.memref_slice %arg6[%run_scoped3A, %run_scoped3A_32, %dma_wait3A_102] : memref<40x2x128xi32, #tpu.memory_space<vmem>> -> memref<1x1x128xi32, #tpu.memory_space<vmem>>
      %dma_wait3A_104 = tpu.memref_squeeze %dma_wait3A_103 : memref<1x1x128xi32, #tpu.memory_space<vmem>> -> memref<128xi32, #tpu.memory_space<vmem>>
      %dma_wait3A_105 = arith.constant 0 : i32
      %dma_wait3A_106 = arith.constant 0 : i32
      %dma_wait3A_107 = tpu.memref_slice %arg9[%dma_wait3A_105, %dma_wait3A_106] : memref<10000x128xf32, #tpu.memory_space<vmem_shared>> -> memref<10000x128xf32, #tpu.memory_space<vmem_shared>>
      tpu.wait_indirect_dma semaphore(%run_scoped3A_95 : memref<!tpu.dma_semaphore, #tpu.memory_space<semaphore_mem>>) src(%arg7 : memref<128x128xf32, #tpu.memory_space<vmem>>) dst(%dma_wait3A_107 : memref<10000x128xf32, #tpu.memory_space<vmem_shared>>)
      tpu.yield
    }) : () -> ()
    %dma_wait3A_33 = arith.constant 39 : i32
    %dma_wait3A_34 = arith.constant 0 : i32
    %dma_wait3A_35 = arith.constant 0 : i32
    %dma_wait3A_36 = tpu.memref_slice %arg6[%dma_wait3A_33, %dma_wait3A_34, %dma_wait3A_35] : memref<40x2x128xi32, #tpu.memory_space<vmem>> -> memref<1x1x128xi32, #tpu.memory_space<vmem>>
    %dma_wait3A_37 = tpu.memref_squeeze %dma_wait3A_36 : memref<1x1x128xi32, #tpu.memory_space<vmem>> -> memref<128xi32, #tpu.memory_space<vmem>>
    %dma_wait3A_38 = arith.constant 0 : i32
    %dma_wait3A_39 = arith.constant 0 : i32
    %dma_wait3A_40 = tpu.memref_slice %arg2[%dma_wait3A_38, %dma_wait3A_39] : memref<10000x128xf32, #tpu.memory_space<hbm>> -> memref<10000x128xf32, #tpu.memory_space<hbm>>
    tpu.wait_indirect_dma semaphore(%arg11 : memref<!tpu.dma_semaphore, #tpu.memory_space<semaphore_mem>>) src(%dma_wait3A_40 : memref<10000x128xf32, #tpu.memory_space<hbm>>) dst(%arg8 : memref<128x128xf32, #tpu.memory_space<vmem>>)
    %run_scoped3A_41 = arith.constant 39 : i32
    %run_scoped3A_42 = arith.constant 1 : i32
    "tpu.region"() ({
      %run_scoped3A_95 = tpu.sem_alloc : memref<!tpu.dma_semaphore, #tpu.memory_space<semaphore_mem>>
      %dma_start3A_96 = arith.constant 0 : i32
      %dma_start3A_97 = tpu.memref_slice %arg6[%run_scoped3A_41, %run_scoped3A_42, %dma_start3A_96] : memref<40x2x128xi32, #tpu.memory_space<vmem>> -> memref<1x1x128xi32, #tpu.memory_space<vmem>>
      %dma_start3A_98 = tpu.memref_squeeze %dma_start3A_97 : memref<1x1x128xi32, #tpu.memory_space<vmem>> -> memref<128xi32, #tpu.memory_space<vmem>>
      %dma_start3A_99 = arith.constant 0 : i32
      %dma_start3A_100 = arith.constant 0 : i32
      %dma_start3A_101 = tpu.memref_slice %arg9[%dma_start3A_99, %dma_start3A_100] : memref<10000x128xf32, #tpu.memory_space<vmem_shared>> -> memref<10000x128xf32, #tpu.memory_space<vmem_shared>>
      tpu.enqueue_indirect_dma source(%arg8 : memref<128x128xf32, #tpu.memory_space<vmem>>) target(%dma_start3A_101 : memref<10000x128xf32, #tpu.memory_space<vmem_shared>>) offsets(%dma_start3A_98 : memref<128xi32, #tpu.memory_space<vmem>>) semaphore(%run_scoped3A_95 : memref<!tpu.dma_semaphore, #tpu.memory_space<semaphore_mem>>) {add = true}
      %dma_wait3A_102 = arith.constant 0 : i32
      %dma_wait3A_103 = tpu.memref_slice %arg6[%run_scoped3A_41, %run_scoped3A_42, %dma_wait3A_102] : memref<40x2x128xi32, #tpu.memory_space<vmem>> -> memref<1x1x128xi32, #tpu.memory_space<vmem>>
      %dma_wait3A_104 = tpu.memref_squeeze %dma_wait3A_103 : memref<1x1x128xi32, #tpu.memory_space<vmem>> -> memref<128xi32, #tpu.memory_space<vmem>>
      %dma_wait3A_105 = arith.constant 0 : i32
      %dma_wait3A_106 = arith.constant 0 : i32
      %dma_wait3A_107 = tpu.memref_slice %arg9[%dma_wait3A_105, %dma_wait3A_106] : memref<10000x128xf32, #tpu.memory_space<vmem_shared>> -> memref<10000x128xf32, #tpu.memory_space<vmem_shared>>
      tpu.wait_indirect_dma semaphore(%run_scoped3A_95 : memref<!tpu.dma_semaphore, #tpu.memory_space<semaphore_mem>>) src(%arg8 : memref<128x128xf32, #tpu.memory_space<vmem>>) dst(%dma_wait3A_107 : memref<10000x128xf32, #tpu.memory_space<vmem_shared>>)
      tpu.yield
    }) : () -> ()
    %add3A_43 = arith.constant 78 : i32
    %add3A_44 = arith.addi %mul3A_4, %add3A_43 : i32
    %sub3A = arith.constant 40 : i32
    %sub3A_45 = arith.subi %add3A_44, %sub3A : i32
    "tpu.region"() ({
      %run_scoped3A_95 = tpu.sem_alloc : memref<!tpu.dma_semaphore, #tpu.memory_space<semaphore_mem>>
      %dma_start3A_96 = arith.constant 0 : i32
      %dma_start3A_97 = arith.constant 0 : i32
      %dma_start3A_98 = tpu.memref_slice %arg3[%sub3A_45, %dma_start3A_96, %dma_start3A_97] : memref<2500x2x128xi32, #tpu.memory_space<hbm>> -> memref<40x2x128xi32, #tpu.memory_space<hbm>>
      %dma_start3A_99 = arith.constant 0 : i32
      %dma_start3A_100 = arith.constant 0 : i32
      %dma_start3A_101 = tpu.memref_slice %arg3[%sub3A_45, %dma_start3A_99, %dma_start3A_100] : memref<2500x2x128xi32, #tpu.memory_space<hbm>> -> memref<40x2x128xi32, #tpu.memory_space<hbm>>
      tpu.enqueue_dma source(%dma_start3A_101 : memref<40x2x128xi32, #tpu.memory_space<hbm>>) target(%arg6 : memref<40x2x128xi32, #tpu.memory_space<vmem>>) target_semaphore(%run_scoped3A_95 : memref<!tpu.dma_semaphore, #tpu.memory_space<semaphore_mem>>)
      %dma_wait3A_102 = arith.constant 0 : i32
      %dma_wait3A_103 = arith.constant 0 : i32
      %dma_wait3A_104 = tpu.memref_slice %arg3[%sub3A_45, %dma_wait3A_102, %dma_wait3A_103] : memref<2500x2x128xi32, #tpu.memory_space<hbm>> -> memref<40x2x128xi32, #tpu.memory_space<hbm>>
      %dma_wait3A_105 = arith.constant 0 : i32
      %dma_wait3A_106 = arith.constant 0 : i32
      %dma_wait3A_107 = tpu.memref_slice %arg3[%sub3A_45, %dma_wait3A_105, %dma_wait3A_106] : memref<2500x2x128xi32, #tpu.memory_space<hbm>> -> memref<40x2x128xi32, #tpu.memory_space<hbm>>
      tpu.wait_dma2 semaphore(%run_scoped3A_95 : memref<!tpu.dma_semaphore, #tpu.memory_space<semaphore_mem>>) src(%dma_wait3A_107 : memref<40x2x128xi32, #tpu.memory_space<hbm>>) dst(%arg6 : memref<40x2x128xi32, #tpu.memory_space<vmem>>)
      tpu.yield
    }) : () -> ()
    %dma_start3A_46 = arith.constant 2 : i32
    %dma_start3A_47 = arith.constant 0 : i32
    %dma_start3A_48 = arith.constant 0 : i32
    %dma_start3A_49 = tpu.memref_slice %arg6[%dma_start3A_46, %dma_start3A_47, %dma_start3A_48] : memref<40x2x128xi32, #tpu.memory_space<vmem>> -> memref<1x1x128xi32, #tpu.memory_space<vmem>>
    %dma_start3A_50 = tpu.memref_squeeze %dma_start3A_49 : memref<1x1x128xi32, #tpu.memory_space<vmem>> -> memref<128xi32, #tpu.memory_space<vmem>>
    %dma_start3A_51 = arith.constant 0 : i32
    %dma_start3A_52 = arith.constant 0 : i32
    %dma_start3A_53 = tpu.memref_slice %arg2[%dma_start3A_51, %dma_start3A_52] : memref<10000x128xf32, #tpu.memory_space<hbm>> -> memref<10000x128xf32, #tpu.memory_space<hbm>>
    tpu.enqueue_indirect_dma source(%dma_start3A_53 : memref<10000x128xf32, #tpu.memory_space<hbm>>) target(%arg7 : memref<128x128xf32, #tpu.memory_space<vmem>>) offsets(%dma_start3A_50 : memref<128xi32, #tpu.memory_space<vmem>>) semaphore(%arg10 : memref<!tpu.dma_semaphore, #tpu.memory_space<semaphore_mem>>)
    %scan3A_54 = arith.constant 0 : i32
    %scan3A_55 = arith.constant 0 : i32
    %scan3A_56 = arith.constant 18 : i32
    %scan3A_57 = arith.addi %scan3A_55, %scan3A_56 : i32
    %scan3A_58 = arith.constant 1 : i32
    scf.for %scan3A_95 = %scan3A_55 to %scan3A_57 step %scan3A_58  : i32 {
      %mul3A_96 = arith.constant 2 : i32
      %mul3A_97 = arith.muli %mul3A_96, %scan3A_95 : i32
      %add3A_98 = arith.constant 2 : i32
      %add3A_99 = arith.addi %add3A_98, %mul3A_97 : i32
      %dma_wait3A_100 = arith.constant 0 : i32
      %dma_wait3A_101 = arith.constant 0 : i32
      %dma_wait3A_102 = tpu.memref_slice %arg6[%add3A_99, %dma_wait3A_100, %dma_wait3A_101] : memref<40x2x128xi32, #tpu.memory_space<vmem>> -> memref<1x1x128xi32, #tpu.memory_space<vmem>>
      %dma_wait3A_103 = tpu.memref_squeeze %dma_wait3A_102 : memref<1x1x128xi32, #tpu.memory_space<vmem>> -> memref<128xi32, #tpu.memory_space<vmem>>
      %dma_wait3A_104 = arith.constant 0 : i32
      %dma_wait3A_105 = arith.constant 0 : i32
      %dma_wait3A_106 = tpu.memref_slice %arg2[%dma_wait3A_104, %dma_wait3A_105] : memref<10000x128xf32, #tpu.memory_space<hbm>> -> memref<10000x128xf32, #tpu.memory_space<hbm>>
      tpu.wait_indirect_dma semaphore(%arg10 : memref<!tpu.dma_semaphore, #tpu.memory_space<semaphore_mem>>) src(%dma_wait3A_106 : memref<10000x128xf32, #tpu.memory_space<hbm>>) dst(%arg7 : memref<128x128xf32, #tpu.memory_space<vmem>>)
      %add3A_107 = arith.constant 1 : i32
      %add3A_108 = arith.addi %add3A_99, %add3A_107 : i32
      %dma_start3A_109 = arith.constant 0 : i32
      %dma_start3A_110 = arith.constant 0 : i32
      %dma_start3A_111 = tpu.memref_slice %arg6[%add3A_108, %dma_start3A_109, %dma_start3A_110] : memref<40x2x128xi32, #tpu.memory_space<vmem>> -> memref<1x1x128xi32, #tpu.memory_space<vmem>>
      %dma_start3A_112 = tpu.memref_squeeze %dma_start3A_111 : memref<1x1x128xi32, #tpu.memory_space<vmem>> -> memref<128xi32, #tpu.memory_space<vmem>>
      %dma_start3A_113 = arith.constant 0 : i32
      %dma_start3A_114 = arith.constant 0 : i32
      %dma_start3A_115 = tpu.memref_slice %arg2[%dma_start3A_113, %dma_start3A_114] : memref<10000x128xf32, #tpu.memory_space<hbm>> -> memref<10000x128xf32, #tpu.memory_space<hbm>>
      tpu.enqueue_indirect_dma source(%dma_start3A_115 : memref<10000x128xf32, #tpu.memory_space<hbm>>) target(%arg8 : memref<128x128xf32, #tpu.memory_space<vmem>>) offsets(%dma_start3A_112 : memref<128xi32, #tpu.memory_space<vmem>>) semaphore(%arg11 : memref<!tpu.dma_semaphore, #tpu.memory_space<semaphore_mem>>)
      %run_scoped3A_116 = arith.constant 1 : i32
      "tpu.region"() ({
        %run_scoped3A_138 = tpu.sem_alloc : memref<!tpu.dma_semaphore, #tpu.memory_space<semaphore_mem>>
        %dma_start3A_139 = arith.constant 0 : i32
        %dma_start3A_140 = tpu.memref_slice %arg6[%add3A_99, %run_scoped3A_116, %dma_start3A_139] : memref<40x2x128xi32, #tpu.memory_space<vmem>> -> memref<1x1x128xi32, #tpu.memory_space<vmem>>
        %dma_start3A_141 = tpu.memref_squeeze %dma_start3A_140 : memref<1x1x128xi32, #tpu.memory_space<vmem>> -> memref<128xi32, #tpu.memory_space<vmem>>
        %dma_start3A_142 = arith.constant 0 : i32
        %dma_start3A_143 = arith.constant 0 : i32
        %dma_start3A_144 = tpu.memref_slice %arg9[%dma_start3A_142, %dma_start3A_143] : memref<10000x128xf32, #tpu.memory_space<vmem_shared>> -> memref<10000x128xf32, #tpu.memory_space<vmem_shared>>
        tpu.enqueue_indirect_dma source(%arg7 : memref<128x128xf32, #tpu.memory_space<vmem>>) target(%dma_start3A_144 : memref<10000x128xf32, #tpu.memory_space<vmem_shared>>) offsets(%dma_start3A_141 : memref<128xi32, #tpu.memory_space<vmem>>) semaphore(%run_scoped3A_138 : memref<!tpu.dma_semaphore, #tpu.memory_space<semaphore_mem>>) {add = true}
        %dma_wait3A_145 = arith.constant 0 : i32
        %dma_wait3A_146 = tpu.memref_slice %arg6[%add3A_99, %run_scoped3A_116, %dma_wait3A_145] : memref<40x2x128xi32, #tpu.memory_space<vmem>> -> memref<1x1x128xi32, #tpu.memory_space<vmem>>
        %dma_wait3A_147 = tpu.memref_squeeze %dma_wait3A_146 : memref<1x1x128xi32, #tpu.memory_space<vmem>> -> memref<128xi32, #tpu.memory_space<vmem>>
        %dma_wait3A_148 = arith.constant 0 : i32
        %dma_wait3A_149 = arith.constant 0 : i32
        %dma_wait3A_150 = tpu.memref_slice %arg9[%dma_wait3A_148, %dma_wait3A_149] : memref<10000x128xf32, #tpu.memory_space<vmem_shared>> -> memref<10000x128xf32, #tpu.memory_space<vmem_shared>>
        tpu.wait_indirect_dma semaphore(%run_scoped3A_138 : memref<!tpu.dma_semaphore, #tpu.memory_space<semaphore_mem>>) src(%arg7 : memref<128x128xf32, #tpu.memory_space<vmem>>) dst(%dma_wait3A_150 : memref<10000x128xf32, #tpu.memory_space<vmem_shared>>)
        tpu.yield
      }) : () -> ()
      %add3A_117 = arith.constant 1 : i32
      %add3A_118 = arith.addi %add3A_99, %add3A_117 : i32
      %dma_wait3A_119 = arith.constant 0 : i32
      %dma_wait3A_120 = arith.constant 0 : i32
      %dma_wait3A_121 = tpu.memref_slice %arg6[%add3A_118, %dma_wait3A_119, %dma_wait3A_120] : memref<40x2x128xi32, #tpu.memory_space<vmem>> -> memref<1x1x128xi32, #tpu.memory_space<vmem>>
      %dma_wait3A_122 = tpu.memref_squeeze %dma_wait3A_121 : memref<1x1x128xi32, #tpu.memory_space<vmem>> -> memref<128xi32, #tpu.memory_space<vmem>>
      %dma_wait3A_123 = arith.constant 0 : i32
      %dma_wait3A_124 = arith.constant 0 : i32
      %dma_wait3A_125 = tpu.memref_slice %arg2[%dma_wait3A_123, %dma_wait3A_124] : memref<10000x128xf32, #tpu.memory_space<hbm>> -> memref<10000x128xf32, #tpu.memory_space<hbm>>
      tpu.wait_indirect_dma semaphore(%arg11 : memref<!tpu.dma_semaphore, #tpu.memory_space<semaphore_mem>>) src(%dma_wait3A_125 : memref<10000x128xf32, #tpu.memory_space<hbm>>) dst(%arg8 : memref<128x128xf32, #tpu.memory_space<vmem>>)
      %add3A_126 = arith.constant 2 : i32
      %add3A_127 = arith.addi %add3A_99, %add3A_126 : i32
      %dma_start3A_128 = arith.constant 0 : i32
      %dma_start3A_129 = arith.constant 0 : i32
      %dma_start3A_130 = tpu.memref_slice %arg6[%add3A_127, %dma_start3A_128, %dma_start3A_129] : memref<40x2x128xi32, #tpu.memory_space<vmem>> -> memref<1x1x128xi32, #tpu.memory_space<vmem>>
      %dma_start3A_131 = tpu.memref_squeeze %dma_start3A_130 : memref<1x1x128xi32, #tpu.memory_space<vmem>> -> memref<128xi32, #tpu.memory_space<vmem>>
      %dma_start3A_132 = arith.constant 0 : i32
      %dma_start3A_133 = arith.constant 0 : i32
      %dma_start3A_134 = tpu.memref_slice %arg2[%dma_start3A_132, %dma_start3A_133] : memref<10000x128xf32, #tpu.memory_space<hbm>> -> memref<10000x128xf32, #tpu.memory_space<hbm>>
      tpu.enqueue_indirect_dma source(%dma_start3A_134 : memref<10000x128xf32, #tpu.memory_space<hbm>>) target(%arg7 : memref<128x128xf32, #tpu.memory_space<vmem>>) offsets(%dma_start3A_131 : memref<128xi32, #tpu.memory_space<vmem>>) semaphore(%arg10 : memref<!tpu.dma_semaphore, #tpu.memory_space<semaphore_mem>>)
      %add3A_135 = arith.constant 1 : i32
      %add3A_136 = arith.addi %add3A_99, %add3A_135 : i32
      %run_scoped3A_137 = arith.constant 1 : i32
      "tpu.region"() ({
        %run_scoped3A_138 = tpu.sem_alloc : memref<!tpu.dma_semaphore, #tpu.memory_space<semaphore_mem>>
        %dma_start3A_139 = arith.constant 0 : i32
        %dma_start3A_140 = tpu.memref_slice %arg6[%add3A_136, %run_scoped3A_137, %dma_start3A_139] : memref<40x2x128xi32, #tpu.memory_space<vmem>> -> memref<1x1x128xi32, #tpu.memory_space<vmem>>
        %dma_start3A_141 = tpu.memref_squeeze %dma_start3A_140 : memref<1x1x128xi32, #tpu.memory_space<vmem>> -> memref<128xi32, #tpu.memory_space<vmem>>
        %dma_start3A_142 = arith.constant 0 : i32
        %dma_start3A_143 = arith.constant 0 : i32
        %dma_start3A_144 = tpu.memref_slice %arg9[%dma_start3A_142, %dma_start3A_143] : memref<10000x128xf32, #tpu.memory_space<vmem_shared>> -> memref<10000x128xf32, #tpu.memory_space<vmem_shared>>
        tpu.enqueue_indirect_dma source(%arg8 : memref<128x128xf32, #tpu.memory_space<vmem>>) target(%dma_start3A_144 : memref<10000x128xf32, #tpu.memory_space<vmem_shared>>) offsets(%dma_start3A_141 : memref<128xi32, #tpu.memory_space<vmem>>) semaphore(%run_scoped3A_138 : memref<!tpu.dma_semaphore, #tpu.memory_space<semaphore_mem>>) {add = true}
        %dma_wait3A_145 = arith.constant 0 : i32
        %dma_wait3A_146 = tpu.memref_slice %arg6[%add3A_136, %run_scoped3A_137, %dma_wait3A_145] : memref<40x2x128xi32, #tpu.memory_space<vmem>> -> memref<1x1x128xi32, #tpu.memory_space<vmem>>
        %dma_wait3A_147 = tpu.memref_squeeze %dma_wait3A_146 : memref<1x1x128xi32, #tpu.memory_space<vmem>> -> memref<128xi32, #tpu.memory_space<vmem>>
        %dma_wait3A_148 = arith.constant 0 : i32
        %dma_wait3A_149 = arith.constant 0 : i32
        %dma_wait3A_150 = tpu.memref_slice %arg9[%dma_wait3A_148, %dma_wait3A_149] : memref<10000x128xf32, #tpu.memory_space<vmem_shared>> -> memref<10000x128xf32, #tpu.memory_space<vmem_shared>>
        tpu.wait_indirect_dma semaphore(%run_scoped3A_138 : memref<!tpu.dma_semaphore, #tpu.memory_space<semaphore_mem>>) src(%arg8 : memref<128x128xf32, #tpu.memory_space<vmem>>) dst(%dma_wait3A_150 : memref<10000x128xf32, #tpu.memory_space<vmem_shared>>)
        tpu.yield
      }) : () -> ()
    }
    %scan3A_59 = arith.constant 18 : i32
    %dma_wait3A_60 = arith.constant 38 : i32
    %dma_wait3A_61 = arith.constant 0 : i32
    %dma_wait3A_62 = arith.constant 0 : i32
    %dma_wait3A_63 = tpu.memref_slice %arg6[%dma_wait3A_60, %dma_wait3A_61, %dma_wait3A_62] : memref<40x2x128xi32, #tpu.memory_space<vmem>> -> memref<1x1x128xi32, #tpu.memory_space<vmem>>
    %dma_wait3A_64 = tpu.memref_squeeze %dma_wait3A_63 : memref<1x1x128xi32, #tpu.memory_space<vmem>> -> memref<128xi32, #tpu.memory_space<vmem>>
    %dma_wait3A_65 = arith.constant 0 : i32
    %dma_wait3A_66 = arith.constant 0 : i32
    %dma_wait3A_67 = tpu.memref_slice %arg2[%dma_wait3A_65, %dma_wait3A_66] : memref<10000x128xf32, #tpu.memory_space<hbm>> -> memref<10000x128xf32, #tpu.memory_space<hbm>>
    tpu.wait_indirect_dma semaphore(%arg10 : memref<!tpu.dma_semaphore, #tpu.memory_space<semaphore_mem>>) src(%dma_wait3A_67 : memref<10000x128xf32, #tpu.memory_space<hbm>>) dst(%arg7 : memref<128x128xf32, #tpu.memory_space<vmem>>)
    %dma_start3A_68 = arith.constant 39 : i32
    %dma_start3A_69 = arith.constant 0 : i32
    %dma_start3A_70 = arith.constant 0 : i32
    %dma_start3A_71 = tpu.memref_slice %arg6[%dma_start3A_68, %dma_start3A_69, %dma_start3A_70] : memref<40x2x128xi32, #tpu.memory_space<vmem>> -> memref<1x1x128xi32, #tpu.memory_space<vmem>>
    %dma_start3A_72 = tpu.memref_squeeze %dma_start3A_71 : memref<1x1x128xi32, #tpu.memory_space<vmem>> -> memref<128xi32, #tpu.memory_space<vmem>>
    %dma_start3A_73 = arith.constant 0 : i32
    %dma_start3A_74 = arith.constant 0 : i32
    %dma_start3A_75 = tpu.memref_slice %arg2[%dma_start3A_73, %dma_start3A_74] : memref<10000x128xf32, #tpu.memory_space<hbm>> -> memref<10000x128xf32, #tpu.memory_space<hbm>>
    tpu.enqueue_indirect_dma source(%dma_start3A_75 : memref<10000x128xf32, #tpu.memory_space<hbm>>) target(%arg8 : memref<128x128xf32, #tpu.memory_space<vmem>>) offsets(%dma_start3A_72 : memref<128xi32, #tpu.memory_space<vmem>>) semaphore(%arg11 : memref<!tpu.dma_semaphore, #tpu.memory_space<semaphore_mem>>)
    %run_scoped3A_76 = arith.constant 38 : i32
    %run_scoped3A_77 = arith.constant 1 : i32
    "tpu.region"() ({
      %run_scoped3A_95 = tpu.sem_alloc : memref<!tpu.dma_semaphore, #tpu.memory_space<semaphore_mem>>
      %dma_start3A_96 = arith.constant 0 : i32
      %dma_start3A_97 = tpu.memref_slice %arg6[%run_scoped3A_76, %run_scoped3A_77, %dma_start3A_96] : memref<40x2x128xi32, #tpu.memory_space<vmem>> -> memref<1x1x128xi32, #tpu.memory_space<vmem>>
      %dma_start3A_98 = tpu.memref_squeeze %dma_start3A_97 : memref<1x1x128xi32, #tpu.memory_space<vmem>> -> memref<128xi32, #tpu.memory_space<vmem>>
      %dma_start3A_99 = arith.constant 0 : i32
      %dma_start3A_100 = arith.constant 0 : i32
      %dma_start3A_101 = tpu.memref_slice %arg9[%dma_start3A_99, %dma_start3A_100] : memref<10000x128xf32, #tpu.memory_space<vmem_shared>> -> memref<10000x128xf32, #tpu.memory_space<vmem_shared>>
      tpu.enqueue_indirect_dma source(%arg7 : memref<128x128xf32, #tpu.memory_space<vmem>>) target(%dma_start3A_101 : memref<10000x128xf32, #tpu.memory_space<vmem_shared>>) offsets(%dma_start3A_98 : memref<128xi32, #tpu.memory_space<vmem>>) semaphore(%run_scoped3A_95 : memref<!tpu.dma_semaphore, #tpu.memory_space<semaphore_mem>>) {add = true}
      %dma_wait3A_102 = arith.constant 0 : i32
      %dma_wait3A_103 = tpu.memref_slice %arg6[%run_scoped3A_76, %run_scoped3A_77, %dma_wait3A_102] : memref<40x2x128xi32, #tpu.memory_space<vmem>> -> memref<1x1x128xi32, #tpu.memory_space<vmem>>
      %dma_wait3A_104 = tpu.memref_squeeze %dma_wait3A_103 : memref<1x1x128xi32, #tpu.memory_space<vmem>> -> memref<128xi32, #tpu.memory_space<vmem>>
      %dma_wait3A_105 = arith.constant 0 : i32
      %dma_wait3A_106 = arith.constant 0 : i32
      %dma_wait3A_107 = tpu.memref_slice %arg9[%dma_wait3A_105, %dma_wait3A_106] : memref<10000x128xf32, #tpu.memory_space<vmem_shared>> -> memref<10000x128xf32, #tpu.memory_space<vmem_shared>>
      tpu.wait_indirect_dma semaphore(%run_scoped3A_95 : memref<!tpu.dma_semaphore, #tpu.memory_space<semaphore_mem>>) src(%arg7 : memref<128x128xf32, #tpu.memory_space<vmem>>) dst(%dma_wait3A_107 : memref<10000x128xf32, #tpu.memory_space<vmem_shared>>)
      tpu.yield
    }) : () -> ()
    %dma_wait3A_78 = arith.constant 39 : i32
    %dma_wait3A_79 = arith.constant 0 : i32
    %dma_wait3A_80 = arith.constant 0 : i32
    %dma_wait3A_81 = tpu.memref_slice %arg6[%dma_wait3A_78, %dma_wait3A_79, %dma_wait3A_80] : memref<40x2x128xi32, #tpu.memory_space<vmem>> -> memref<1x1x128xi32, #tpu.memory_space<vmem>>
    %dma_wait3A_82 = tpu.memref_squeeze %dma_wait3A_81 : memref<1x1x128xi32, #tpu.memory_space<vmem>> -> memref<128xi32, #tpu.memory_space<vmem>>
    %dma_wait3A_83 = arith.constant 0 : i32
    %dma_wait3A_84 = arith.constant 0 : i32
    %dma_wait3A_85 = tpu.memref_slice %arg2[%dma_wait3A_83, %dma_wait3A_84] : memref<10000x128xf32, #tpu.memory_space<hbm>> -> memref<10000x128xf32, #tpu.memory_space<hbm>>
    tpu.wait_indirect_dma semaphore(%arg11 : memref<!tpu.dma_semaphore, #tpu.memory_space<semaphore_mem>>) src(%dma_wait3A_85 : memref<10000x128xf32, #tpu.memory_space<hbm>>) dst(%arg8 : memref<128x128xf32, #tpu.memory_space<vmem>>)
    %run_scoped3A_86 = arith.constant 39 : i32
    %run_scoped3A_87 = arith.constant 1 : i32
    "tpu.region"() ({
      %run_scoped3A_95 = tpu.sem_alloc : memref<!tpu.dma_semaphore, #tpu.memory_space<semaphore_mem>>
      %dma_start3A_96 = arith.constant 0 : i32
      %dma_start3A_97 = tpu.memref_slice %arg6[%run_scoped3A_86, %run_scoped3A_87, %dma_start3A_96] : memref<40x2x128xi32, #tpu.memory_space<vmem>> -> memref<1x1x128xi32, #tpu.memory_space<vmem>>
      %dma_start3A_98 = tpu.memref_squeeze %dma_start3A_97 : memref<1x1x128xi32, #tpu.memory_space<vmem>> -> memref<128xi32, #tpu.memory_space<vmem>>
      %dma_start3A_99 = arith.constant 0 : i32
      %dma_start3A_100 = arith.constant 0 : i32
      %dma_start3A_101 = tpu.memref_slice %arg9[%dma_start3A_99, %dma_start3A_100] : memref<10000x128xf32, #tpu.memory_space<vmem_shared>> -> memref<10000x128xf32, #tpu.memory_space<vmem_shared>>
      tpu.enqueue_indirect_dma source(%arg8 : memref<128x128xf32, #tpu.memory_space<vmem>>) target(%dma_start3A_101 : memref<10000x128xf32, #tpu.memory_space<vmem_shared>>) offsets(%dma_start3A_98 : memref<128xi32, #tpu.memory_space<vmem>>) semaphore(%run_scoped3A_95 : memref<!tpu.dma_semaphore, #tpu.memory_space<semaphore_mem>>) {add = true}
      %dma_wait3A_102 = arith.constant 0 : i32
      %dma_wait3A_103 = tpu.memref_slice %arg6[%run_scoped3A_86, %run_scoped3A_87, %dma_wait3A_102] : memref<40x2x128xi32, #tpu.memory_space<vmem>> -> memref<1x1x128xi32, #tpu.memory_space<vmem>>
      %dma_wait3A_104 = tpu.memref_squeeze %dma_wait3A_103 : memref<1x1x128xi32, #tpu.memory_space<vmem>> -> memref<128xi32, #tpu.memory_space<vmem>>
      %dma_wait3A_105 = arith.constant 0 : i32
      %dma_wait3A_106 = arith.constant 0 : i32
      %dma_wait3A_107 = tpu.memref_slice %arg9[%dma_wait3A_105, %dma_wait3A_106] : memref<10000x128xf32, #tpu.memory_space<vmem_shared>> -> memref<10000x128xf32, #tpu.memory_space<vmem_shared>>
      tpu.wait_indirect_dma semaphore(%run_scoped3A_95 : memref<!tpu.dma_semaphore, #tpu.memory_space<semaphore_mem>>) src(%arg8 : memref<128x128xf32, #tpu.memory_space<vmem>>) dst(%dma_wait3A_107 : memref<10000x128xf32, #tpu.memory_space<vmem_shared>>)
      tpu.yield
    }) : () -> ()
    %lt3A = arith.constant 4 : i32
    %lt3A_88 = arith.cmpi slt, %add3A, %lt3A : i32
    %convert_element_type3A = arith.extui %lt3A_88 : i1 to i32
    %cond3A = arith.constant 0 : i32
    %cond3A_89 = arith.cmpi ne, %convert_element_type3A, %cond3A : i32
    scf.if %cond3A_89 {
      %add3A_95 = arith.constant 2496 : i32
      %add3A_96 = arith.addi %add3A_95, %add3A : i32
      "tpu.region"() ({
        %run_scoped3A_115 = tpu.sem_alloc : memref<!tpu.dma_semaphore, #tpu.memory_space<semaphore_mem>>
        %dma_start3A_116 = arith.constant 0 : i32
        %dma_start3A_117 = arith.constant 0 : i32
        %dma_start3A_118 = arith.constant 0 : i32
        %dma_start3A_119 = tpu.memref_slice %arg6[%dma_start3A_116, %dma_start3A_117, %dma_start3A_118] : memref<40x2x128xi32, #tpu.memory_space<vmem>> -> memref<1x2x128xi32, #tpu.memory_space<vmem>>
        %dma_start3A_120 = arith.constant 0 : i32
        %dma_start3A_121 = arith.constant 0 : i32
        %dma_start3A_122 = tpu.memref_slice %arg3[%add3A_96, %dma_start3A_120, %dma_start3A_121] : memref<2500x2x128xi32, #tpu.memory_space<hbm>> -> memref<1x2x128xi32, #tpu.memory_space<hbm>>
        %dma_start3A_123 = arith.constant 0 : i32
        %dma_start3A_124 = arith.constant 0 : i32
        %dma_start3A_125 = arith.constant 0 : i32
        %dma_start3A_126 = tpu.memref_slice %arg6[%dma_start3A_123, %dma_start3A_124, %dma_start3A_125] : memref<40x2x128xi32, #tpu.memory_space<vmem>> -> memref<1x2x128xi32, #tpu.memory_space<vmem>>
        %dma_start3A_127 = arith.constant 0 : i32
        %dma_start3A_128 = arith.constant 0 : i32
        %dma_start3A_129 = tpu.memref_slice %arg3[%add3A_96, %dma_start3A_127, %dma_start3A_128] : memref<2500x2x128xi32, #tpu.memory_space<hbm>> -> memref<1x2x128xi32, #tpu.memory_space<hbm>>
        tpu.enqueue_dma source(%dma_start3A_129 : memref<1x2x128xi32, #tpu.memory_space<hbm>>) target(%dma_start3A_126 : memref<1x2x128xi32, #tpu.memory_space<vmem>>) target_semaphore(%run_scoped3A_115 : memref<!tpu.dma_semaphore, #tpu.memory_space<semaphore_mem>>)
        %dma_wait3A_130 = arith.constant 0 : i32
        %dma_wait3A_131 = arith.constant 0 : i32
        %dma_wait3A_132 = arith.constant 0 : i32
        %dma_wait3A_133 = tpu.memref_slice %arg6[%dma_wait3A_130, %dma_wait3A_131, %dma_wait3A_132] : memref<40x2x128xi32, #tpu.memory_space<vmem>> -> memref<1x2x128xi32, #tpu.memory_space<vmem>>
        %dma_wait3A_134 = arith.constant 0 : i32
        %dma_wait3A_135 = arith.constant 0 : i32
        %dma_wait3A_136 = tpu.memref_slice %arg3[%add3A_96, %dma_wait3A_134, %dma_wait3A_135] : memref<2500x2x128xi32, #tpu.memory_space<hbm>> -> memref<1x2x128xi32, #tpu.memory_space<hbm>>
        %dma_wait3A_137 = arith.constant 0 : i32
        %dma_wait3A_138 = arith.constant 0 : i32
        %dma_wait3A_139 = arith.constant 0 : i32
        %dma_wait3A_140 = tpu.memref_slice %arg6[%dma_wait3A_137, %dma_wait3A_138, %dma_wait3A_139] : memref<40x2x128xi32, #tpu.memory_space<vmem>> -> memref<1x2x128xi32, #tpu.memory_space<vmem>>
        %dma_wait3A_141 = arith.constant 0 : i32
        %dma_wait3A_142 = arith.constant 0 : i32
        %dma_wait3A_143 = tpu.memref_slice %arg3[%add3A_96, %dma_wait3A_141, %dma_wait3A_142] : memref<2500x2x128xi32, #tpu.memory_space<hbm>> -> memref<1x2x128xi32, #tpu.memory_space<hbm>>
        tpu.wait_dma2 semaphore(%run_scoped3A_115 : memref<!tpu.dma_semaphore, #tpu.memory_space<semaphore_mem>>) src(%dma_wait3A_143 : memref<1x2x128xi32, #tpu.memory_space<hbm>>) dst(%dma_wait3A_140 : memref<1x2x128xi32, #tpu.memory_space<vmem>>)
        tpu.yield
      }) : () -> ()
      %dma_start3A_97 = arith.constant 0 : i32
      %dma_start3A_98 = arith.constant 0 : i32
      %dma_start3A_99 = arith.constant 0 : i32
      %dma_start3A_100 = tpu.memref_slice %arg6[%dma_start3A_97, %dma_start3A_98, %dma_start3A_99] : memref<40x2x128xi32, #tpu.memory_space<vmem>> -> memref<1x1x128xi32, #tpu.memory_space<vmem>>
      %dma_start3A_101 = tpu.memref_squeeze %dma_start3A_100 : memref<1x1x128xi32, #tpu.memory_space<vmem>> -> memref<128xi32, #tpu.memory_space<vmem>>
      %dma_start3A_102 = arith.constant 0 : i32
      %dma_start3A_103 = arith.constant 0 : i32
      %dma_start3A_104 = tpu.memref_slice %arg2[%dma_start3A_102, %dma_start3A_103] : memref<10000x128xf32, #tpu.memory_space<hbm>> -> memref<10000x128xf32, #tpu.memory_space<hbm>>
      tpu.enqueue_indirect_dma source(%dma_start3A_104 : memref<10000x128xf32, #tpu.memory_space<hbm>>) target(%arg7 : memref<128x128xf32, #tpu.memory_space<vmem>>) offsets(%dma_start3A_101 : memref<128xi32, #tpu.memory_space<vmem>>) semaphore(%arg10 : memref<!tpu.dma_semaphore, #tpu.memory_space<semaphore_mem>>)
      %dma_wait3A_105 = arith.constant 0 : i32
      %dma_wait3A_106 = arith.constant 0 : i32
      %dma_wait3A_107 = arith.constant 0 : i32
      %dma_wait3A_108 = tpu.memref_slice %arg6[%dma_wait3A_105, %dma_wait3A_106, %dma_wait3A_107] : memref<40x2x128xi32, #tpu.memory_space<vmem>> -> memref<1x1x128xi32, #tpu.memory_space<vmem>>
      %dma_wait3A_109 = tpu.memref_squeeze %dma_wait3A_108 : memref<1x1x128xi32, #tpu.memory_space<vmem>> -> memref<128xi32, #tpu.memory_space<vmem>>
      %dma_wait3A_110 = arith.constant 0 : i32
      %dma_wait3A_111 = arith.constant 0 : i32
      %dma_wait3A_112 = tpu.memref_slice %arg2[%dma_wait3A_110, %dma_wait3A_111] : memref<10000x128xf32, #tpu.memory_space<hbm>> -> memref<10000x128xf32, #tpu.memory_space<hbm>>
      tpu.wait_indirect_dma semaphore(%arg10 : memref<!tpu.dma_semaphore, #tpu.memory_space<semaphore_mem>>) src(%dma_wait3A_112 : memref<10000x128xf32, #tpu.memory_space<hbm>>) dst(%arg7 : memref<128x128xf32, #tpu.memory_space<vmem>>)
      %run_scoped3A_113 = arith.constant 0 : i32
      %run_scoped3A_114 = arith.constant 1 : i32
      "tpu.region"() ({
        %run_scoped3A_115 = tpu.sem_alloc : memref<!tpu.dma_semaphore, #tpu.memory_space<semaphore_mem>>
        %dma_start3A_116 = arith.constant 0 : i32
        %dma_start3A_117 = tpu.memref_slice %arg6[%run_scoped3A_113, %run_scoped3A_114, %dma_start3A_116] : memref<40x2x128xi32, #tpu.memory_space<vmem>> -> memref<1x1x128xi32, #tpu.memory_space<vmem>>
        %dma_start3A_118 = tpu.memref_squeeze %dma_start3A_117 : memref<1x1x128xi32, #tpu.memory_space<vmem>> -> memref<128xi32, #tpu.memory_space<vmem>>
        %dma_start3A_119 = arith.constant 0 : i32
        %dma_start3A_120 = arith.constant 0 : i32
        %dma_start3A_121 = tpu.memref_slice %arg9[%dma_start3A_119, %dma_start3A_120] : memref<10000x128xf32, #tpu.memory_space<vmem_shared>> -> memref<10000x128xf32, #tpu.memory_space<vmem_shared>>
        tpu.enqueue_indirect_dma source(%arg7 : memref<128x128xf32, #tpu.memory_space<vmem>>) target(%dma_start3A_121 : memref<10000x128xf32, #tpu.memory_space<vmem_shared>>) offsets(%dma_start3A_118 : memref<128xi32, #tpu.memory_space<vmem>>) semaphore(%run_scoped3A_115 : memref<!tpu.dma_semaphore, #tpu.memory_space<semaphore_mem>>) {add = true}
        %dma_wait3A_122 = arith.constant 0 : i32
        %dma_wait3A_123 = tpu.memref_slice %arg6[%run_scoped3A_113, %run_scoped3A_114, %dma_wait3A_122] : memref<40x2x128xi32, #tpu.memory_space<vmem>> -> memref<1x1x128xi32, #tpu.memory_space<vmem>>
        %dma_wait3A_124 = tpu.memref_squeeze %dma_wait3A_123 : memref<1x1x128xi32, #tpu.memory_space<vmem>> -> memref<128xi32, #tpu.memory_space<vmem>>
        %dma_wait3A_125 = arith.constant 0 : i32
        %dma_wait3A_126 = arith.constant 0 : i32
        %dma_wait3A_127 = tpu.memref_slice %arg9[%dma_wait3A_125, %dma_wait3A_126] : memref<10000x128xf32, #tpu.memory_space<vmem_shared>> -> memref<10000x128xf32, #tpu.memory_space<vmem_shared>>
        tpu.wait_indirect_dma semaphore(%run_scoped3A_115 : memref<!tpu.dma_semaphore, #tpu.memory_space<semaphore_mem>>) src(%arg7 : memref<128x128xf32, #tpu.memory_space<vmem>>) dst(%dma_wait3A_127 : memref<10000x128xf32, #tpu.memory_space<vmem_shared>>)
        tpu.yield
      }) : () -> ()
    } else {
    }
    %barrier3A_90 = arith.constant 0 : index
    tpu.barrier barrier_id(%barrier3A_90)
    %mul3A_91 = arith.constant 625 : i32
    %mul3A_92 = arith.muli %arg1, %mul3A_91 : i32
    %mul3A_93 = arith.constant 625 : i32
    %mul3A_94 = arith.muli %arg1, %mul3A_93 : i32
    "tpu.region"() ({
      %run_scoped3A_95 = tpu.sem_alloc : memref<!tpu.dma_semaphore, #tpu.memory_space<semaphore_mem>>
      %dma_start3A_96 = arith.constant 0 : i32
      %dma_start3A_97 = tpu.memref_slice %arg5[%arg0, %mul3A_94, %dma_start3A_96] : memref<2x10000x128xf32, #tpu.memory_space<hbm>> -> memref<1x625x128xf32, #tpu.memory_space<hbm>>
      %dma_start3A_98 = tpu.memref_squeeze %dma_start3A_97 : memref<1x625x128xf32, #tpu.memory_space<hbm>> -> memref<625x128xf32, #tpu.memory_space<hbm>>
      %dma_start3A_99 = arith.constant 0 : i32
      %dma_start3A_100 = tpu.memref_slice %arg9[%mul3A_92, %dma_start3A_99] : memref<10000x128xf32, #tpu.memory_space<vmem_shared>> -> memref<625x128xf32, #tpu.memory_space<vmem_shared>>
      tpu.enqueue_dma source(%dma_start3A_100 : memref<625x128xf32, #tpu.memory_space<vmem_shared>>) target(%dma_start3A_98 : memref<625x128xf32, #tpu.memory_space<hbm>>) target_semaphore(%run_scoped3A_95 : memref<!tpu.dma_semaphore, #tpu.memory_space<semaphore_mem>>)
      %dma_wait3A_101 = arith.constant 0 : i32
      %dma_wait3A_102 = tpu.memref_slice %arg5[%arg0, %mul3A_94, %dma_wait3A_101] : memref<2x10000x128xf32, #tpu.memory_space<hbm>> -> memref<1x625x128xf32, #tpu.memory_space<hbm>>
      %dma_wait3A_103 = tpu.memref_squeeze %dma_wait3A_102 : memref<1x625x128xf32, #tpu.memory_space<hbm>> -> memref<625x128xf32, #tpu.memory_space<hbm>>
      %dma_wait3A_104 = arith.constant 0 : i32
      %dma_wait3A_105 = tpu.memref_slice %arg9[%mul3A_92, %dma_wait3A_104] : memref<10000x128xf32, #tpu.memory_space<vmem_shared>> -> memref<625x128xf32, #tpu.memory_space<vmem_shared>>
      tpu.wait_dma2 semaphore(%run_scoped3A_95 : memref<!tpu.dma_semaphore, #tpu.memory_space<semaphore_mem>>) src(%dma_wait3A_105 : memref<625x128xf32, #tpu.memory_space<vmem_shared>>) dst(%dma_wait3A_103 : memref<625x128xf32, #tpu.memory_space<hbm>>)
      tpu.yield
    }) : () -> ()
    return
  }
}

module attributes {stable_mosaic.version = 14 : i64} {
  func.func @_dense_body(%arg0: i32, %arg1: memref<2x2000x128xf32, #tpu.memory_space<vmem>>, %arg2: memref<2x1x125x128xf32, #tpu.memory_space<vmem>>, %arg3: memref<2000x128xf32, #tpu.memory_space<vmem>>, %arg4: memref<128x128xf32, #tpu.memory_space<vmem>>, %arg5: memref<128x128xf32, #tpu.memory_space<vmem>>, %arg6: memref<1x128xf32, #tpu.memory_space<vmem>>, %arg7: memref<2000x128xf32, #tpu.memory_space<vmem>>) attributes {dimension_semantics = [#tpu.dimension_semantics<arbitrary>], iteration_bounds = array<i64: 5>, scalar_prefetch = 0 : i64, scratch_operands = 0 : i64, tpu.core_type = #tpu.core_type<tc>, window_params = [{transform_indices = @transform_0, window_bounds = array<i64: 2, 2000, 128>}, {transform_indices = @transform_1, window_bounds = array<i64: 2, 1, 125, 128>}, {transform_indices = @transform_2, window_bounds = array<i64: 2000, 128>}, {pipeline_mode = #tpu.pipeline_mode<synchronous>, transform_indices = @transform_3, window_bounds = array<i64: 128, 128>}, {pipeline_mode = #tpu.pipeline_mode<synchronous>, transform_indices = @transform_4, window_bounds = array<i64: 128, 128>}, {pipeline_mode = #tpu.pipeline_mode<synchronous>, transform_indices = @transform_5, window_bounds = array<i64: 1, 128>}, {transform_indices = @transform_6, window_bounds = array<i64: 2000, 128>}]} {
    %get3A = arith.constant 0 : index
    %get3A_0 = arith.constant 0 : index
    %get3A_1 = arith.constant 0 : index
    %get3A_2 = vector.load %arg1[%get3A, %get3A_0, %get3A_1] : memref<2x2000x128xf32, #tpu.memory_space<vmem>>, vector<2x2000x128xf32>
    %get3A_3 = arith.constant 0 : index
    %get3A_4 = arith.constant 0 : index
    %get3A_5 = arith.constant 0 : index
    %get3A_6 = arith.constant 0 : index
    %get3A_7 = vector.load %arg2[%get3A_3, %get3A_4, %get3A_5, %get3A_6] : memref<2x1x125x128xf32, #tpu.memory_space<vmem>>, vector<2x1x125x128xf32>
    %get3A_8 = arith.constant 0 : index
    %get3A_9 = arith.constant 0 : index
    %get3A_10 = vector.load %arg3[%get3A_8, %get3A_9] : memref<2000x128xf32, #tpu.memory_space<vmem>>, vector<2000x128xf32>
    %get3A_11 = arith.constant 0 : index
    %get3A_12 = arith.constant 0 : index
    %get3A_13 = vector.load %arg4[%get3A_11, %get3A_12] : memref<128x128xf32, #tpu.memory_space<vmem>>, vector<128x128xf32>
    %get3A_14 = arith.constant 0 : index
    %get3A_15 = arith.constant 0 : index
    %get3A_16 = vector.load %arg5[%get3A_14, %get3A_15] : memref<128x128xf32, #tpu.memory_space<vmem>>, vector<128x128xf32>
    %get3A_17 = arith.constant 0 : index
    %get3A_18 = arith.constant 0 : index
    %get3A_19 = vector.load %arg6[%get3A_17, %get3A_18] : memref<1x128xf32, #tpu.memory_space<vmem>>, vector<1x128xf32>
    %slice3A = vector.extract_strided_slice %get3A_2 {offsets = [0, 0, 0], sizes = [1, 2000, 128], strides = [1, 1, 1]} : vector<2x2000x128xf32> to vector<1x2000x128xf32>
    %squeeze3A = vector.shape_cast %slice3A : vector<1x2000x128xf32> to vector<2000x128xf32>
    %slice3A_20 = vector.extract_strided_slice %get3A_2 {offsets = [1, 0, 0], sizes = [1, 2000, 128], strides = [1, 1, 1]} : vector<2x2000x128xf32> to vector<1x2000x128xf32>
    %squeeze3A_21 = vector.shape_cast %slice3A_20 : vector<1x2000x128xf32> to vector<2000x128xf32>
    %add3A = arith.addf %squeeze3A, %squeeze3A_21 : vector<2000x128xf32>
    %slice3A_22 = vector.extract_strided_slice %get3A_7 {offsets = [0, 0, 0, 0], sizes = [1, 1, 125, 128], strides = [1, 1, 1, 1]} : vector<2x1x125x128xf32> to vector<1x1x125x128xf32>
    %squeeze3A_23 = vector.shape_cast %slice3A_22 : vector<1x1x125x128xf32> to vector<125x128xf32>
    %slice3A_24 = vector.extract_strided_slice %get3A_7 {offsets = [1, 0, 0, 0], sizes = [1, 1, 125, 128], strides = [1, 1, 1, 1]} : vector<2x1x125x128xf32> to vector<1x1x125x128xf32>
    %squeeze3A_25 = vector.shape_cast %slice3A_24 : vector<1x1x125x128xf32> to vector<125x128xf32>
    %add3A_26 = arith.addf %squeeze3A_23, %squeeze3A_25 : vector<125x128xf32>
    %max3A = arith.constant 1.000000e+00 : f32
    %max3A_27 = vector.broadcast %max3A : f32 to vector<125x128xf32>
    %max3A_28 = arith.maximumf %add3A_26, %max3A_27 : vector<125x128xf32>
    %div3A = arith.constant 1.000000e+00 : f32
    %div3A_29 = vector.broadcast %div3A : f32 to vector<125x128xf32>
    %div3A_30 = arith.divf %div3A_29, %max3A_28 : vector<125x128xf32>
    %iota3A = tpu.iota {dimensions = array<i32: 0>} : vector<2000x125xi32>
    %jit3A = arith.constant 16 : i32
    %div3A_31 = vector.broadcast %jit3A : i32 to vector<2000x125xi32>
    %div3A_32 = arith.divsi %iota3A, %div3A_31 : vector<2000x125xi32>
    %sign3A = arith.constant 0 : i32
    %sign3A_33 = vector.broadcast %sign3A : i32 to vector<2000x125xi32>
    %sign3A_34 = arith.cmpi sgt, %iota3A, %sign3A_33 : vector<2000x125xi32>
    %sign3A_35 = arith.extui %sign3A_34 : vector<2000x125xi1> to vector<2000x125xi32>
    %sign3A_36 = arith.constant 0 : i32
    %sign3A_37 = vector.broadcast %sign3A_36 : i32 to vector<2000x125xi32>
    %sign3A_38 = arith.cmpi slt, %iota3A, %sign3A_37 : vector<2000x125xi32>
    %sign3A_39 = arith.extui %sign3A_38 : vector<2000x125xi1> to vector<2000x125xi32>
    %sign3A_40 = arith.subi %sign3A_35, %sign3A_39 : vector<2000x125xi32>
    %sign3A_41 = arith.constant 0 : i32
    %sign3A_42 = arith.cmpi sgt, %jit3A, %sign3A_41 : i32
    %sign3A_43 = arith.extui %sign3A_42 : i1 to i32
    %sign3A_44 = arith.constant 0 : i32
    %sign3A_45 = arith.cmpi slt, %jit3A, %sign3A_44 : i32
    %sign3A_46 = arith.extui %sign3A_45 : i1 to i32
    %sign3A_47 = arith.subi %sign3A_43, %sign3A_46 : i32
    %ne3A = vector.broadcast %sign3A_47 : i32 to vector<2000x125xi32>
    %ne3A_48 = arith.cmpi ne, %sign3A_40, %ne3A : vector<2000x125xi32>
    %rem3A = vector.broadcast %jit3A : i32 to vector<2000x125xi32>
    %rem3A_49 = arith.remsi %iota3A, %rem3A : vector<2000x125xi32>
    %ne3A_50 = arith.constant 0 : i32
    %ne3A_51 = vector.broadcast %ne3A_50 : i32 to vector<2000x125xi32>
    %ne3A_52 = arith.cmpi ne, %rem3A_49, %ne3A_51 : vector<2000x125xi32>
    %and3A = arith.andi %ne3A_48, %ne3A_52 : vector<2000x125xi1>
    %sub3A = arith.constant 1 : i32
    %sub3A_53 = vector.broadcast %sub3A : i32 to vector<2000x125xi32>
    %sub3A_54 = arith.subi %div3A_32, %sub3A_53 : vector<2000x125xi32>
    %select_n3A = arith.select %and3A, %sub3A_54, %div3A_32 : vector<2000x125xi1>, vector<2000x125xi32>
    %iota3A_55 = tpu.iota {dimensions = array<i32: 1>} : vector<2000x125xi32>
    %eq3A = arith.cmpi eq, %select_n3A, %iota3A_55 : vector<2000x125xi32>
    %convert_element_type3A = arith.extui %eq3A : vector<2000x125xi1> to vector<2000x125xi32>
    %convert_element_type3A_56 = arith.sitofp %convert_element_type3A : vector<2000x125xi32> to vector<2000x125xf32>
    %dot_general3A = arith.constant dense<0.000000e+00> : vector<2000x128xf32>
    %dot_general3A_57 = tpu.matmul %convert_element_type3A_56, %div3A_30, %dot_general3A {dimension_numbers = #tpu.dot_dimension_numbers<[1], [0], [0], [1], [0, 0, 1, 1], [], []>, transpose_lhs_hint = false} : vector<2000x125xf32>, vector<125x128xf32>, vector<2000x128xf32> -> vector<2000x128xf32>
    %iota3A_58 = tpu.iota {dimensions = array<i32: 1>} : vector<2000x128xi32>
    %iota3A_59 = tpu.iota {dimensions = array<i32: 0>} : vector<2000x128xi32>
    %jit3A_60 = arith.constant 16 : i32
    %eq3A_61 = arith.constant 0 : i32
    %eq3A_62 = arith.cmpi eq, %jit3A_60, %eq3A_61 : i32
    %jit3A_63 = arith.constant 1 : i32
    %select_n3A_64 = arith.select %eq3A_62, %jit3A_63, %jit3A_60 : i32
    %rem3A_65 = vector.broadcast %select_n3A_64 : i32 to vector<2000x128xi32>
    %rem3A_66 = arith.remsi %iota3A_59, %rem3A_65 : vector<2000x128xi32>
    %ne3A_67 = arith.constant 0 : i32
    %ne3A_68 = vector.broadcast %ne3A_67 : i32 to vector<2000x128xi32>
    %ne3A_69 = arith.cmpi ne, %rem3A_66, %ne3A_68 : vector<2000x128xi32>
    %lt3A = arith.constant 0 : i32
    %lt3A_70 = vector.broadcast %lt3A : i32 to vector<2000x128xi32>
    %lt3A_71 = arith.cmpi slt, %rem3A_66, %lt3A_70 : vector<2000x128xi32>
    %lt3A_72 = arith.constant 0 : i32
    %lt3A_73 = arith.cmpi slt, %select_n3A_64, %lt3A_72 : i32
    %ne3A_74 = vector.broadcast %lt3A_73 : i1 to vector<2000x128xi1>
    %ne3A_75 = vector.broadcast %ne3A_74 : vector<2000x128xi1> to vector<2000x128xi1>
    %ne3A_76 = arith.xori %lt3A_71, %ne3A_75 : vector<2000x128xi1>
    %and3A_77 = arith.andi %ne3A_76, %ne3A_69 : vector<2000x128xi1>
    %add3A_78 = vector.broadcast %select_n3A_64 : i32 to vector<2000x128xi32>
    %add3A_79 = arith.addi %rem3A_66, %add3A_78 : vector<2000x128xi32>
    %select_n3A_80 = arith.select %and3A_77, %add3A_79, %rem3A_66 : vector<2000x128xi1>, vector<2000x128xi32>
    %mul3A = arith.constant 8 : i32
    %mul3A_81 = vector.broadcast %mul3A : i32 to vector<2000x128xi32>
    %mul3A_82 = arith.muli %mul3A_81, %select_n3A_80 : vector<2000x128xi32>
    %eq3A_83 = arith.cmpi eq, %iota3A_58, %mul3A_82 : vector<2000x128xi32>
    %jit3A_84 = arith.constant 0.000000e+00 : f32
    %broadcast_in_dim3A = vector.broadcast %jit3A_84 : f32 to vector<2000x128xf32>
    %select_n3A_85 = arith.select %eq3A_83, %dot_general3A_57, %broadcast_in_dim3A : vector<2000x128xi1>, vector<2000x128xf32>
    %reduce_sum3A = arith.constant dense<0.000000e+00> : vector<2000xf32>
    %reduce_sum3A_86 = vector.multi_reduction <add>, %select_n3A_85, %reduce_sum3A [1] : vector<2000x128xf32> to vector<2000xf32>
    %broadcast_in_dim3A_87 = vector.shape_cast %reduce_sum3A_86 : vector<2000xf32> to vector<2000x1xf32>
    %mul3A_88 = vector.broadcast %broadcast_in_dim3A_87 : vector<2000x1xf32> to vector<2000x128xf32>
    %mul3A_89 = arith.mulf %add3A, %mul3A_88 : vector<2000x128xf32>
    %dot_general3A_90 = arith.constant dense<0.000000e+00> : vector<2000x128xf32>
    %dot_general3A_91 = tpu.matmul %mul3A_89, %get3A_13, %dot_general3A_90 {dimension_numbers = #tpu.dot_dimension_numbers<[1], [1], [0], [0], [0, 0, 1, 0], [], []>, transpose_lhs_hint = false} : vector<2000x128xf32>, vector<128x128xf32>, vector<2000x128xf32> -> vector<2000x128xf32>
    %add3A_92 = vector.broadcast %get3A_19 : vector<1x128xf32> to vector<2000x128xf32>
    %add3A_93 = arith.addf %dot_general3A_91, %add3A_92 : vector<2000x128xf32>
    %dot_general3A_94 = arith.constant dense<0.000000e+00> : vector<2000x128xf32>
    %dot_general3A_95 = tpu.matmul %get3A_10, %get3A_16, %dot_general3A_94 {dimension_numbers = #tpu.dot_dimension_numbers<[1], [1], [0], [0], [0, 0, 1, 0], [], []>, transpose_lhs_hint = false} : vector<2000x128xf32>, vector<128x128xf32>, vector<2000x128xf32> -> vector<2000x128xf32>
    %add3A_96 = arith.addf %add3A_93, %dot_general3A_95 : vector<2000x128xf32>
    %max3A_97 = arith.constant 0.000000e+00 : f32
    %max3A_98 = vector.broadcast %max3A_97 : f32 to vector<2000x128xf32>
    %max3A_99 = arith.maximumf %add3A_96, %max3A_98 : vector<2000x128xf32>
    %swap3A = arith.constant 0 : index
    %swap3A_100 = arith.constant 0 : index
    %swap3A_101 = vector.load %arg7[%swap3A, %swap3A_100] : memref<2000x128xf32, #tpu.memory_space<vmem>>, vector<2000x128xf32>
    tpu.vector_store %arg7[%swap3A, %swap3A_100], %max3A_99 {strides = array<i32>} : memref<2000x128xf32, #tpu.memory_space<vmem>>, vector<2000x128xf32>,
    return
  }
  func.func @transform_0(%arg0: i32) -> (i32, i32, i32) {
    %c0_i32 = arith.constant 0 : i32
    %c0_i32_0 = arith.constant 0 : i32
    %c0_i32_1 = arith.constant 0 : i32
    return %c0_i32, %arg0, %c0_i32_0 : i32, i32, i32
  }
  func.func @transform_1(%arg0: i32) -> (i32, i32, i32, i32) {
    %c0_i32 = arith.constant 0 : i32
    %c0_i32_0 = arith.constant 0 : i32
    %c0_i32_1 = arith.constant 0 : i32
    %c0_i32_2 = arith.constant 0 : i32
    return %c0_i32, %arg0, %c0_i32_0, %c0_i32_1 : i32, i32, i32, i32
  }
  func.func @transform_2(%arg0: i32) -> (i32, i32) {
    %c0_i32 = arith.constant 0 : i32
    %c0_i32_0 = arith.constant 0 : i32
    return %arg0, %c0_i32 : i32, i32
  }
  func.func @transform_3(%arg0: i32) -> (i32, i32) {
    %c0_i32 = arith.constant 0 : i32
    %c0_i32_0 = arith.constant 0 : i32
    %c0_i32_1 = arith.constant 0 : i32
    return %c0_i32, %c0_i32_0 : i32, i32
  }
  func.func @transform_4(%arg0: i32) -> (i32, i32) {
    %c0_i32 = arith.constant 0 : i32
    %c0_i32_0 = arith.constant 0 : i32
    %c0_i32_1 = arith.constant 0 : i32
    return %c0_i32, %c0_i32_0 : i32, i32
  }
  func.func @transform_5(%arg0: i32) -> (i32, i32) {
    %c0_i32 = arith.constant 0 : i32
    %c0_i32_0 = arith.constant 0 : i32
    %c0_i32_1 = arith.constant 0 : i32
    return %c0_i32, %c0_i32_0 : i32, i32
  }
  func.func @transform_6(%arg0: i32) -> (i32, i32) {
    %c0_i32 = arith.constant 0 : i32
    %c0_i32_0 = arith.constant 0 : i32
    return %arg0, %c0_i32 : i32, i32
  }
}

module attributes {stable_mosaic.version = 14 : i64} {
  func.func @_final_body(%arg0: i32, %arg1: memref<2x2000x128xf32, #tpu.memory_space<vmem>>, %arg2: memref<2x1x125x128xf32, #tpu.memory_space<vmem>>, %arg3: memref<2000x128xf32, #tpu.memory_space<vmem>>, %arg4: memref<1x1x2000xi32, #tpu.memory_space<vmem>>, %arg5: memref<128x128xf32, #tpu.memory_space<vmem>>, %arg6: memref<128x128xf32, #tpu.memory_space<vmem>>, %arg7: memref<1x128xf32, #tpu.memory_space<vmem>>, %arg8: memref<1x128xf32, #tpu.memory_space<vmem>>, %arg9: memref<1x128xf32, #tpu.memory_space<vmem>>, %arg10: memref<128x128xf32, #tpu.memory_space<vmem>>, %arg11: memref<1x128xf32, #tpu.memory_space<vmem>>, %arg12: memref<64x128xf32, #tpu.memory_space<vmem>>, %arg13: memref<64x128xf32, #tpu.memory_space<vmem>>) attributes {dimension_semantics = [#tpu.dimension_semantics<arbitrary>], iteration_bounds = array<i64: 5>, scalar_prefetch = 0 : i64, scratch_operands = 1 : i64, tpu.core_type = #tpu.core_type<tc>, window_params = [{transform_indices = @transform_0, window_bounds = array<i64: 2, 2000, 128>}, {transform_indices = @transform_1, window_bounds = array<i64: 2, 1, 125, 128>}, {transform_indices = @transform_2, window_bounds = array<i64: 2000, 128>}, {transform_indices = @transform_3, window_bounds = array<i64: 1, 1, 2000>}, {pipeline_mode = #tpu.pipeline_mode<synchronous>, transform_indices = @transform_4, window_bounds = array<i64: 128, 128>}, {pipeline_mode = #tpu.pipeline_mode<synchronous>, transform_indices = @transform_5, window_bounds = array<i64: 128, 128>}, {pipeline_mode = #tpu.pipeline_mode<synchronous>, transform_indices = @transform_6, window_bounds = array<i64: 1, 128>}, {pipeline_mode = #tpu.pipeline_mode<synchronous>, transform_indices = @transform_7, window_bounds = array<i64: 1, 128>}, {pipeline_mode = #tpu.pipeline_mode<synchronous>, transform_indices = @transform_8, window_bounds = array<i64: 1, 128>}, {pipeline_mode = #tpu.pipeline_mode<synchronous>, transform_indices = @transform_9, window_bounds = array<i64: 128, 128>}, {pipeline_mode = #tpu.pipeline_mode<synchronous>, transform_indices = @transform_10, window_bounds = array<i64: 1, 128>}, {pipeline_mode = #tpu.pipeline_mode<synchronous>, transform_indices = @transform_11, window_bounds = array<i64: 64, 128>}]} {
    %get3A = arith.constant 0 : index
    %get3A_0 = arith.constant 0 : index
    %get3A_1 = arith.constant 0 : index
    %get3A_2 = vector.load %arg1[%get3A, %get3A_0, %get3A_1] : memref<2x2000x128xf32, #tpu.memory_space<vmem>>, vector<2x2000x128xf32>
    %get3A_3 = arith.constant 0 : index
    %get3A_4 = arith.constant 0 : index
    %get3A_5 = arith.constant 0 : index
    %get3A_6 = arith.constant 0 : index
    %get3A_7 = vector.load %arg2[%get3A_3, %get3A_4, %get3A_5, %get3A_6] : memref<2x1x125x128xf32, #tpu.memory_space<vmem>>, vector<2x1x125x128xf32>
    %get3A_8 = arith.constant 0 : index
    %get3A_9 = arith.constant 0 : index
    %get3A_10 = vector.load %arg3[%get3A_8, %get3A_9] : memref<2000x128xf32, #tpu.memory_space<vmem>>, vector<2000x128xf32>
    %get3A_11 = arith.constant 0 : index
    %get3A_12 = arith.constant 0 : index
    %get3A_13 = vector.load %arg5[%get3A_11, %get3A_12] : memref<128x128xf32, #tpu.memory_space<vmem>>, vector<128x128xf32>
    %get3A_14 = arith.constant 0 : index
    %get3A_15 = arith.constant 0 : index
    %get3A_16 = vector.load %arg6[%get3A_14, %get3A_15] : memref<128x128xf32, #tpu.memory_space<vmem>>, vector<128x128xf32>
    %get3A_17 = arith.constant 0 : index
    %get3A_18 = arith.constant 0 : index
    %get3A_19 = vector.load %arg7[%get3A_17, %get3A_18] : memref<1x128xf32, #tpu.memory_space<vmem>>, vector<1x128xf32>
    %slice3A = vector.extract_strided_slice %get3A_2 {offsets = [0, 0, 0], sizes = [1, 2000, 128], strides = [1, 1, 1]} : vector<2x2000x128xf32> to vector<1x2000x128xf32>
    %squeeze3A = vector.shape_cast %slice3A : vector<1x2000x128xf32> to vector<2000x128xf32>
    %slice3A_20 = vector.extract_strided_slice %get3A_2 {offsets = [1, 0, 0], sizes = [1, 2000, 128], strides = [1, 1, 1]} : vector<2x2000x128xf32> to vector<1x2000x128xf32>
    %squeeze3A_21 = vector.shape_cast %slice3A_20 : vector<1x2000x128xf32> to vector<2000x128xf32>
    %add3A = arith.addf %squeeze3A, %squeeze3A_21 : vector<2000x128xf32>
    %slice3A_22 = vector.extract_strided_slice %get3A_7 {offsets = [0, 0, 0, 0], sizes = [1, 1, 125, 128], strides = [1, 1, 1, 1]} : vector<2x1x125x128xf32> to vector<1x1x125x128xf32>
    %squeeze3A_23 = vector.shape_cast %slice3A_22 : vector<1x1x125x128xf32> to vector<125x128xf32>
    %slice3A_24 = vector.extract_strided_slice %get3A_7 {offsets = [1, 0, 0, 0], sizes = [1, 1, 125, 128], strides = [1, 1, 1, 1]} : vector<2x1x125x128xf32> to vector<1x1x125x128xf32>
    %squeeze3A_25 = vector.shape_cast %slice3A_24 : vector<1x1x125x128xf32> to vector<125x128xf32>
    %add3A_26 = arith.addf %squeeze3A_23, %squeeze3A_25 : vector<125x128xf32>
    %max3A = arith.constant 1.000000e+00 : f32
    %max3A_27 = vector.broadcast %max3A : f32 to vector<125x128xf32>
    %max3A_28 = arith.maximumf %add3A_26, %max3A_27 : vector<125x128xf32>
    %div3A = arith.constant 1.000000e+00 : f32
    %div3A_29 = vector.broadcast %div3A : f32 to vector<125x128xf32>
    %div3A_30 = arith.divf %div3A_29, %max3A_28 : vector<125x128xf32>
    %iota3A = tpu.iota {dimensions = array<i32: 0>} : vector<2000x125xi32>
    %jit3A = arith.constant 16 : i32
    %div3A_31 = vector.broadcast %jit3A : i32 to vector<2000x125xi32>
    %div3A_32 = arith.divsi %iota3A, %div3A_31 : vector<2000x125xi32>
    %sign3A = arith.constant 0 : i32
    %sign3A_33 = vector.broadcast %sign3A : i32 to vector<2000x125xi32>
    %sign3A_34 = arith.cmpi sgt, %iota3A, %sign3A_33 : vector<2000x125xi32>
    %sign3A_35 = arith.extui %sign3A_34 : vector<2000x125xi1> to vector<2000x125xi32>
    %sign3A_36 = arith.constant 0 : i32
    %sign3A_37 = vector.broadcast %sign3A_36 : i32 to vector<2000x125xi32>
    %sign3A_38 = arith.cmpi slt, %iota3A, %sign3A_37 : vector<2000x125xi32>
    %sign3A_39 = arith.extui %sign3A_38 : vector<2000x125xi1> to vector<2000x125xi32>
    %sign3A_40 = arith.subi %sign3A_35, %sign3A_39 : vector<2000x125xi32>
    %sign3A_41 = arith.constant 0 : i32
    %sign3A_42 = arith.cmpi sgt, %jit3A, %sign3A_41 : i32
    %sign3A_43 = arith.extui %sign3A_42 : i1 to i32
    %sign3A_44 = arith.constant 0 : i32
    %sign3A_45 = arith.cmpi slt, %jit3A, %sign3A_44 : i32
    %sign3A_46 = arith.extui %sign3A_45 : i1 to i32
    %sign3A_47 = arith.subi %sign3A_43, %sign3A_46 : i32
    %ne3A = vector.broadcast %sign3A_47 : i32 to vector<2000x125xi32>
    %ne3A_48 = arith.cmpi ne, %sign3A_40, %ne3A : vector<2000x125xi32>
    %rem3A = vector.broadcast %jit3A : i32 to vector<2000x125xi32>
    %rem3A_49 = arith.remsi %iota3A, %rem3A : vector<2000x125xi32>
    %ne3A_50 = arith.constant 0 : i32
    %ne3A_51 = vector.broadcast %ne3A_50 : i32 to vector<2000x125xi32>
    %ne3A_52 = arith.cmpi ne, %rem3A_49, %ne3A_51 : vector<2000x125xi32>
    %and3A = arith.andi %ne3A_48, %ne3A_52 : vector<2000x125xi1>
    %sub3A = arith.constant 1 : i32
    %sub3A_53 = vector.broadcast %sub3A : i32 to vector<2000x125xi32>
    %sub3A_54 = arith.subi %div3A_32, %sub3A_53 : vector<2000x125xi32>
    %select_n3A = arith.select %and3A, %sub3A_54, %div3A_32 : vector<2000x125xi1>, vector<2000x125xi32>
    %iota3A_55 = tpu.iota {dimensions = array<i32: 1>} : vector<2000x125xi32>
    %eq3A = arith.cmpi eq, %select_n3A, %iota3A_55 : vector<2000x125xi32>
    %convert_element_type3A = arith.extui %eq3A : vector<2000x125xi1> to vector<2000x125xi32>
    %convert_element_type3A_56 = arith.sitofp %convert_element_type3A : vector<2000x125xi32> to vector<2000x125xf32>
    %dot_general3A = arith.constant dense<0.000000e+00> : vector<2000x128xf32>
    %dot_general3A_57 = tpu.matmul %convert_element_type3A_56, %div3A_30, %dot_general3A {dimension_numbers = #tpu.dot_dimension_numbers<[1], [0], [0], [1], [0, 0, 1, 1], [], []>, transpose_lhs_hint = false} : vector<2000x125xf32>, vector<125x128xf32>, vector<2000x128xf32> -> vector<2000x128xf32>
    %iota3A_58 = tpu.iota {dimensions = array<i32: 1>} : vector<2000x128xi32>
    %iota3A_59 = tpu.iota {dimensions = array<i32: 0>} : vector<2000x128xi32>
    %jit3A_60 = arith.constant 16 : i32
    %eq3A_61 = arith.constant 0 : i32
    %eq3A_62 = arith.cmpi eq, %jit3A_60, %eq3A_61 : i32
    %jit3A_63 = arith.constant 1 : i32
    %select_n3A_64 = arith.select %eq3A_62, %jit3A_63, %jit3A_60 : i32
    %rem3A_65 = vector.broadcast %select_n3A_64 : i32 to vector<2000x128xi32>
    %rem3A_66 = arith.remsi %iota3A_59, %rem3A_65 : vector<2000x128xi32>
    %ne3A_67 = arith.constant 0 : i32
    %ne3A_68 = vector.broadcast %ne3A_67 : i32 to vector<2000x128xi32>
    %ne3A_69 = arith.cmpi ne, %rem3A_66, %ne3A_68 : vector<2000x128xi32>
    %lt3A = arith.constant 0 : i32
    %lt3A_70 = vector.broadcast %lt3A : i32 to vector<2000x128xi32>
    %lt3A_71 = arith.cmpi slt, %rem3A_66, %lt3A_70 : vector<2000x128xi32>
    %lt3A_72 = arith.constant 0 : i32
    %lt3A_73 = arith.cmpi slt, %select_n3A_64, %lt3A_72 : i32
    %ne3A_74 = vector.broadcast %lt3A_73 : i1 to vector<2000x128xi1>
    %ne3A_75 = vector.broadcast %ne3A_74 : vector<2000x128xi1> to vector<2000x128xi1>
    %ne3A_76 = arith.xori %lt3A_71, %ne3A_75 : vector<2000x128xi1>
    %and3A_77 = arith.andi %ne3A_76, %ne3A_69 : vector<2000x128xi1>
    %add3A_78 = vector.broadcast %select_n3A_64 : i32 to vector<2000x128xi32>
    %add3A_79 = arith.addi %rem3A_66, %add3A_78 : vector<2000x128xi32>
    %select_n3A_80 = arith.select %and3A_77, %add3A_79, %rem3A_66 : vector<2000x128xi1>, vector<2000x128xi32>
    %mul3A = arith.constant 8 : i32
    %mul3A_81 = vector.broadcast %mul3A : i32 to vector<2000x128xi32>
    %mul3A_82 = arith.muli %mul3A_81, %select_n3A_80 : vector<2000x128xi32>
    %eq3A_83 = arith.cmpi eq, %iota3A_58, %mul3A_82 : vector<2000x128xi32>
    %jit3A_84 = arith.constant 0.000000e+00 : f32
    %broadcast_in_dim3A = vector.broadcast %jit3A_84 : f32 to vector<2000x128xf32>
    %select_n3A_85 = arith.select %eq3A_83, %dot_general3A_57, %broadcast_in_dim3A : vector<2000x128xi1>, vector<2000x128xf32>
    %reduce_sum3A = arith.constant dense<0.000000e+00> : vector<2000xf32>
    %reduce_sum3A_86 = vector.multi_reduction <add>, %select_n3A_85, %reduce_sum3A [1] : vector<2000x128xf32> to vector<2000xf32>
    %broadcast_in_dim3A_87 = vector.shape_cast %reduce_sum3A_86 : vector<2000xf32> to vector<2000x1xf32>
    %mul3A_88 = vector.broadcast %broadcast_in_dim3A_87 : vector<2000x1xf32> to vector<2000x128xf32>
    %mul3A_89 = arith.mulf %add3A, %mul3A_88 : vector<2000x128xf32>
    %dot_general3A_90 = arith.constant dense<0.000000e+00> : vector<2000x128xf32>
    %dot_general3A_91 = tpu.matmul %mul3A_89, %get3A_13, %dot_general3A_90 {dimension_numbers = #tpu.dot_dimension_numbers<[1], [1], [0], [0], [0, 0, 1, 0], [], []>, transpose_lhs_hint = false} : vector<2000x128xf32>, vector<128x128xf32>, vector<2000x128xf32> -> vector<2000x128xf32>
    %add3A_92 = vector.broadcast %get3A_19 : vector<1x128xf32> to vector<2000x128xf32>
    %add3A_93 = arith.addf %dot_general3A_91, %add3A_92 : vector<2000x128xf32>
    %dot_general3A_94 = arith.constant dense<0.000000e+00> : vector<2000x128xf32>
    %dot_general3A_95 = tpu.matmul %get3A_10, %get3A_16, %dot_general3A_94 {dimension_numbers = #tpu.dot_dimension_numbers<[1], [1], [0], [0], [0, 0, 1, 0], [], []>, transpose_lhs_hint = false} : vector<2000x128xf32>, vector<128x128xf32>, vector<2000x128xf32> -> vector<2000x128xf32>
    %add3A_96 = arith.addf %add3A_93, %dot_general3A_95 : vector<2000x128xf32>
    %max3A_97 = arith.constant 0.000000e+00 : f32
    %max3A_98 = vector.broadcast %max3A_97 : f32 to vector<2000x128xf32>
    %max3A_99 = arith.maximumf %add3A_96, %max3A_98 : vector<2000x128xf32>
    %get3A_100 = arith.constant 0 : index
    %get3A_101 = arith.constant 0 : index
    %get3A_102 = arith.constant 0 : index
    %get3A_103 = vector.load %arg4[%get3A_100, %get3A_101, %get3A_102] : memref<1x1x2000xi32, #tpu.memory_space<vmem>>, vector<1x1x2000xi32>
    %reshape3A = vector.shape_cast %get3A_103 : vector<1x1x2000xi32> to vector<1x2000xi32>
    %iota3A_104 = tpu.iota {dimensions = array<i32: 0>} : vector<64x2000xi32>
    %broadcast_in_dim3A_105 = vector.shape_cast %reshape3A : vector<1x2000xi32> to vector<1x2000xi32>
    %broadcast_in_dim3A_106 = vector.broadcast %broadcast_in_dim3A_105 : vector<1x2000xi32> to vector<64x2000xi32>
    %eq3A_107 = arith.cmpi eq, %iota3A_104, %broadcast_in_dim3A_106 : vector<64x2000xi32>
    %convert_element_type3A_108 = arith.extui %eq3A_107 : vector<64x2000xi1> to vector<64x2000xi32>
    %convert_element_type3A_109 = arith.sitofp %convert_element_type3A_108 : vector<64x2000xi32> to vector<64x2000xf32>
    %dot_general3A_110 = arith.constant dense<0.000000e+00> : vector<64x128xf32>
    %dot_general3A_111 = tpu.matmul %convert_element_type3A_109, %max3A_99, %dot_general3A_110 {dimension_numbers = #tpu.dot_dimension_numbers<[1], [0], [0], [1], [0, 0, 1, 1], [], []>, transpose_lhs_hint = false} : vector<64x2000xf32>, vector<2000x128xf32>, vector<64x128xf32> -> vector<64x128xf32>
    %eq3A_112 = arith.constant 0 : i32
    %eq3A_113 = arith.cmpi eq, %arg0, %eq3A_112 : i32
    %convert_element_type3A_114 = arith.extui %eq3A_113 : i1 to i32
    %cond3A = arith.constant 0 : i32
    %cond3A_115 = arith.cmpi ne, %convert_element_type3A_114, %cond3A : i32
    scf.if %cond3A_115 {
      %broadcast_in_dim3A_127 = arith.constant 0.000000e+00 : f32
      %broadcast_in_dim3A_128 = vector.broadcast %broadcast_in_dim3A_127 : f32 to vector<64x128xf32>
      %swap3A_129 = arith.constant 0 : index
      %swap3A_130 = arith.constant 0 : index
      %swap3A_131 = vector.load %arg13[%swap3A_129, %swap3A_130] : memref<64x128xf32, #tpu.memory_space<vmem>>, vector<64x128xf32>
      tpu.vector_store %arg13[%swap3A_129, %swap3A_130], %broadcast_in_dim3A_128 {strides = array<i32>} : memref<64x128xf32, #tpu.memory_space<vmem>>, vector<64x128xf32>,
    } else {
    }
    %get3A_116 = arith.constant 0 : index
    %get3A_117 = arith.constant 0 : index
    %get3A_118 = vector.load %arg13[%get3A_116, %get3A_117] : memref<64x128xf32, #tpu.memory_space<vmem>>, vector<64x128xf32>
    %add3A_119 = arith.addf %get3A_118, %dot_general3A_111 : vector<64x128xf32>
    %swap3A = arith.constant 0 : index
    %swap3A_120 = arith.constant 0 : index
    %swap3A_121 = vector.load %arg13[%swap3A, %swap3A_120] : memref<64x128xf32, #tpu.memory_space<vmem>>, vector<64x128xf32>
    tpu.vector_store %arg13[%swap3A, %swap3A_120], %add3A_119 {strides = array<i32>} : memref<64x128xf32, #tpu.memory_space<vmem>>, vector<64x128xf32>,
    %eq3A_122 = arith.constant 4 : i32
    %eq3A_123 = arith.cmpi eq, %arg0, %eq3A_122 : i32
    %convert_element_type3A_124 = arith.extui %eq3A_123 : i1 to i32
    %cond3A_125 = arith.constant 0 : i32
    %cond3A_126 = arith.cmpi ne, %convert_element_type3A_124, %cond3A_125 : i32
    scf.if %cond3A_126 {
      %get3A_127 = arith.constant 0 : index
      %get3A_128 = arith.constant 0 : index
      %get3A_129 = vector.load %arg13[%get3A_127, %get3A_128] : memref<64x128xf32, #tpu.memory_space<vmem>>, vector<64x128xf32>
      %reduce_sum3A_130 = arith.constant dense<0.000000e+00> : vector<64xf32>
      %reduce_sum3A_131 = vector.multi_reduction <add>, %get3A_129, %reduce_sum3A_130 [1] : vector<64x128xf32> to vector<64xf32>
      %broadcast_in_dim3A_132 = vector.shape_cast %reduce_sum3A_131 : vector<64xf32> to vector<64x1xf32>
      %div3A_133 = arith.constant 1.280000e+02 : f32
      %div3A_134 = vector.broadcast %div3A_133 : f32 to vector<64x1xf32>
      %div3A_135 = arith.divf %broadcast_in_dim3A_132, %div3A_134 : vector<64x1xf32>
      %sub3A_136 = vector.broadcast %div3A_135 : vector<64x1xf32> to vector<64x128xf32>
      %sub3A_137 = arith.subf %get3A_129, %sub3A_136 : vector<64x128xf32>
      %integer_pow3A = arith.mulf %sub3A_137, %sub3A_137 : vector<64x128xf32>
      %reduce_sum3A_138 = arith.constant dense<0.000000e+00> : vector<64xf32>
      %reduce_sum3A_139 = vector.multi_reduction <add>, %integer_pow3A, %reduce_sum3A_138 [1] : vector<64x128xf32> to vector<64xf32>
      %broadcast_in_dim3A_140 = vector.shape_cast %reduce_sum3A_139 : vector<64xf32> to vector<64x1xf32>
      %div3A_141 = arith.constant 1.280000e+02 : f32
      %div3A_142 = vector.broadcast %div3A_141 : f32 to vector<64x1xf32>
      %div3A_143 = arith.divf %broadcast_in_dim3A_140, %div3A_142 : vector<64x1xf32>
      %get3A_144 = arith.constant 0 : index
      %get3A_145 = arith.constant 0 : index
      %get3A_146 = vector.load %arg8[%get3A_144, %get3A_145] : memref<1x128xf32, #tpu.memory_space<vmem>>, vector<1x128xf32>
      %sub3A_147 = vector.broadcast %div3A_135 : vector<64x1xf32> to vector<64x128xf32>
      %sub3A_148 = arith.subf %get3A_129, %sub3A_147 : vector<64x128xf32>
      %mul3A_149 = vector.broadcast %get3A_146 : vector<1x128xf32> to vector<64x128xf32>
      %mul3A_150 = arith.mulf %mul3A_149, %sub3A_148 : vector<64x128xf32>
      %add3A_151 = arith.constant 9.99999974E-6 : f32
      %add3A_152 = vector.broadcast %add3A_151 : f32 to vector<64x1xf32>
      %add3A_153 = arith.addf %div3A_143, %add3A_152 : vector<64x1xf32>
      %rsqrt3A = math.rsqrt %add3A_153 : vector<64x1xf32>
      %mul3A_154 = vector.broadcast %rsqrt3A : vector<64x1xf32> to vector<64x128xf32>
      %mul3A_155 = arith.mulf %mul3A_150, %mul3A_154 : vector<64x128xf32>
      %get3A_156 = arith.constant 0 : index
      %get3A_157 = arith.constant 0 : index
      %get3A_158 = vector.load %arg9[%get3A_156, %get3A_157] : memref<1x128xf32, #tpu.memory_space<vmem>>, vector<1x128xf32>
      %add3A_159 = vector.broadcast %get3A_158 : vector<1x128xf32> to vector<64x128xf32>
      %add3A_160 = arith.addf %mul3A_155, %add3A_159 : vector<64x128xf32>
      %get3A_161 = arith.constant 0 : index
      %get3A_162 = arith.constant 0 : index
      %get3A_163 = vector.load %arg10[%get3A_161, %get3A_162] : memref<128x128xf32, #tpu.memory_space<vmem>>, vector<128x128xf32>
      %dot_general3A_164 = arith.constant dense<0.000000e+00> : vector<64x128xf32>
      %dot_general3A_165 = tpu.matmul %add3A_160, %get3A_163, %dot_general3A_164 {dimension_numbers = #tpu.dot_dimension_numbers<[1], [1], [0], [0], [0, 0, 1, 0], [], []>, transpose_lhs_hint = false} : vector<64x128xf32>, vector<128x128xf32>, vector<64x128xf32> -> vector<64x128xf32>
      %get3A_166 = arith.constant 0 : index
      %get3A_167 = arith.constant 0 : index
      %get3A_168 = vector.load %arg11[%get3A_166, %get3A_167] : memref<1x128xf32, #tpu.memory_space<vmem>>, vector<1x128xf32>
      %add3A_169 = vector.broadcast %get3A_168 : vector<1x128xf32> to vector<64x128xf32>
      %add3A_170 = arith.addf %dot_general3A_165, %add3A_169 : vector<64x128xf32>
      %swap3A_171 = arith.constant 0 : index
      %swap3A_172 = arith.constant 0 : index
      %swap3A_173 = vector.load %arg12[%swap3A_171, %swap3A_172] : memref<64x128xf32, #tpu.memory_space<vmem>>, vector<64x128xf32>
      tpu.vector_store %arg12[%swap3A_171, %swap3A_172], %add3A_170 {strides = array<i32>} : memref<64x128xf32, #tpu.memory_space<vmem>>, vector<64x128xf32>,
    } else {
    }
    return
  }
  func.func @transform_0(%arg0: i32) -> (i32, i32, i32) {
    %c0_i32 = arith.constant 0 : i32
    %c0_i32_0 = arith.constant 0 : i32
    %c0_i32_1 = arith.constant 0 : i32
    return %c0_i32, %arg0, %c0_i32_0 : i32, i32, i32
  }
  func.func @transform_1(%arg0: i32) -> (i32, i32, i32, i32) {
    %c0_i32 = arith.constant 0 : i32
    %c0_i32_0 = arith.constant 0 : i32
    %c0_i32_1 = arith.constant 0 : i32
    %c0_i32_2 = arith.constant 0 : i32
    return %c0_i32, %arg0, %c0_i32_0, %c0_i32_1 : i32, i32, i32, i32
  }
  func.func @transform_2(%arg0: i32) -> (i32, i32) {
    %c0_i32 = arith.constant 0 : i32
    %c0_i32_0 = arith.constant 0 : i32
    return %arg0, %c0_i32 : i32, i32
  }
  func.func @transform_3(%arg0: i32) -> (i32, i32, i32) {
    %c0_i32 = arith.constant 0 : i32
    %c0_i32_0 = arith.constant 0 : i32
    %c0_i32_1 = arith.constant 0 : i32
    return %arg0, %c0_i32, %c0_i32_0 : i32, i32, i32
  }
  func.func @transform_4(%arg0: i32) -> (i32, i32) {
    %c0_i32 = arith.constant 0 : i32
    %c0_i32_0 = arith.constant 0 : i32
    %c0_i32_1 = arith.constant 0 : i32
    return %c0_i32, %c0_i32_0 : i32, i32
  }
  func.func @transform_5(%arg0: i32) -> (i32, i32) {
    %c0_i32 = arith.constant 0 : i32
    %c0_i32_0 = arith.constant 0 : i32
    %c0_i32_1 = arith.constant 0 : i32
    return %c0_i32, %c0_i32_0 : i32, i32
  }
  func.func @transform_6(%arg0: i32) -> (i32, i32) {
    %c0_i32 = arith.constant 0 : i32
    %c0_i32_0 = arith.constant 0 : i32
    %c0_i32_1 = arith.constant 0 : i32
    return %c0_i32, %c0_i32_0 : i32, i32
  }
  func.func @transform_7(%arg0: i32) -> (i32, i32) {
    %c0_i32 = arith.constant 0 : i32
    %c0_i32_0 = arith.constant 0 : i32
    %c0_i32_1 = arith.constant 0 : i32
    return %c0_i32, %c0_i32_0 : i32, i32
  }
  func.func @transform_8(%arg0: i32) -> (i32, i32) {
    %c0_i32 = arith.constant 0 : i32
    %c0_i32_0 = arith.constant 0 : i32
    %c0_i32_1 = arith.constant 0 : i32
    return %c0_i32, %c0_i32_0 : i32, i32
  }
  func.func @transform_9(%arg0: i32) -> (i32, i32) {
    %c0_i32 = arith.constant 0 : i32
    %c0_i32_0 = arith.constant 0 : i32
    %c0_i32_1 = arith.constant 0 : i32
    return %c0_i32, %c0_i32_0 : i32, i32
  }
  func.func @transform_10(%arg0: i32) -> (i32, i32) {
    %c0_i32 = arith.constant 0 : i32
    %c0_i32_0 = arith.constant 0 : i32
    %c0_i32_1 = arith.constant 0 : i32
    return %c0_i32, %c0_i32_0 : i32, i32
  }
  func.func @transform_11(%arg0: i32) -> (i32, i32) {
    %c0_i32 = arith.constant 0 : i32
    %c0_i32_0 = arith.constant 0 : i32
    %c0_i32_1 = arith.constant 0 : i32
    return %c0_i32, %c0_i32_0 : i32, i32
  }
}

</mosaic_0001>

<sc_bundles>
// kernel: kernel.6.cloned.1.call-start
scs
__scs_entry_jumppad:
0x0: {  	(pc) =	sbr.rel $0x88, $3  }
0x1: {  	(tag) =	ssettag $0x0;
	lr =	simm.s32 $0x1  }
0x2: {  	[smem:$0x3F94] =	sst lr;
	_ =	strace $0xD0000000  }
0x3: {  	_ = 	snop  }
0x4: {  	_ = 	snop  }
0x5: {  	_ = 	snop  }
0x6: {  	_ = 	snop  }
0x7: {  	_ = 	snop  }
__scs_overlays_trampoline_lowered:
0x8: {  	[smem:$0x3FA3] =	sst s0  }
0x9: {  	[smem:$0x3FA4] =	sst s1  }
0xa: {  	[smem:$0x3FA5] =	sst s2  }
0xb: {  	[smem:$0x3FA6] =	sst s3  }
0xc: {  	[smem:$0x3FA7] =	sst s4  }
0xd: {  	[smem:$0x3FA8] =	sst s5  }
0xe: {  	[smem:$0x3FA9] =	sst s6  }
0xf: {  	[smem:$0x3FAA] =	sst s7  }
0x10: {  	[smem:$0x3FAB] =	sst s8  }
0x11: {  	[smem:$0x3FAC] =	sst s9;
	s0 =	simm.s32 @!p0 $0x0  }
0x12: {  	s1 =	sld [smem:$0x3F92];
	s0 =	simm.s32 @p0 $0x1  }
0x13: {  	[smem:$0x3FAD] =	sst s0;
	s0 =	simm.s32 @!p1 $0x0  }
0x14: {  	s2 =	sld [smem:$0x3F91];
	s0 =	simm.s32 @p1 $0x1  }
0x15: {  	[smem:$0x3FAE] =	sst s0;
	s0 =	simm.s32 @!p2 $0x0  }
0x16: {  	s3 =	sld [smem:$0x3FDB];
	s0 =	simm.s32 @p2 $0x1  }
0x17: {  	s4 =	simm.s32 $0x1BF5;
	[smem:$0x3FB0] =	sst s0  }
0x18: {  	s0 =	sld [smem:$0x3F93];
	_ =	swait.ge [sflag:s4], $0x0  }
0x19: {  	s7 =	sld [smem:$0x3F94]  }
0x1a: {  	s8 =	sadd.s32 $0xFFFFE003, lr  }
0x1b: {  	s9 =	sadd.s32 $0xFFFFFEF7, lr;
	s5 =	simm.s32 $0xFFFFFFFF;
	p2 =	slt.u32 s8, $0xFFFFF086  }
0x1c: {  	p1 =	slt.u32 s9, $0xF7A;
	s5 =	simm.s32 @!p2 $0x0  }
0x1d: {  	s5 =	simm.s32 @p1 $0x1;
	p0 =	seq.s32 s7, s2  }
0x1e: {  	s7 =	smul.u32 @!p0 $0xF7A, s2;
	p2 =	seq.s32 @!p0 s5, $0x0  }
0x1f: {  	s9 =	smul.u32 $0xF7A, s1;
	s8 =	simm.s32 @!p0 $0x1BF5;
	p2 =	por !p2, p0  }
0x20: {  	[sflag:s8] =	ssyncset.s32 @!p0 $0xFFFFF086;
	s6 =	sadd.s32 @!p0 s3, s7;
	s7 =	simm.s32 @!p0 $0x108  }
0x21: {  	s3 =	sadd.s32 s3, s9;
	s6 =	sadd.s32 @!p0 $0x88, s6;
	s7 =	simm.s32 @p2 $0x1082  }
0x22: {  	[simem:s7], [sflag:s8] =	dma.local @!p0 [hbm:s6], $0xF7A  }
0x23: {  	s9 =	sor.u32 $0xD0000000, s2;
	s6 =	simm.s32 $0x108;
	_ =	swait.ge @!p0 [sflag:s8], $0x0  }
0x24: {  	s3 =	sadd.s32 $0x88, s3;
	s6 =	simm.s32 @!p1 $0x1082;
	[sflag:s4] =	ssyncset.s32 $0xFFFFF086  }
0x25: {  	[simem:s6], [sflag:s4] =	dma.local [hbm:s3], $0xF7A  }
0x26: {  	[smem:$0x3F94] =	sst s1;
	(tag) =	ssettag s2;
	_ =	strace s9  }
0x27: {  	s1 =	sld [smem:$0x3FA4]  }
0x28: {  	s2 =	sld [smem:$0x3FA5]  }
0x29: {  	s4 =	sld [smem:$0x3FA7]  }
0x2a: {  	p0 =	seq.s32 s5, $0x0;
	s5 =	sld [smem:$0x3FA8]  }
0x2b: {  	s6 =	sld [smem:$0x3FA9]  }
0x2c: {  	s7 =	sld [smem:$0x3FAA]  }
0x2d: {  	s3 =	simm.s32 $0x108;
	s8 =	sld [smem:$0x3FAB]  }
0x2e: {  	s3 =	simm.s32 @!p0 $0x1082;
	s9 =	sld [smem:$0x3FAC]  }
0x2f: {  	lr =	sadd.s32 s0, s3;
	s0 =	sld [smem:$0x3FA3]  }
0x30: {  	s3 =	sld [smem:$0x3FA6]  }
0x31: {  	[smem:$0x3FAF] =	sst s10  }
0x32: {  	s10 =	sld [smem:$0x3FAD];
	_ =	sdelay $0x3  }
0x33: {  	p0 =	seq.s32 s10, $0x1;
	s10 =	sld [smem:$0x3FAF];
	_ =	sdelay $0x3  }
0x34: {  	[smem:$0x3FAF] =	sst s10  }
0x35: {  	s10 =	sld [smem:$0x3FAE];
	_ =	sdelay $0x3  }
0x36: {  	p1 =	seq.s32 s10, $0x1;
	s10 =	sld [smem:$0x3FAF];
	_ =	sdelay $0x3  }
0x37: {  	[smem:$0x3FAF] =	sst s10  }
0x38: {  	s10 =	sld [smem:$0x3FB0]  }
0x39: {  	_ = 	snop;
	(pc) =	sbr.ind lr, $3  }
0x3a: {  	_ = 	snop  }
0x3b: {  	_ = 	snop  }
0x3c: {  	p2 =	seq.s32 s10, $0x1;
	s10 =	sld [smem:$0x3FAF]  }
0x3d: {  	_ =	shalt  }
0x3e: {  	_ =	shalt  }
0x3f: {  	_ =	shalt  }
0x40: {  	_ =	shalt  }
0x41: {  	_ =	shalt  }
0x42: {  	_ =	shalt  }
0x43: {  	_ =	shalt  }
0x44: {  	_ =	shalt  }
0x45: {  	_ =	shalt  }
0x46: {  	_ =	shalt  }
0x47: {  	_ =	shalt  }
0x48: {  	_ =	shalt  }
0x49: {  	_ =	shalt  }
0x4a: {  	_ =	shalt  }
0x4b: {  	_ =	shalt  }
0x4c: {  	_ =	shalt  }
0x4d: {  	_ =	shalt  }
0x4e: {  	_ =	shalt  }
0x4f: {  	_ =	shalt  }
0x50: {  	_ =	shalt  }
0x51: {  	_ =	shalt  }
0x52: {  	_ =	shalt  }
0x53: {  	_ =	shalt  }
0x54: {  	_ =	shalt  }
0x55: {  	_ =	shalt  }
0x56: {  	_ =	shalt  }
0x57: {  	_ =	shalt  }
0x58: {  	_ =	shalt  }
0x59: {  	_ =	shalt  }
0x5a: {  	_ =	shalt  }
0x5b: {  	_ =	shalt  }
0x5c: {  	_ =	shalt  }
0x5d: {  	_ =	shalt  }
0x5e: {  	_ =	shalt  }
0x5f: {  	_ =	shalt  }
0x60: {  	_ =	shalt  }
0x61: {  	_ =	shalt  }
0x62: {  	_ =	shalt  }
0x63: {  	_ =	shalt  }
0x64: {  	_ =	shalt  }
0x65: {  	_ =	shalt  }
0x66: {  	_ =	shalt  }
0x67: {  	_ =	shalt  }
0x68: {  	_ =	shalt  }
0x69: {  	_ =	shalt  }
0x6a: {  	_ =	shalt  }
0x6b: {  	_ =	shalt  }
0x6c: {  	_ =	shalt  }
0x6d: {  	_ =	shalt  }
0x6e: {  	_ =	shalt  }
0x6f: {  	_ =	shalt  }
0x70: {  	_ =	shalt  }
0x71: {  	_ =	shalt  }
0x72: {  	_ =	shalt  }
0x73: {  	_ =	shalt  }
0x74: {  	_ =	shalt  }
0x75: {  	_ =	shalt  }
0x76: {  	_ =	shalt  }
0x77: {  	_ =	shalt  }
0x78: {  	_ =	shalt  }
0x79: {  	_ =	shalt  }
0x7a: {  	_ =	shalt  }
0x7b: {  	_ =	shalt  }
0x7c: {  	_ =	shalt  }
0x7d: {  	_ =	shalt  }
0x7e: {  	_ =	shalt  }
0x7f: {  	_ =	shalt  }
0x80: {  	_ =	shalt  }
0x81: {  	_ =	shalt  }
0x82: {  	_ =	shalt  }
0x83: {  	_ =	shalt  }
0x84: {  	_ =	shalt  }
0x85: {  	_ =	shalt  }
0x86: {  	_ =	shalt  }
0x87: {  	_ =	shalt  }
.Lfunc_end0:
.L_simem_size_0:
called_computation_lowered:
.L_overlay_start_0:
0x88: {  	s2 =	sld [smem:$0x3FD9]  }
0x89: {  	s3 =	sld [smem:$0x3FFE];
	_ =	sdelay $0x1  }
0x8a: {  	s1 =	srdreg.scid  }
0x8b: {  	s0 =	sand.u32 $0x1, s1  }
0x8c: {  	s17 =	sshll.u32 s0, $0xA;
	s2 =	sadd.s32 s3, s2  }
0x8d: {  	s2 =	sadd.s32 s2, s17  }
0x8e: {  	[smem:$0x3FBB] =	sst s2  }
0x8f: {  	_ = 	snop  }
0x90: {  	s2 =	sld [smem:$0x3FC9]  }
0x91: {  	s18 =	sld [smem:$0x3FC8]  }
0x92: {  	s4 =	sld [smem:$0x3FD0];
	(tm) =	ssettm $0x1  }
0x93: {  	s5 =	sld [smem:$0x3FFB];
	_ =	sdelay $0x3  }
0x94: {  	_ =	strace s5  }
0x95: {  	s5 =	sld [smem:$0x3FFC];
	_ =	sdelay $0x3  }
0x96: {  	_ =	strace s5  }
0x97: {  	s5 =	sld [smem:$0x3FFD];
	_ =	sdelay $0x3  }
0x98: {  	_ =	strace s5  }
0x99: {  	_ =	strace $0x8FFFFFFF  }
0x9a: {  	s19 =	sld [smem:$0x3FDB];
	_ =	sdelay $0x1  }
0x9b: {  	s6 =	simm.s32 $_scs_section_size  }
0x9c: {  	s7 =	simm.s32 $_size__tile_overlayer_lowered;
	s8 =	simm.s32 $_tile_overlayer_lowered  }
0x9d: {  	s22 =	simm.s32 $0x1BFF;
	s21 =	sshll.u32 s8, $0x1;
	s5 =	sadd.s32 s6, s19  }
0x9e: {  	s9 =	simm.s32 $0x0;
	s20 =	sshll.u32 s7, $0x1;
	s7 =	sadd.s32 s21, s5  }
0x9f: {  	[timem:s9], [sflag:s22] =	dma.local [hbm:s7], s20  }
0xa0: {  	_ =	swait.ge [sflag:s22], s20  }
0xa1: {  	s6 =	ssub.s32 $0x0, s20;
	[sflag:s22] =	ssyncset.done $0x0  }
0xa2: {  	[sflag:s22] =	ssyncadd.s32 s6;
	_ =	sdelay $0x1  }
0xa3: {  	s23 =	simm.s32 $0x1B8B  }
0xa4: {  	_ =	swait.ge [sflag:s23], $0x1  }
0xa5: {  	[sflag:s23] =	ssyncset.done $0x0  }
0xa6: {  	s25 =	simm.s32 $0x1B8E;
	s24 =	sld [smem:$0x3FFE];
	[sflag:s23] =	ssyncadd.s32 $0xFFFFFFFF  }
0xa7: {  	s26 =	simm.s32 $execute0_lowered;
	[smem:$0x3FD2] =	sst s25  }
0xa8: {  	s7 =	sshll.u32 s26, $0x1;
	_ =	strace $0x80000046;
	[dreg:$0x1] =	wrdreg $0xFFFFFFFF  }
0xa9: {  	s28 =	simm.s32 $_size_execute0_lowered;
	s5 =	sadd.s32 s5, s7;
	[dreg:$0x0] =	wrdreg $0x0  }
0xaa: {  	s7 =	sshll.u32 s28, $0x1;
	[dreg:$0x2] =	wrdreg s5  }
0xab: {  	[dreg:$0x3] =	wrdreg s7  }
0xac: {  	[dreg:$0x4] =	wrdreg $0xC0  }
0xad: {  	_ =	task [dreg:s9], $0x5FFFF  }
0xae: {  	[dreg:$0x1] =	wrdreg $0xFFFFFFFF  }
0xaf: {  	[dreg:$0x0] =	wrdreg $0x60  }
0xb0: {  	[dreg:$0x2] =	wrdreg s2  }
0xb1: {  	[dreg:$0x3] =	wrdreg s18  }
0xb2: {  	[dreg:$0x4] =	wrdreg s24  }
0xb3: {  	[dreg:$0x5] =	wrdreg s4  }
0xb4: {  	[dreg:$0x6] =	wrdreg $0xAC000  }
0xb5: {  	[dreg:$0x7] =	wrdreg $0x1E4800  }
0xb6: {  	[dreg:$0x8] =	wrdreg $0x9  }
0xb7: {  	_ =	task.clear_ibuf [dreg:s9], $0x9FFFF;
	_ =	strace $0x90000046  }
0xb8: {  	s29 =	simm.s32 $0x9;
	_ =	strace $0x80000048  }
0xb9: {  	_ =	swait.ge [sflag:s29], $0x1  }
0xba: {  	[sflag:s29] =	ssyncadd.s32 $0xFFFFFFFF  }
0xbb: {  	_ =	strace $0x90000048  }
0xbc: {  	_ =	sfence  }
0xbd: {  	s30 =	sld [smem:$0x0];
	_ =	sdelay $0x2  }
0xbe: {  	s31 =	sshll.u32 s1, $0xD;
	s1 =	sshrl.u32 s1, $0x2  }
0xbf: {  	s3 =	sand.u32 $0x4000, s31;
	s1 =	sadd.s32 s1, s30  }
0xc0: {  	s0 =	sor.u32 s3, s0;
	s1 =	sshll.u32 s1, $0x11  }
0xc1: {  	s0 =	sor.u32 s1, s0  }
0xc2: {  	s0 =	sadd.s32 $0x8F2B, s0  }
0xc3: {  	[sflag:s0] =	ssyncadd.remote.s32 $0x1  }
0xc4: {  	_ =	sfence.sel $0xFFFF  }
0xc5: {  	[dreg:$0x0] =	wrdreg $0xFFFFFFFF;
	(pc) =	sbr.abs _section_cstart, $3  }
0xc6: {  	[dreg:$0x1] =	wrdreg $0xFFFFFFFF  }
0xc7: {  	_ =	task.clear_ibuf [dreg:s9], $0x2FFFF;
	_ =	strace $0x9FFFFFFF  }
0xc8: {  	(tm) =	ssettm $0x7FFFFFFF  }
0xc9: {  	_ =	shalt  }
tec
execute0_lowered:
.L_overlay_start_1:
0x0: {  	(tag) =	ssettag $0x1  }
0x1: {  	s1 =	rddreg [dreg:$0x0]  }
0x2: {  	s11 =	rddreg [dreg:$0x1]  }
0x3: {  	s9 =	rddreg [dreg:$0x2]  }
0x4: {  	s4 =	rddreg [dreg:$0x4]  }
0x5: {  	s5 =	rddreg [dreg:$0x5]  }
0x6: {  	s7 =	srdreg.scid;
	s0 =	stileid.u32;
	s6 =	simm.s32 $0x0  }
0x7: {  	s20 =	simm.s32 $0x80;
	s21 =	simm.s32 $0x2800;
	s28 =	simm.s32 $0x2780  }
0x8: {  	s29 =	simm.s32 $0x200;
	s30 =	simm.s32 $0x0;
	s12 =	smul.u32 $0x13880, s0  }
0x9: {  	s10 =	sand.u32 $0x1, s7;
	[smem:$0x7FF] =	sst s6;
	s13 =	smul.u32 $0x1388, s0  }
0xa: {  	s7 =	sadd.s32 $0x3200, s9;
	s26 =	sshll.u32 s0, $0x5;
	s31 =	sshll.u32 s0, $0x6  }
0xb: {  	s8 =	smul.u32 $0x138800, s10;
	_ =	strace $0x80000047;
	s16 =	sshll.u32 s10, $0x4  }
0xc: {  	s15 =	smul.u32 $0x13880, s10;
	s10 =	ssub.s32 $0x2, s10;
	s25 =	sor.u32 s0, s16  }
0xd: {  	s22 =	sshrl.u32 s10, $0x1;
	s18 =	sadd.s32 s12, s4;
	s19 =	sadd.s32 s13, s5  }
0xe: {  	s14 =	sadd.s32 s12, s8;
	s8 =	sadd.s32 $0x5A00, s9;
	s17 =	smul.u32 $0x4E00, s25  }
0xf: {  	s15 =	sadd.s32 s13, s15;
	s16 =	ssub.s32 s10, s22;
	s23 =	smul.u32 $0x9C0, s25  }
0x10: {  	s18 =	sshrl.u32 s18, $0x3;
	s19 =	sshrl.u32 s19, $0x3;
	s22 =	simm.s32 $0x1  }
0x11: {  	p0 =	sgt.u32 s25, $0x3;
	s14 =	sshrl.u32 s14, $0x3;
	s15 =	sshrl.u32 s15, $0x3  }
0x12: {  	s25 =	simm.s32 $0x2700;
	s14 =	sadd.s32 s14, s9;
	s15 =	sadd.s32 s15, s9  }
0x13: {  	s24 =	sshrl.u32 s17, $0x3;
	s9 =	sadd.s32 s11, s23;
	s17 =	sor.u32 $0x1C03, s31  }
0x14: {  	s23 =	simm.s32 $0x6800;
	s10 =	sadd.s32 s11, s24;
	s11 =	sadd.s32 s26, s11  }
0x15: {  	s12 =	sadd.s32 $0xAC00, s14;
	s13 =	sadd.s32 $0x5C00, s15;
	s14 =	smax.u32 s16, $0x1  }
0x16: {  	s15 =	simm.s32 $0xA800;
	s16 =	simm.s32 $0x3;
	s24 =	simm.s32 $0x2  }
0x17: {  	s26 =	simm.s32 $0x2680;
	s10 =	sadd.s32 $0x4C0, s10;
	s11 =	sadd.s32 $0x13800, s11  }
.LBB2_1:
0x18: {  	[tilespmem:s15], [sflag:$0x3] =	stream.linear.gather [hbm4b:s8+s6], $0x400, $0x38;
	[tilespmem:$0x1F808] =	vst v63  }
0x19: {  	_ =	swait.ge [sflag:s16], $0x400  }
0x1a: {  	[sflag:s16] =	ssyncset.done $0x0  }
0x1b: {  	[sflag:s16] =	ssyncadd.s32 $0xFFFFFC00  }
0x1c: {  	[spmem:s18], [sflag:s17] =	dma.local [hbm:s7], $0x2710  }
0x1d: {  	_ =	swait.ge [sflag:s16], $0x2710  }
0x1e: {  	[sflag:s16] =	ssyncset.done $0x0  }
0x1f: {  	[sflag:s16] =	ssyncadd.s32 $0xFFFFD8F0  }
0x20: {  	s0 =	rddreg [dreg:$0x3]  }
0x21: {  	[spmem:s19], [sflag:s17] =	dma.local [hbm:s0], $0x271  }
0x22: {  	_ =	swait.ge [sflag:s16], $0x271  }
0x23: {  	[sflag:s16] =	ssyncset.done $0x0  }
0x24: {  	[sflag:s16] =	ssyncadd.s32 $0xFFFFFD8F  }
0x25: {  	[bflag:$0x0] =	sbarrier.arrive $0xFFFF  }
0x26: {  	[tilespmem:s6], [sflag:$0x3] =	stream.linear.gather [hbm4b:s9+s6], $0x2800, $0x38;
	[tilespmem:$0x1F808] =	vst v63  }
0x27: {  	_ =	swait.ge [sflag:s16], $0x2800  }
0x28: {  	[sflag:s16] =	ssyncset.done $0x0  }
0x29: {  	[sflag:s16] =	ssyncadd.s32 $0xFFFFD800  }
0x2a: {  	[tilespmem:s21], [sflag:$0x1] =	stream.indirect.gather [hbm4b:s1+s20], $0x80, s6, s20, $0xb8;
	[tilespmem:$0x1F808] =	vst v63  }
0x2b: {  	_ =	swait.ge [sflag:s22], $0x4000  }
0x2c: {  	[sflag:s22] =	ssyncset.done $0x0  }
0x2d: {  	s31 =	simm.s32 $0x100;
	[sflag:s22] =	ssyncadd.s32 $0xFFFFC000  }
0x2e: {  	[tilespmem:s23], [sflag:$0x2] =	stream.indirect.gather [hbm4b:s1+s20], $0x80, s31, s20, $0xb8;
	[tilespmem:$0x1F808] =	vst v63  }
0x2f: {  	s31 =	simm.s32 $0x80  }
0x30: {  	[spmem:s4] =	stream.indirect.scatter.add.f32 [tilespmem:s21], [sflag:$0x3], $0x80, s31, s20, $0xb8;
	[tilespmem:$0x1F808] =	vst v63  }
0x31: {  	_ =	swait.ge [sflag:s16], $0x4000  }
0x32: {  	[sflag:s16] =	ssyncset.done $0x0  }
0x33: {  	[sflag:s16] =	ssyncadd.s32 $0xFFFFC000  }
0x34: {  	[spmem:s5] =	stream.indirect.scatter.add.f32 [tilespmem:s15], [sflag:$0x3], $0x8, s31, s20, $0xb8;
	[tilespmem:$0x1F808] =	vst v63  }
0x35: {  	_ =	swait.ge [sflag:s16], $0x400  }
0x36: {  	[sflag:s16] =	ssyncset.done $0x0  }
0x37: {  	[sflag:s16] =	ssyncadd.s32 $0xFFFFFC00  }
0x38: {  	_ =	swait.ge [sflag:s24], $0x4000  }
0x39: {  	[sflag:s24] =	ssyncset.done $0x0  }
0x3a: {  	s31 =	simm.s32 $0x200;
	[sflag:s24] =	ssyncadd.s32 $0xFFFFC000  }
0x3b: {  	[tilespmem:s21], [sflag:$0x1] =	stream.indirect.gather [hbm4b:s1+s20], $0x80, s31, s20, $0xb8;
	[tilespmem:$0x1F808] =	vst v63  }
0x3c: {  	s31 =	simm.s32 $0x180  }
0x3d: {  	[spmem:s4] =	stream.indirect.scatter.add.f32 [tilespmem:s23], [sflag:$0x3], $0x80, s31, s20, $0xb8;
	[tilespmem:$0x1F808] =	vst v63  }
0x3e: {  	_ =	swait.ge [sflag:s16], $0x4000  }
0x3f: {  	[sflag:s16] =	ssyncset.done $0x0  }
0x40: {  	[sflag:s16] =	ssyncadd.s32 $0xFFFFC000  }
0x41: {  	[spmem:s5] =	stream.indirect.scatter.add.f32 [tilespmem:s15], [sflag:$0x3], $0x8, s31, s20, $0xb8;
	[tilespmem:$0x1F808] =	vst v63  }
0x42: {  	_ =	swait.ge [sflag:s16], $0x400  }
0x43: {  	s31 =	simm.s32 $0xFFFF7000;
	[sflag:s16] =	ssyncset.done $0x0  }
.LBB2_2:
0x44: {  	p1 =	sne.s32 s31, $0xFFFFF800  }
0x45: {  	[sflag:s16] =	ssyncadd.s32 $0xFFFFFC00;
	s0 =	smov.u32 s31;
	s31 =	sadd.s32 $0x800, s31  }
0x46: {  	_ =	swait.ge [sflag:s22], $0x4000  }
0x47: {  	s0 =	sshra.s32 s0, $0x2;
	[sflag:s22] =	ssyncset.done $0x0  }
0x48: {  	s3 =	sadd.s32 $0x2700, s0;
	[sflag:s22] =	ssyncadd.s32 $0xFFFFC000  }
0x49: {  	[tilespmem:s23], [sflag:$0x2] =	stream.indirect.gather [hbm4b:s1+s20], $0x80, s3, s20, $0xb8;
	[tilespmem:$0x1F808] =	vst v63  }
0x4a: {  	s3 =	sadd.s32 $0x2680, s0  }
0x4b: {  	[spmem:s4] =	stream.indirect.scatter.add.f32 [tilespmem:s21], [sflag:$0x3], $0x80, s3, s20, $0xb8;
	[tilespmem:$0x1F808] =	vst v63  }
0x4c: {  	_ =	swait.ge [sflag:s16], $0x4000  }
0x4d: {  	[sflag:s16] =	ssyncset.done $0x0  }
0x4e: {  	[sflag:s16] =	ssyncadd.s32 $0xFFFFC000  }
0x4f: {  	[spmem:s5] =	stream.indirect.scatter.add.f32 [tilespmem:s15], [sflag:$0x3], $0x8, s3, s20, $0xb8;
	[tilespmem:$0x1F808] =	vst v63  }
0x50: {  	_ =	swait.ge [sflag:s16], $0x400  }
0x51: {  	[sflag:s16] =	ssyncset.done $0x0  }
0x52: {  	[sflag:s16] =	ssyncadd.s32 $0xFFFFFC00  }
0x53: {  	_ =	swait.ge [sflag:s24], $0x4000  }
0x54: {  	[sflag:s24] =	ssyncset.done $0x0  }
0x55: {  	s3 =	sadd.s32 $0x2800, s0;
	[sflag:s24] =	ssyncadd.s32 $0xFFFFC000  }
0x56: {  	[tilespmem:s21], [sflag:$0x1] =	stream.indirect.gather [hbm4b:s1+s20], $0x80, s3, s20, $0xb8;
	[tilespmem:$0x1F808] =	vst v63  }
0x57: {  	s0 =	sadd.s32 $0x2780, s0  }
0x58: {  	[spmem:s4] =	stream.indirect.scatter.add.f32 [tilespmem:s23], [sflag:$0x3], $0x80, s0, s20, $0xb8;
	[tilespmem:$0x1F808] =	vst v63  }
0x59: {  	_ =	swait.ge [sflag:s16], $0x4000  }
.Ltmp0:
0x5a: {  	[sflag:s16] =	ssyncset.done $0x0;
	(pc) =	sbr.rel @p1 .LBB2_2-.Ltmp0, $4  }
0x5b: {  	[sflag:s16] =	ssyncadd.s32 $0xFFFFC000  }
0x5c: {  	[spmem:s5] =	stream.indirect.scatter.add.f32 [tilespmem:s15], [sflag:$0x3], $0x8, s0, s20, $0xb8;
	[tilespmem:$0x1F808] =	vst v63  }
0x5d: {  	_ =	swait.ge [sflag:s16], $0x400  }
0x5e: {  	[sflag:s16] =	ssyncset.done $0x0  }
0x5f: {  	[sflag:s16] =	ssyncadd.s32 $0xFFFFFC00  }
0x60: {  	_ =	swait.ge [sflag:s22], $0x4000  }
0x61: {  	[sflag:s22] =	ssyncset.done $0x0  }
0x62: {  	[sflag:s22] =	ssyncadd.s32 $0xFFFFC000  }
0x63: {  	[tilespmem:s23], [sflag:$0x2] =	stream.indirect.gather [hbm4b:s1+s20], $0x80, s25, s20, $0xb8;
	[tilespmem:$0x1F808] =	vst v63  }
0x64: {  	_ = 	snop  }
0x65: {  	[spmem:s4] =	stream.indirect.scatter.add.f32 [tilespmem:s21], [sflag:$0x3], $0x80, s26, s20, $0xb8;
	[tilespmem:$0x1F808] =	vst v63  }
0x66: {  	_ =	swait.ge [sflag:s16], $0x4000  }
0x67: {  	[sflag:s16] =	ssyncset.done $0x0  }
0x68: {  	[sflag:s16] =	ssyncadd.s32 $0xFFFFC000  }
0x69: {  	[spmem:s5] =	stream.indirect.scatter.add.f32 [tilespmem:s15], [sflag:$0x3], $0x8, s26, s20, $0xb8;
	[tilespmem:$0x1F808] =	vst v63  }
0x6a: {  	_ =	swait.ge [sflag:s16], $0x400  }
0x6b: {  	[sflag:s16] =	ssyncset.done $0x0  }
0x6c: {  	[sflag:s16] =	ssyncadd.s32 $0xFFFFFC00  }
0x6d: {  	_ =	swait.ge [sflag:s24], $0x4000  }
0x6e: {  	[sflag:s24] =	ssyncset.done $0x0  }
0x6f: {  	[sflag:s24] =	ssyncadd.s32 $0xFFFFC000  }
0x70: {  	[spmem:s4] =	stream.indirect.scatter.add.f32 [tilespmem:s23], [sflag:$0x3], $0x80, s28, s20, $0xb8;
	[tilespmem:$0x1F808] =	vst v63  }
0x71: {  	_ =	swait.ge [sflag:s16], $0x4000  }
0x72: {  	[sflag:s16] =	ssyncset.done $0x0  }
0x73: {  	[sflag:s16] =	ssyncadd.s32 $0xFFFFC000  }
0x74: {  	[spmem:s5] =	stream.indirect.scatter.add.f32 [tilespmem:s15], [sflag:$0x3], $0x8, s28, s20, $0xb8;
	[tilespmem:$0x1F808] =	vst v63  }
0x75: {  	_ =	swait.ge [sflag:s16], $0x400  }
0x76: {  	[sflag:s16] =	ssyncset.done $0x0  }
0x77: {  	[sflag:s16] =	ssyncadd.s32 $0xFFFFFC00  }
0x78: {  	[tilespmem:s6], [sflag:$0x3] =	stream.linear.gather [hbm4b:s10+s6], $0x2800, $0x38;
	[tilespmem:$0x1F808] =	vst v63  }
0x79: {  	_ =	swait.ge [sflag:s16], $0x2800  }
0x7a: {  	[sflag:s16] =	ssyncset.done $0x0  }
0x7b: {  	[sflag:s16] =	ssyncadd.s32 $0xFFFFD800  }
0x7c: {  	[tilespmem:s21], [sflag:$0x1] =	stream.indirect.gather [hbm4b:s1+s20], $0x80, s29, s20, $0xb8;
	[tilespmem:$0x1F808] =	vst v63  }
0x7d: {  	_ =	swait.ge [sflag:s22], $0x4000  }
0x7e: {  	[sflag:s22] =	ssyncset.done $0x0  }
0x7f: {  	s0 =	simm.s32 $0x300;
	[sflag:s22] =	ssyncadd.s32 $0xFFFFC000  }
0x80: {  	[tilespmem:s23], [sflag:$0x2] =	stream.indirect.gather [hbm4b:s1+s20], $0x80, s0, s20, $0xb8;
	[tilespmem:$0x1F808] =	vst v63  }
0x81: {  	s3 =	simm.s32 $0x280  }
0x82: {  	[spmem:s4] =	stream.indirect.scatter.add.f32 [tilespmem:s21], [sflag:$0x3], $0x80, s3, s20, $0xb8;
	[tilespmem:$0x1F808] =	vst v63  }
0x83: {  	_ =	swait.ge [sflag:s16], $0x4000  }
0x84: {  	[sflag:s16] =	ssyncset.done $0x0  }
0x85: {  	[sflag:s16] =	ssyncadd.s32 $0xFFFFC000  }
0x86: {  	[spmem:s5] =	stream.indirect.scatter.add.f32 [tilespmem:s15], [sflag:$0x3], $0x8, s3, s20, $0xb8;
	[tilespmem:$0x1F808] =	vst v63  }
0x87: {  	_ =	swait.ge [sflag:s16], $0x400  }
0x88: {  	[sflag:s16] =	ssyncset.done $0x0  }
0x89: {  	[sflag:s16] =	ssyncadd.s32 $0xFFFFFC00  }
0x8a: {  	_ =	swait.ge [sflag:s24], $0x4000  }
0x8b: {  	[sflag:s24] =	ssyncset.done $0x0  }
0x8c: {  	s2 =	simm.s32 $0x400;
	[sflag:s24] =	ssyncadd.s32 $0xFFFFC000  }
0x8d: {  	[tilespmem:s21], [sflag:$0x1] =	stream.indirect.gather [hbm4b:s1+s20], $0x80, s2, s20, $0xb8;
	[tilespmem:$0x1F808] =	vst v63  }
0x8e: {  	s3 =	simm.s32 $0x380  }
0x8f: {  	[spmem:s4] =	stream.indirect.scatter.add.f32 [tilespmem:s23], [sflag:$0x3], $0x80, s3, s20, $0xb8;
	[tilespmem:$0x1F808] =	vst v63  }
0x90: {  	_ =	swait.ge [sflag:s16], $0x4000  }
0x91: {  	[sflag:s16] =	ssyncset.done $0x0  }
0x92: {  	[sflag:s16] =	ssyncadd.s32 $0xFFFFC000  }
0x93: {  	[spmem:s5] =	stream.indirect.scatter.add.f32 [tilespmem:s15], [sflag:$0x3], $0x8, s3, s20, $0xb8;
	[tilespmem:$0x1F808] =	vst v63  }
0x94: {  	_ =	swait.ge [sflag:s16], $0x400  }
0x95: {  	s31 =	simm.s32 $0xFFFF7800;
	[sflag:s16] =	ssyncset.done $0x0  }
.LBB2_4:
0x96: {  	p1 =	sne.s32 s31, $0xFFFFF800  }
0x97: {  	[sflag:s16] =	ssyncadd.s32 $0xFFFFFC00;
	s0 =	smov.u32 s31;
	s31 =	sadd.s32 $0x800, s31  }
0x98: {  	_ =	swait.ge [sflag:s22], $0x4000  }
0x99: {  	s0 =	sshra.s32 s0, $0x2;
	[sflag:s22] =	ssyncset.done $0x0  }
0x9a: {  	s3 =	sadd.s32 $0x2700, s0;
	[sflag:s22] =	ssyncadd.s32 $0xFFFFC000  }
0x9b: {  	[tilespmem:s23], [sflag:$0x2] =	stream.indirect.gather [hbm4b:s1+s20], $0x80, s3, s20, $0xb8;
	[tilespmem:$0x1F808] =	vst v63  }
0x9c: {  	s3 =	sadd.s32 $0x2680, s0  }
0x9d: {  	[spmem:s4] =	stream.indirect.scatter.add.f32 [tilespmem:s21], [sflag:$0x3], $0x80, s3, s20, $0xb8;
	[tilespmem:$0x1F808] =	vst v63  }
0x9e: {  	_ =	swait.ge [sflag:s16], $0x4000  }
0x9f: {  	[sflag:s16] =	ssyncset.done $0x0  }
0xa0: {  	[sflag:s16] =	ssyncadd.s32 $0xFFFFC000  }
0xa1: {  	[spmem:s5] =	stream.indirect.scatter.add.f32 [tilespmem:s15], [sflag:$0x3], $0x8, s3, s20, $0xb8;
	[tilespmem:$0x1F808] =	vst v63  }
0xa2: {  	_ =	swait.ge [sflag:s16], $0x400  }
0xa3: {  	[sflag:s16] =	ssyncset.done $0x0  }
0xa4: {  	[sflag:s16] =	ssyncadd.s32 $0xFFFFFC00  }
0xa5: {  	_ =	swait.ge [sflag:s24], $0x4000  }
0xa6: {  	[sflag:s24] =	ssyncset.done $0x0  }
0xa7: {  	s3 =	sadd.s32 $0x2800, s0;
	[sflag:s24] =	ssyncadd.s32 $0xFFFFC000  }
0xa8: {  	[tilespmem:s21], [sflag:$0x1] =	stream.indirect.gather [hbm4b:s1+s20], $0x80, s3, s20, $0xb8;
	[tilespmem:$0x1F808] =	vst v63  }
0xa9: {  	s0 =	sadd.s32 $0x2780, s0  }
0xaa: {  	[spmem:s4] =	stream.indirect.scatter.add.f32 [tilespmem:s23], [sflag:$0x3], $0x80, s0, s20, $0xb8;
	[tilespmem:$0x1F808] =	vst v63  }
0xab: {  	_ =	swait.ge [sflag:s16], $0x4000  }
.Ltmp1:
0xac: {  	[sflag:s16] =	ssyncset.done $0x0;
	(pc) =	sbr.rel @p1 .LBB2_4-.Ltmp1, $4  }
0xad: {  	[sflag:s16] =	ssyncadd.s32 $0xFFFFC000  }
0xae: {  	[spmem:s5] =	stream.indirect.scatter.add.f32 [tilespmem:s15], [sflag:$0x3], $0x8, s0, s20, $0xb8;
	[tilespmem:$0x1F808] =	vst v63  }
0xaf: {  	_ =	swait.ge [sflag:s16], $0x400  }
0xb0: {  	[sflag:s16] =	ssyncset.done $0x0  }
0xb1: {  	[sflag:s16] =	ssyncadd.s32 $0xFFFFFC00  }
0xb2: {  	_ =	swait.ge [sflag:s22], $0x4000  }
0xb3: {  	[sflag:s22] =	ssyncset.done $0x0  }
0xb4: {  	[sflag:s22] =	ssyncadd.s32 $0xFFFFC000  }
0xb5: {  	[tilespmem:s23], [sflag:$0x2] =	stream.indirect.gather [hbm4b:s1+s20], $0x80, s25, s20, $0xb8;
	[tilespmem:$0x1F808] =	vst v63  }
0xb6: {  	_ = 	snop  }
0xb7: {  	[spmem:s4] =	stream.indirect.scatter.add.f32 [tilespmem:s21], [sflag:$0x3], $0x80, s26, s20, $0xb8;
	[tilespmem:$0x1F808] =	vst v63  }
0xb8: {  	_ =	swait.ge [sflag:s16], $0x4000  }
0xb9: {  	[sflag:s16] =	ssyncset.done $0x0  }
0xba: {  	[sflag:s16] =	ssyncadd.s32 $0xFFFFC000  }
0xbb: {  	[spmem:s5] =	stream.indirect.scatter.add.f32 [tilespmem:s15], [sflag:$0x3], $0x8, s26, s20, $0xb8;
	[tilespmem:$0x1F808] =	vst v63  }
0xbc: {  	_ =	swait.ge [sflag:s16], $0x400  }
0xbd: {  	[sflag:s16] =	ssyncset.done $0x0  }
0xbe: {  	[sflag:s16] =	ssyncadd.s32 $0xFFFFFC00  }
0xbf: {  	_ =	swait.ge [sflag:s24], $0x4000  }
0xc0: {  	[sflag:s24] =	ssyncset.done $0x0  }
0xc1: {  	[sflag:s24] =	ssyncadd.s32 $0xFFFFC000  }
0xc2: {  	[spmem:s4] =	stream.indirect.scatter.add.f32 [tilespmem:s23], [sflag:$0x3], $0x80, s28, s20, $0xb8;
	[tilespmem:$0x1F808] =	vst v63  }
0xc3: {  	_ =	swait.ge [sflag:s16], $0x4000  }
0xc4: {  	[sflag:s16] =	ssyncset.done $0x0  }
0xc5: {  	[sflag:s16] =	ssyncadd.s32 $0xFFFFC000  }
0xc6: {  	[spmem:s5] =	stream.indirect.scatter.add.f32 [tilespmem:s15], [sflag:$0x3], $0x8, s28, s20, $0xb8;
	[tilespmem:$0x1F808] =	vst v63  }
0xc7: {  	_ =	swait.ge [sflag:s16], $0x400  }
0xc8: {  	[sflag:s16] =	ssyncset.done $0x0  }
0xc9: {  	s0 =	simm.s32 @!p0 $0x0;
	s3 =	simm.s32 @!p0 $0x3;
	[sflag:s16] =	ssyncadd.s32 $0xFFFFFC00  }
0xca: {  	[tilespmem:s0], [sflag:$0x3] =	stream.linear.gather @!p0 [hbm4b:s11+s0], $0x100, $0x38;
	[tilespmem:$0x1F808] =	vst v63  }
0xcb: {  	_ =	swait.ge @!p0 [sflag:s3], $0x100  }
0xcc: {  	[sflag:s3] =	ssyncset.done @!p0 $0x0  }
0xcd: {  	s31 =	simm.s32 @!p0 $0x80;
	s2 =	simm.s32 @!p0 $0x2800;
	[sflag:s3] =	ssyncadd.s32 @!p0 $0xFFFFFF00  }
0xce: {  	[tilespmem:s2], [sflag:$0x1] =	stream.indirect.gather @!p0 [hbm4b:s1+s31], $0x80, s0, s31, $0xb8;
	[tilespmem:$0x1F808] =	vst v63  }
0xcf: {  	s0 =	simm.s32 @!p0 $0x1  }
0xd0: {  	_ =	swait.ge @!p0 [sflag:s0], $0x4000  }
0xd1: {  	[sflag:s0] =	ssyncset.done @!p0 $0x0  }
0xd2: {  	[sflag:s0] =	ssyncadd.s32 @!p0 $0xFFFFC000  }
0xd3: {  	[spmem:s4] =	stream.indirect.scatter.add.f32 @!p0 [tilespmem:s2], [sflag:$0x3], $0x80, s31, s31, $0xb8;
	[tilespmem:$0x1F808] =	vst v63  }
0xd4: {  	_ =	swait.ge @!p0 [sflag:s3], $0x4000  }
0xd5: {  	[sflag:s3] =	ssyncset.done @!p0 $0x0  }
0xd6: {  	s0 =	simm.s32 @!p0 $0xA800;
	[sflag:s3] =	ssyncadd.s32 @!p0 $0xFFFFC000  }
0xd7: {  	[spmem:s5] =	stream.indirect.scatter.add.f32 @!p0 [tilespmem:s0], [sflag:$0x3], $0x8, s31, s31, $0xb8;
	[tilespmem:$0x1F808] =	vst v63  }
0xd8: {  	_ =	swait.ge @!p0 [sflag:s3], $0x400  }
0xd9: {  	[sflag:s3] =	ssyncset.done @!p0 $0x0  }
0xda: {  	[sflag:s3] =	ssyncadd.s32 @!p0 $0xFFFFFC00  }
0xdb: {  	[bflag:$0x0] =	sbarrier.arrive $0xFFFF  }
0xdc: {  	[hbm:s12], [sflag:s17] =	dma.local [spmem:s18], $0x2710  }
0xdd: {  	s30 =	sadd.s32 $0x1, s30;
	_ =	swait.ge [sflag:s16], $0x2710  }
0xde: {  	p1 =	sne.s32 s30, s14;
	[sflag:s16] =	ssyncset.done $0x0  }
.Ltmp2:
0xdf: {  	[sflag:s16] =	ssyncadd.s32 $0xFFFFD8F0;
	(pc) =	sbr.rel @p1 .LBB2_1-.Ltmp2, $4  }
0xe0: {  	[hbm:s13], [sflag:s17] =	dma.local [spmem:s19], $0x271  }
0xe1: {  	_ =	swait.ge [sflag:s16], $0x271  }
0xe2: {  	[sflag:s16] =	ssyncset.done $0x0  }
0xe3: {  	[sflag:s16] =	ssyncadd.s32 $0xFFFFFD8F  }
0xe4: {  	_ =	sfence.sel $0x180000  }
0xe5: {  	[bflag:$0x0] =	sbarrier.arrive $0xFFFF  }
0xe6: {  	_ =	strace $0x90000047  }
0xe7: {  	s0 =	stileid.u32;
	[bflag:$0x2] =	sbarrier.arrive $0xFFFF  }
0xe8: {  	p0 =	sne.s32 s0, $0x0;
	s0 =	rddreg [dreg:$0x6]  }
0xe9: {  	s0 =	sadd.s32 @!p0 $0x100000, s0  }
0xea: {  	[sflag:s0] =	ssyncadd.tile.s32 @!p0 $0x1;
	_ =	shalt  }
.Lfunc_end2:
_tile_overlayer_lowered:
.L_overlay_start_2:
0xeb: {  	(tag) =	ssettag $0x2  }
0xec: {  	s0 =	rddreg [dreg:$0x0];
	s2 =	stileid.u32  }
0xed: {  	s1 =	rddreg [dreg:$0x1];
	p0 =	sne.s32 s2, $0x0  }
0xee: {  	s3 =	rddreg [dreg:$0x2];
	[bflag:$0x3] =	sbarrier.arrive $0xFFFF;
	s2 =	simm.s32 @!p0 $0x1C03  }
0xef: {  	[timem:s3], [sflag:s2] =	dma.local @!p0 [hbm:s0], s1  }
0xf0: {  	s0 =	simm.s32 @!p0 $0x3  }
0xf1: {  	_ =	swait.ge @!p0 [sflag:s0], s1  }
0xf2: {  	s1 =	ssub.s32 @!p0 $0x0, s1;
	[sflag:s0] =	ssyncset.done @!p0 $0x0  }
0xf3: {  	[sflag:s0] =	ssyncadd.s32 @!p0 s1  }
0xf4: {  	[bflag:$0x3] =	sbarrier.arrive $0xFFFF  }
0xf5: {  	_ =	shalt  }

// kernel: kernel.9.cloned.1.call-start
scs
__scs_entry_jumppad:
0x0: {  	(pc) =	sbr.rel $0x88, $3  }
0x1: {  	(tag) =	ssettag $0x0;
	lr =	simm.s32 $0x1  }
0x2: {  	[smem:$0x3F94] =	sst lr;
	_ =	strace $0xD0000000  }
0x3: {  	_ = 	snop  }
0x4: {  	_ = 	snop  }
0x5: {  	_ = 	snop  }
0x6: {  	_ = 	snop  }
0x7: {  	_ = 	snop  }
__scs_overlays_trampoline_lowered:
0x8: {  	[smem:$0x3FA3] =	sst s0  }
0x9: {  	[smem:$0x3FA4] =	sst s1  }
0xa: {  	[smem:$0x3FA5] =	sst s2  }
0xb: {  	[smem:$0x3FA6] =	sst s3  }
0xc: {  	[smem:$0x3FA7] =	sst s4  }
0xd: {  	[smem:$0x3FA8] =	sst s5  }
0xe: {  	[smem:$0x3FA9] =	sst s6  }
0xf: {  	[smem:$0x3FAA] =	sst s7  }
0x10: {  	[smem:$0x3FAB] =	sst s8  }
0x11: {  	[smem:$0x3FAC] =	sst s9;
	s0 =	simm.s32 @!p0 $0x0  }
0x12: {  	s1 =	sld [smem:$0x3F92];
	s0 =	simm.s32 @p0 $0x1  }
0x13: {  	[smem:$0x3FAD] =	sst s0;
	s0 =	simm.s32 @!p1 $0x0  }
0x14: {  	s2 =	sld [smem:$0x3F91];
	s0 =	simm.s32 @p1 $0x1  }
0x15: {  	[smem:$0x3FAE] =	sst s0;
	s0 =	simm.s32 @!p2 $0x0  }
0x16: {  	s3 =	sld [smem:$0x3FDB];
	s0 =	simm.s32 @p2 $0x1  }
0x17: {  	s4 =	simm.s32 $0x1BF5;
	[smem:$0x3FB0] =	sst s0  }
0x18: {  	s0 =	sld [smem:$0x3F93];
	_ =	swait.ge [sflag:s4], $0x0  }
0x19: {  	s7 =	sld [smem:$0x3F94]  }
0x1a: {  	s8 =	sadd.s32 $0xFFFFE003, lr  }
0x1b: {  	s9 =	sadd.s32 $0xFFFFFEF7, lr;
	s5 =	simm.s32 $0xFFFFFFFF;
	p2 =	slt.u32 s8, $0xFFFFF086  }
0x1c: {  	p1 =	slt.u32 s9, $0xF7A;
	s5 =	simm.s32 @!p2 $0x0  }
0x1d: {  	s5 =	simm.s32 @p1 $0x1;
	p0 =	seq.s32 s7, s2  }
0x1e: {  	s7 =	smul.u32 @!p0 $0xF7A, s2;
	p2 =	seq.s32 @!p0 s5, $0x0  }
0x1f: {  	s9 =	smul.u32 $0xF7A, s1;
	s8 =	simm.s32 @!p0 $0x1BF5;
	p2 =	por !p2, p0  }
0x20: {  	[sflag:s8] =	ssyncset.s32 @!p0 $0xFFFFF086;
	s6 =	sadd.s32 @!p0 s3, s7;
	s7 =	simm.s32 @!p0 $0x108  }
0x21: {  	s3 =	sadd.s32 s3, s9;
	s6 =	sadd.s32 @!p0 $0x88, s6;
	s7 =	simm.s32 @p2 $0x1082  }
0x22: {  	[simem:s7], [sflag:s8] =	dma.local @!p0 [hbm:s6], $0xF7A  }
0x23: {  	s9 =	sor.u32 $0xD0000000, s2;
	s6 =	simm.s32 $0x108;
	_ =	swait.ge @!p0 [sflag:s8], $0x0  }
0x24: {  	s3 =	sadd.s32 $0x88, s3;
	s6 =	simm.s32 @!p1 $0x1082;
	[sflag:s4] =	ssyncset.s32 $0xFFFFF086  }
0x25: {  	[simem:s6], [sflag:s4] =	dma.local [hbm:s3], $0xF7A  }
0x26: {  	[smem:$0x3F94] =	sst s1;
	(tag) =	ssettag s2;
	_ =	strace s9  }
0x27: {  	s1 =	sld [smem:$0x3FA4]  }
0x28: {  	s2 =	sld [smem:$0x3FA5]  }
0x29: {  	s4 =	sld [smem:$0x3FA7]  }
0x2a: {  	p0 =	seq.s32 s5, $0x0;
	s5 =	sld [smem:$0x3FA8]  }
0x2b: {  	s6 =	sld [smem:$0x3FA9]  }
0x2c: {  	s7 =	sld [smem:$0x3FAA]  }
0x2d: {  	s3 =	simm.s32 $0x108;
	s8 =	sld [smem:$0x3FAB]  }
0x2e: {  	s3 =	simm.s32 @!p0 $0x1082;
	s9 =	sld [smem:$0x3FAC]  }
0x2f: {  	lr =	sadd.s32 s0, s3;
	s0 =	sld [smem:$0x3FA3]  }
0x30: {  	s3 =	sld [smem:$0x3FA6]  }
0x31: {  	[smem:$0x3FAF] =	sst s10  }
0x32: {  	s10 =	sld [smem:$0x3FAD];
	_ =	sdelay $0x3  }
0x33: {  	p0 =	seq.s32 s10, $0x1;
	s10 =	sld [smem:$0x3FAF];
	_ =	sdelay $0x3  }
0x34: {  	[smem:$0x3FAF] =	sst s10  }
0x35: {  	s10 =	sld [smem:$0x3FAE];
	_ =	sdelay $0x3  }
0x36: {  	p1 =	seq.s32 s10, $0x1;
	s10 =	sld [smem:$0x3FAF];
	_ =	sdelay $0x3  }
0x37: {  	[smem:$0x3FAF] =	sst s10  }
0x38: {  	s10 =	sld [smem:$0x3FB0]  }
0x39: {  	_ = 	snop;
	(pc) =	sbr.ind lr, $3  }
0x3a: {  	_ = 	snop  }
0x3b: {  	_ = 	snop  }
0x3c: {  	p2 =	seq.s32 s10, $0x1;
	s10 =	sld [smem:$0x3FAF]  }
0x3d: {  	_ =	shalt  }
0x3e: {  	_ =	shalt  }
0x3f: {  	_ =	shalt  }
0x40: {  	_ =	shalt  }
0x41: {  	_ =	shalt  }
0x42: {  	_ =	shalt  }
0x43: {  	_ =	shalt  }
0x44: {  	_ =	shalt  }
0x45: {  	_ =	shalt  }
0x46: {  	_ =	shalt  }
0x47: {  	_ =	shalt  }
0x48: {  	_ =	shalt  }
0x49: {  	_ =	shalt  }
0x4a: {  	_ =	shalt  }
0x4b: {  	_ =	shalt  }
0x4c: {  	_ =	shalt  }
0x4d: {  	_ =	shalt  }
0x4e: {  	_ =	shalt  }
0x4f: {  	_ =	shalt  }
0x50: {  	_ =	shalt  }
0x51: {  	_ =	shalt  }
0x52: {  	_ =	shalt  }
0x53: {  	_ =	shalt  }
0x54: {  	_ =	shalt  }
0x55: {  	_ =	shalt  }
0x56: {  	_ =	shalt  }
0x57: {  	_ =	shalt  }
0x58: {  	_ =	shalt  }
0x59: {  	_ =	shalt  }
0x5a: {  	_ =	shalt  }
0x5b: {  	_ =	shalt  }
0x5c: {  	_ =	shalt  }
0x5d: {  	_ =	shalt  }
0x5e: {  	_ =	shalt  }
0x5f: {  	_ =	shalt  }
0x60: {  	_ =	shalt  }
0x61: {  	_ =	shalt  }
0x62: {  	_ =	shalt  }
0x63: {  	_ =	shalt  }
0x64: {  	_ =	shalt  }
0x65: {  	_ =	shalt  }
0x66: {  	_ =	shalt  }
0x67: {  	_ =	shalt  }
0x68: {  	_ =	shalt  }
0x69: {  	_ =	shalt  }
0x6a: {  	_ =	shalt  }
0x6b: {  	_ =	shalt  }
0x6c: {  	_ =	shalt  }
0x6d: {  	_ =	shalt  }
0x6e: {  	_ =	shalt  }
0x6f: {  	_ =	shalt  }
0x70: {  	_ =	shalt  }
0x71: {  	_ =	shalt  }
0x72: {  	_ =	shalt  }
0x73: {  	_ =	shalt  }
0x74: {  	_ =	shalt  }
0x75: {  	_ =	shalt  }
0x76: {  	_ =	shalt  }
0x77: {  	_ =	shalt  }
0x78: {  	_ =	shalt  }
0x79: {  	_ =	shalt  }
0x7a: {  	_ =	shalt  }
0x7b: {  	_ =	shalt  }
0x7c: {  	_ =	shalt  }
0x7d: {  	_ =	shalt  }
0x7e: {  	_ =	shalt  }
0x7f: {  	_ =	shalt  }
0x80: {  	_ =	shalt  }
0x81: {  	_ =	shalt  }
0x82: {  	_ =	shalt  }
0x83: {  	_ =	shalt  }
0x84: {  	_ =	shalt  }
0x85: {  	_ =	shalt  }
0x86: {  	_ =	shalt  }
0x87: {  	_ =	shalt  }
.Lfunc_end0:
.L_simem_size_0:
called_computation.1_lowered:
.L_overlay_start_0:
0x88: {  	s2 =	sld [smem:$0x3FD9]  }
0x89: {  	s3 =	sld [smem:$0x3FFE];
	_ =	sdelay $0x1  }
0x8a: {  	s1 =	srdreg.scid  }
0x8b: {  	s0 =	sand.u32 $0x1, s1  }
0x8c: {  	s17 =	sshll.u32 s0, $0xA;
	s2 =	sadd.s32 s3, s2  }
0x8d: {  	s2 =	sadd.s32 s2, s17  }
0x8e: {  	[smem:$0x3FBB] =	sst s2  }
0x8f: {  	_ = 	snop  }
0x90: {  	s2 =	sld [smem:$0x3FC8];
	(tm) =	ssettm $0x1  }
0x91: {  	s18 =	sld [smem:$0x3FFB];
	_ =	sdelay $0x3  }
0x92: {  	_ =	strace s18  }
0x93: {  	s3 =	sld [smem:$0x3FFC];
	_ =	sdelay $0x3  }
0x94: {  	_ =	strace s3  }
0x95: {  	s3 =	sld [smem:$0x3FFD];
	_ =	sdelay $0x3  }
0x96: {  	_ =	strace s3  }
0x97: {  	_ =	strace $0x8FFFFFFF  }
0x98: {  	s19 =	sld [smem:$0x3FDB];
	_ =	sdelay $0x1  }
0x99: {  	s4 =	simm.s32 $_scs_section_size  }
0x9a: {  	s5 =	simm.s32 $_size__tile_overlayer_lowered;
	s6 =	simm.s32 $_tile_overlayer_lowered  }
0x9b: {  	s22 =	simm.s32 $0x1BFF;
	s21 =	sshll.u32 s6, $0x1;
	s3 =	sadd.s32 s4, s19  }
0x9c: {  	s7 =	simm.s32 $0x0;
	s20 =	sshll.u32 s5, $0x1;
	s5 =	sadd.s32 s21, s3  }
0x9d: {  	[timem:s7], [sflag:s22] =	dma.local [hbm:s5], s20  }
0x9e: {  	_ =	swait.ge [sflag:s22], s20  }
0x9f: {  	s4 =	ssub.s32 $0x0, s20;
	[sflag:s22] =	ssyncset.done $0x0  }
0xa0: {  	[sflag:s22] =	ssyncadd.s32 s4;
	_ =	sdelay $0x1  }
0xa1: {  	s23 =	simm.s32 $0x1B8B  }
0xa2: {  	_ =	swait.ge [sflag:s23], $0x1  }
0xa3: {  	[sflag:s23] =	ssyncset.done $0x0  }
0xa4: {  	s25 =	simm.s32 $0x1B8E;
	s24 =	sld [smem:$0x3FFE];
	[sflag:s23] =	ssyncadd.s32 $0xFFFFFFFF  }
0xa5: {  	s26 =	simm.s32 $execute0_lowered;
	[smem:$0x3FD2] =	sst s25  }
0xa6: {  	s5 =	sshll.u32 s26, $0x1;
	_ =	strace $0x80000049;
	[dreg:$0x1] =	wrdreg $0xFFFFFFFF  }
0xa7: {  	s28 =	simm.s32 $_size_execute0_lowered;
	s3 =	sadd.s32 s3, s5;
	[dreg:$0x0] =	wrdreg $0x0  }
0xa8: {  	s5 =	sshll.u32 s28, $0x1;
	[dreg:$0x2] =	wrdreg s3  }
0xa9: {  	[dreg:$0x3] =	wrdreg s5  }
0xaa: {  	[dreg:$0x4] =	wrdreg $0xC0  }
0xab: {  	_ =	task [dreg:s7], $0x5FFFF  }
0xac: {  	[dreg:$0x1] =	wrdreg $0xFFFFFFFF  }
0xad: {  	[dreg:$0x0] =	wrdreg $0x60  }
0xae: {  	[dreg:$0x2] =	wrdreg s24  }
0xaf: {  	[dreg:$0x3] =	wrdreg s2  }
0xb0: {  	[dreg:$0x4] =	wrdreg $0xA8000  }
0xb1: {  	[dreg:$0x5] =	wrdreg $0x9  }
0xb2: {  	_ =	task.clear_ibuf [dreg:s7], $0x6FFFF;
	_ =	strace $0x90000049  }
0xb3: {  	s29 =	simm.s32 $0x9;
	_ =	strace $0x8000004B  }
0xb4: {  	_ =	swait.ge [sflag:s29], $0x1  }
0xb5: {  	[sflag:s29] =	ssyncadd.s32 $0xFFFFFFFF  }
0xb6: {  	_ =	strace $0x9000004B  }
0xb7: {  	_ =	sfence  }
0xb8: {  	s30 =	sld [smem:$0x0];
	_ =	sdelay $0x2  }
0xb9: {  	s31 =	sshll.u32 s1, $0xD;
	s1 =	sshrl.u32 s1, $0x2  }
0xba: {  	s3 =	sand.u32 $0x4000, s31;
	s1 =	sadd.s32 s1, s30  }
0xbb: {  	s0 =	sor.u32 s3, s0;
	s1 =	sshll.u32 s1, $0x11  }
0xbc: {  	s0 =	sor.u32 s1, s0  }
0xbd: {  	s0 =	sadd.s32 $0x8F2B, s0  }
0xbe: {  	[sflag:s0] =	ssyncadd.remote.s32 $0x1  }
0xbf: {  	_ =	sfence.sel $0xFFFF  }
0xc0: {  	[dreg:$0x0] =	wrdreg $0xFFFFFFFF;
	(pc) =	sbr.abs _section_cstart, $3  }
0xc1: {  	[dreg:$0x1] =	wrdreg $0xFFFFFFFF  }
0xc2: {  	_ =	task.clear_ibuf [dreg:s7], $0x2FFFF;
	_ =	strace $0x9FFFFFFF  }
0xc3: {  	(tm) =	ssettm $0x7FFFFFFF  }
tec
execute0_lowered:
.L_overlay_start_1:
0x0: {  	(tag) =	ssettag $0x1  }
0x1: {  	s6 =	rddreg [dreg:$0x0]  }
0x2: {  	s7 =	rddreg [dreg:$0x1]  }
0x3: {  	s2 =	rddreg [dreg:$0x2]  }
0x4: {  	s0 =	rddreg [dreg:$0x3]  }
0x5: {  	s4 =	srdreg.scid;
	s1 =	stileid.u32;
	s3 =	simm.s32 $0x0  }
0x6: {  	s14 =	simm.s32 $0x80;
	s15 =	simm.s32 $0x2800;
	s16 =	simm.s32 $0x1  }
0x7: {  	s17 =	simm.s32 $0x6800;
	s18 =	simm.s32 $0x2;
	s19 =	simm.s32 $0x2700  }
0x8: {  	s20 =	simm.s32 $0x2680;
	s21 =	simm.s32 $0x2780;
	s22 =	simm.s32 $0x200  }
0x9: {  	s8 =	sand.u32 $0x1, s4;
	s9 =	smul.u32 $0x13880, s1;
	[smem:$0x7FF] =	sst s3  }
0xa: {  	s4 =	sadd.s32 $0x5A00, s6;
	s5 =	sadd.s32 $0x3200, s6;
	s28 =	sshll.u32 s1, $0x6  }
0xb: {  	s31 =	sshll.u32 s1, $0x5;
	s10 =	smul.u32 $0x138800, s8;
	s11 =	sshll.u32 s8, $0x4  }
0xc: {  	_ =	strace $0x8000004A;
	s8 =	ssub.s32 $0x2, s8;
	s23 =	sor.u32 s1, s11  }
0xd: {  	s26 =	sshrl.u32 s8, $0x1;
	s13 =	sadd.s32 s9, s2;
	s11 =	smul.u32 $0x4E00, s23  }
0xe: {  	s10 =	sadd.s32 s9, s10;
	s12 =	ssub.s32 s8, s26;
	s29 =	smul.u32 $0x9C0, s23  }
0xf: {  	p0 =	sgt.u32 s23, $0x3;
	s23 =	simm.s32 $0x0;
	s10 =	sshrl.u32 s10, $0x3  }
0x10: {  	s10 =	sadd.s32 s10, s6;
	s30 =	sshrl.u32 s11, $0x3;
	s6 =	sor.u32 $0x1C03, s28  }
0x11: {  	s11 =	sadd.s32 s31, s7;
	s9 =	sadd.s32 s7, s30;
	s7 =	sadd.s32 s7, s29  }
0x12: {  	s10 =	sadd.s32 $0x2CC00, s10;
	s8 =	sadd.s32 $0x4C0, s9;
	s9 =	sadd.s32 $0x13800, s11  }
0x13: {  	s11 =	smax.u32 s12, $0x1;
	s12 =	sshrl.u32 s13, $0x3;
	s13 =	simm.s32 $0x3  }
.LBB2_1:
0x14: {  	[spmem:s12], [sflag:s6] =	dma.local [hbm:s5], $0x2710  }
0x15: {  	_ =	swait.ge [sflag:s13], $0x2710  }
0x16: {  	[sflag:s13] =	ssyncset.done $0x0  }
0x17: {  	[sflag:s13] =	ssyncadd.s32 $0xFFFFD8F0  }
0x18: {  	[bflag:$0x0] =	sbarrier.arrive $0xFFFF  }
0x19: {  	[tilespmem:s3], [sflag:$0x3] =	stream.linear.gather [hbm4b:s7+s3], $0x2800, $0x38;
	[tilespmem:$0x1E080] =	vst v63  }
0x1a: {  	_ =	swait.ge [sflag:s13], $0x2800  }
0x1b: {  	[sflag:s13] =	ssyncset.done $0x0  }
0x1c: {  	[sflag:s13] =	ssyncadd.s32 $0xFFFFD800  }
0x1d: {  	[tilespmem:s15], [sflag:$0x1] =	stream.indirect.gather [hbm4b:s4+s14], $0x80, s3, s14, $0xb8;
	[tilespmem:$0x1E080] =	vst v63  }
0x1e: {  	_ =	swait.ge [sflag:s16], $0x4000  }
0x1f: {  	[sflag:s16] =	ssyncset.done $0x0  }
0x20: {  	s24 =	simm.s32 $0x100;
	[sflag:s16] =	ssyncadd.s32 $0xFFFFC000  }
0x21: {  	[tilespmem:s17], [sflag:$0x2] =	stream.indirect.gather [hbm4b:s4+s14], $0x80, s24, s14, $0xb8;
	[tilespmem:$0x1E080] =	vst v63  }
0x22: {  	s29 =	simm.s32 $0x80  }
0x23: {  	[spmem:s2] =	stream.indirect.scatter.add.f32 [tilespmem:s15], [sflag:$0x3], $0x80, s29, s14, $0xb8;
	[tilespmem:$0x1E080] =	vst v63  }
0x24: {  	_ =	swait.ge [sflag:s13], $0x4000  }
0x25: {  	[sflag:s13] =	ssyncset.done $0x0  }
0x26: {  	[sflag:s13] =	ssyncadd.s32 $0xFFFFC000  }
0x27: {  	_ =	swait.ge [sflag:s18], $0x4000  }
0x28: {  	[sflag:s18] =	ssyncset.done $0x0  }
0x29: {  	s30 =	simm.s32 $0x200;
	[sflag:s18] =	ssyncadd.s32 $0xFFFFC000  }
0x2a: {  	[tilespmem:s15], [sflag:$0x1] =	stream.indirect.gather [hbm4b:s4+s14], $0x80, s30, s14, $0xb8;
	[tilespmem:$0x1E080] =	vst v63  }
0x2b: {  	s31 =	simm.s32 $0x180  }
0x2c: {  	[spmem:s2] =	stream.indirect.scatter.add.f32 [tilespmem:s17], [sflag:$0x3], $0x80, s31, s14, $0xb8;
	[tilespmem:$0x1E080] =	vst v63  }
0x2d: {  	_ =	swait.ge [sflag:s13], $0x4000  }
0x2e: {  	s24 =	simm.s32 $0xFFFF7000;
	[sflag:s13] =	ssyncset.done $0x0  }
.LBB2_2:
0x2f: {  	p1 =	sne.s32 s24, $0xFFFFF800  }
0x30: {  	[sflag:s13] =	ssyncadd.s32 $0xFFFFC000;
	s25 =	smov.u32 s24;
	s24 =	sadd.s32 $0x800, s24  }
0x31: {  	_ = 	snop  }
0x32: {  	_ =	swait.ge [sflag:s16], $0x4000  }
0x33: {  	s25 =	sshra.s32 s25, $0x2;
	[sflag:s16] =	ssyncset.done $0x0  }
0x34: {  	s26 =	sadd.s32 $0x2700, s25;
	[sflag:s16] =	ssyncadd.s32 $0xFFFFC000  }
0x35: {  	[tilespmem:s17], [sflag:$0x2] =	stream.indirect.gather [hbm4b:s4+s14], $0x80, s26, s14, $0xb8;
	[tilespmem:$0x1E080] =	vst v63  }
0x36: {  	s26 =	sadd.s32 $0x2680, s25  }
0x37: {  	[spmem:s2] =	stream.indirect.scatter.add.f32 [tilespmem:s15], [sflag:$0x3], $0x80, s26, s14, $0xb8;
	[tilespmem:$0x1E080] =	vst v63  }
0x38: {  	_ =	swait.ge [sflag:s13], $0x4000  }
0x39: {  	[sflag:s13] =	ssyncset.done $0x0  }
0x3a: {  	[sflag:s13] =	ssyncadd.s32 $0xFFFFC000  }
0x3b: {  	_ =	swait.ge [sflag:s18], $0x4000  }
0x3c: {  	[sflag:s18] =	ssyncset.done $0x0  }
0x3d: {  	s26 =	sadd.s32 $0x2800, s25;
	[sflag:s18] =	ssyncadd.s32 $0xFFFFC000  }
0x3e: {  	[tilespmem:s15], [sflag:$0x1] =	stream.indirect.gather [hbm4b:s4+s14], $0x80, s26, s14, $0xb8;
	[tilespmem:$0x1E080] =	vst v63  }
.Ltmp0:
0x3f: {  	_ = 	snop;
	(pc) =	sbr.rel @p1 .LBB2_2-.Ltmp0, $4  }
0x40: {  	s25 =	sadd.s32 $0x2780, s25  }
0x41: {  	[spmem:s2] =	stream.indirect.scatter.add.f32 [tilespmem:s17], [sflag:$0x3], $0x80, s25, s14, $0xb8;
	[tilespmem:$0x1E080] =	vst v63  }
0x42: {  	_ =	swait.ge [sflag:s13], $0x4000  }
0x43: {  	[sflag:s13] =	ssyncset.done $0x0  }
0x44: {  	[sflag:s13] =	ssyncadd.s32 $0xFFFFC000  }
0x45: {  	_ =	swait.ge [sflag:s16], $0x4000  }
0x46: {  	[sflag:s16] =	ssyncset.done $0x0  }
0x47: {  	[sflag:s16] =	ssyncadd.s32 $0xFFFFC000  }
0x48: {  	[tilespmem:s17], [sflag:$0x2] =	stream.indirect.gather [hbm4b:s4+s14], $0x80, s19, s14, $0xb8;
	[tilespmem:$0x1E080] =	vst v63  }
0x49: {  	_ = 	snop  }
0x4a: {  	[spmem:s2] =	stream.indirect.scatter.add.f32 [tilespmem:s15], [sflag:$0x3], $0x80, s20, s14, $0xb8;
	[tilespmem:$0x1E080] =	vst v63  }
0x4b: {  	_ =	swait.ge [sflag:s13], $0x4000  }
0x4c: {  	[sflag:s13] =	ssyncset.done $0x0  }
0x4d: {  	[sflag:s13] =	ssyncadd.s32 $0xFFFFC000  }
0x4e: {  	_ =	swait.ge [sflag:s18], $0x4000  }
0x4f: {  	[sflag:s18] =	ssyncset.done $0x0  }
0x50: {  	[sflag:s18] =	ssyncadd.s32 $0xFFFFC000  }
0x51: {  	[spmem:s2] =	stream.indirect.scatter.add.f32 [tilespmem:s17], [sflag:$0x3], $0x80, s21, s14, $0xb8;
	[tilespmem:$0x1E080] =	vst v63  }
0x52: {  	_ =	swait.ge [sflag:s13], $0x4000  }
0x53: {  	[sflag:s13] =	ssyncset.done $0x0  }
0x54: {  	[sflag:s13] =	ssyncadd.s32 $0xFFFFC000  }
0x55: {  	[tilespmem:s3], [sflag:$0x3] =	stream.linear.gather [hbm4b:s8+s3], $0x2800, $0x38;
	[tilespmem:$0x1E080] =	vst v63  }
0x56: {  	_ =	swait.ge [sflag:s13], $0x2800  }
0x57: {  	[sflag:s13] =	ssyncset.done $0x0  }
0x58: {  	[sflag:s13] =	ssyncadd.s32 $0xFFFFD800  }
0x59: {  	[tilespmem:s15], [sflag:$0x1] =	stream.indirect.gather [hbm4b:s4+s14], $0x80, s22, s14, $0xb8;
	[tilespmem:$0x1E080] =	vst v63  }
0x5a: {  	_ =	swait.ge [sflag:s16], $0x4000  }
0x5b: {  	[sflag:s16] =	ssyncset.done $0x0  }
0x5c: {  	s24 =	simm.s32 $0x300;
	[sflag:s16] =	ssyncadd.s32 $0xFFFFC000  }
0x5d: {  	[tilespmem:s17], [sflag:$0x2] =	stream.indirect.gather [hbm4b:s4+s14], $0x80, s24, s14, $0xb8;
	[tilespmem:$0x1E080] =	vst v63  }
0x5e: {  	s29 =	simm.s32 $0x280  }
0x5f: {  	[spmem:s2] =	stream.indirect.scatter.add.f32 [tilespmem:s15], [sflag:$0x3], $0x80, s29, s14, $0xb8;
	[tilespmem:$0x1E080] =	vst v63  }
0x60: {  	_ =	swait.ge [sflag:s13], $0x4000  }
0x61: {  	[sflag:s13] =	ssyncset.done $0x0  }
0x62: {  	[sflag:s13] =	ssyncadd.s32 $0xFFFFC000  }
0x63: {  	_ =	swait.ge [sflag:s18], $0x4000  }
0x64: {  	[sflag:s18] =	ssyncset.done $0x0  }
0x65: {  	s30 =	simm.s32 $0x400;
	[sflag:s18] =	ssyncadd.s32 $0xFFFFC000  }
0x66: {  	[tilespmem:s15], [sflag:$0x1] =	stream.indirect.gather [hbm4b:s4+s14], $0x80, s30, s14, $0xb8;
	[tilespmem:$0x1E080] =	vst v63  }
0x67: {  	s31 =	simm.s32 $0x380  }
0x68: {  	[spmem:s2] =	stream.indirect.scatter.add.f32 [tilespmem:s17], [sflag:$0x3], $0x80, s31, s14, $0xb8;
	[tilespmem:$0x1E080] =	vst v63  }
0x69: {  	_ =	swait.ge [sflag:s13], $0x4000  }
0x6a: {  	s24 =	simm.s32 $0xFFFF7800;
	[sflag:s13] =	ssyncset.done $0x0  }
.LBB2_4:
0x6b: {  	p1 =	sne.s32 s24, $0xFFFFF800  }
0x6c: {  	[sflag:s13] =	ssyncadd.s32 $0xFFFFC000;
	s25 =	smov.u32 s24;
	s24 =	sadd.s32 $0x800, s24  }
0x6d: {  	_ = 	snop  }
0x6e: {  	_ =	swait.ge [sflag:s16], $0x4000  }
0x6f: {  	s25 =	sshra.s32 s25, $0x2;
	[sflag:s16] =	ssyncset.done $0x0  }
0x70: {  	s26 =	sadd.s32 $0x2700, s25;
	[sflag:s16] =	ssyncadd.s32 $0xFFFFC000  }
0x71: {  	[tilespmem:s17], [sflag:$0x2] =	stream.indirect.gather [hbm4b:s4+s14], $0x80, s26, s14, $0xb8;
	[tilespmem:$0x1E080] =	vst v63  }
0x72: {  	s26 =	sadd.s32 $0x2680, s25  }
0x73: {  	[spmem:s2] =	stream.indirect.scatter.add.f32 [tilespmem:s15], [sflag:$0x3], $0x80, s26, s14, $0xb8;
	[tilespmem:$0x1E080] =	vst v63  }
0x74: {  	_ =	swait.ge [sflag:s13], $0x4000  }
0x75: {  	[sflag:s13] =	ssyncset.done $0x0  }
0x76: {  	[sflag:s13] =	ssyncadd.s32 $0xFFFFC000  }
0x77: {  	_ =	swait.ge [sflag:s18], $0x4000  }
0x78: {  	[sflag:s18] =	ssyncset.done $0x0  }
0x79: {  	s26 =	sadd.s32 $0x2800, s25;
	[sflag:s18] =	ssyncadd.s32 $0xFFFFC000  }
0x7a: {  	[tilespmem:s15], [sflag:$0x1] =	stream.indirect.gather [hbm4b:s4+s14], $0x80, s26, s14, $0xb8;
	[tilespmem:$0x1E080] =	vst v63  }
.Ltmp1:
0x7b: {  	_ = 	snop;
	(pc) =	sbr.rel @p1 .LBB2_4-.Ltmp1, $4  }
0x7c: {  	s25 =	sadd.s32 $0x2780, s25  }
0x7d: {  	[spmem:s2] =	stream.indirect.scatter.add.f32 [tilespmem:s17], [sflag:$0x3], $0x80, s25, s14, $0xb8;
	[tilespmem:$0x1E080] =	vst v63  }
0x7e: {  	_ =	swait.ge [sflag:s13], $0x4000  }
0x7f: {  	[sflag:s13] =	ssyncset.done $0x0  }
0x80: {  	[sflag:s13] =	ssyncadd.s32 $0xFFFFC000  }
0x81: {  	_ =	swait.ge [sflag:s16], $0x4000  }
0x82: {  	[sflag:s16] =	ssyncset.done $0x0  }
0x83: {  	[sflag:s16] =	ssyncadd.s32 $0xFFFFC000  }
0x84: {  	[tilespmem:s17], [sflag:$0x2] =	stream.indirect.gather [hbm4b:s4+s14], $0x80, s19, s14, $0xb8;
	[tilespmem:$0x1E080] =	vst v63  }
0x85: {  	_ = 	snop  }
0x86: {  	[spmem:s2] =	stream.indirect.scatter.add.f32 [tilespmem:s15], [sflag:$0x3], $0x80, s20, s14, $0xb8;
	[tilespmem:$0x1E080] =	vst v63  }
0x87: {  	_ =	swait.ge [sflag:s13], $0x4000  }
0x88: {  	[sflag:s13] =	ssyncset.done $0x0  }
0x89: {  	[sflag:s13] =	ssyncadd.s32 $0xFFFFC000  }
0x8a: {  	_ =	swait.ge [sflag:s18], $0x4000  }
0x8b: {  	[sflag:s18] =	ssyncset.done $0x0  }
0x8c: {  	[sflag:s18] =	ssyncadd.s32 $0xFFFFC000  }
0x8d: {  	[spmem:s2] =	stream.indirect.scatter.add.f32 [tilespmem:s17], [sflag:$0x3], $0x80, s21, s14, $0xb8;
	[tilespmem:$0x1E080] =	vst v63  }
0x8e: {  	_ =	swait.ge [sflag:s13], $0x4000  }
0x8f: {  	[sflag:s13] =	ssyncset.done $0x0  }
0x90: {  	s24 =	simm.s32 @!p0 $0x0;
	s25 =	simm.s32 @!p0 $0x3;
	[sflag:s13] =	ssyncadd.s32 $0xFFFFC000  }
0x91: {  	[tilespmem:s24], [sflag:$0x3] =	stream.linear.gather @!p0 [hbm4b:s9+s24], $0x100, $0x38;
	[tilespmem:$0x1E080] =	vst v63  }
0x92: {  	_ =	swait.ge @!p0 [sflag:s25], $0x100  }
0x93: {  	[sflag:s25] =	ssyncset.done @!p0 $0x0  }
0x94: {  	s26 =	simm.s32 @!p0 $0x80;
	s28 =	simm.s32 @!p0 $0x2800;
	[sflag:s25] =	ssyncadd.s32 @!p0 $0xFFFFFF00  }
0x95: {  	[tilespmem:s28], [sflag:$0x1] =	stream.indirect.gather @!p0 [hbm4b:s4+s26], $0x80, s24, s26, $0xb8;
	[tilespmem:$0x1E080] =	vst v63  }
0x96: {  	s24 =	simm.s32 @!p0 $0x1  }
0x97: {  	_ =	swait.ge @!p0 [sflag:s24], $0x4000  }
0x98: {  	[sflag:s24] =	ssyncset.done @!p0 $0x0  }
0x99: {  	[sflag:s24] =	ssyncadd.s32 @!p0 $0xFFFFC000  }
0x9a: {  	[spmem:s2] =	stream.indirect.scatter.add.f32 @!p0 [tilespmem:s28], [sflag:$0x3], $0x80, s26, s26, $0xb8;
	[tilespmem:$0x1E080] =	vst v63  }
0x9b: {  	_ =	swait.ge @!p0 [sflag:s25], $0x4000  }
0x9c: {  	s23 =	sadd.s32 $0x1, s23;
	[sflag:s25] =	ssyncset.done @!p0 $0x0  }
0x9d: {  	p1 =	sne.s32 s23, s11;
	[sflag:s25] =	ssyncadd.s32 @!p0 $0xFFFFC000  }
.Ltmp2:
0x9e: {  	[bflag:$0x0] =	sbarrier.arrive $0xFFFF;
	(pc) =	sbr.rel @p1 .LBB2_1-.Ltmp2, $4  }
0x9f: {  	[hbm:s10], [sflag:s6] =	dma.local [spmem:s12], $0x2710  }
0xa0: {  	_ =	swait.ge [sflag:s13], $0x2710  }
0xa1: {  	[sflag:s13] =	ssyncset.done $0x0  }
0xa2: {  	[sflag:s13] =	ssyncadd.s32 $0xFFFFD8F0  }
0xa3: {  	_ =	sfence.sel $0x180000  }
0xa4: {  	[bflag:$0x0] =	sbarrier.arrive $0xFFFF  }
0xa5: {  	p0 =	sne.s32 s1, $0x0;
	_ =	strace $0x9000004A  }
0xa6: {  	s0 =	sadd.s32 @!p0 $0x100000, s0;
	[bflag:$0x2] =	sbarrier.arrive $0xFFFF  }
0xa7: {  	[sflag:s0] =	ssyncadd.tile.s32 @!p0 $0x1;
	_ =	shalt  }
.Lfunc_end2:
_tile_overlayer_lowered:
.L_overlay_start_2:
0xa8: {  	(tag) =	ssettag $0x2  }
0xa9: {  	s0 =	rddreg [dreg:$0x0];
	s2 =	stileid.u32  }
0xaa: {  	s1 =	rddreg [dreg:$0x1];
	p0 =	sne.s32 s2, $0x0  }
0xab: {  	s3 =	rddreg [dreg:$0x2];
	[bflag:$0x3] =	sbarrier.arrive $0xFFFF;
	s2 =	simm.s32 @!p0 $0x1C03  }
0xac: {  	[timem:s3], [sflag:s2] =	dma.local @!p0 [hbm:s0], s1  }
0xad: {  	s0 =	simm.s32 @!p0 $0x3  }
0xae: {  	_ =	swait.ge @!p0 [sflag:s0], s1  }
0xaf: {  	s1 =	ssub.s32 @!p0 $0x0, s1;
	[sflag:s0] =	ssyncset.done @!p0 $0x0  }
0xb0: {  	[sflag:s0] =	ssyncadd.s32 @!p0 s1  }
0xb1: {  	[bflag:$0x3] =	sbarrier.arrive $0xFFFF  }
0xb2: {  	_ =	shalt  }

</sc_bundles>
